<compile_context>
chip_gen: v7x
topology: tpu7x:2x2x1
jax: 0.10.2.dev20260603
libtpu: 0.0.44.dev20260713+nightly
codegen_flags: <defaults>
</compile_context>

<pallas_src>
import jax
import jax.numpy as jnp
from jax import lax
from jax.experimental import pallas as pl
from jax.experimental.pallas import tpu as pltpu
from jax.experimental.pallas import tpu_sc as plsc

NC = 2
NS = 16
L = 16
NW = NC * NS

B = 16384
N = 128
BPW = B // NW
CH = 64
NCH = BPW // CH
NBUF = 4
UNR = 2


def _sc_body(x_hbm, ids_hbm, c_hbm, out_hbm, idx_v, rows_v, x_v, out_v,
             sems_g, sems_x):
    wid = lax.axis_index("s") * NC + lax.axis_index("c")
    base = wid * BPW
    pltpu.async_copy(x_hbm.at[pl.ds(base, CH)], x_v.at[0], sems_x.at[0])
    pltpu.sync_copy(ids_hbm.at[pl.ds(base, BPW)], idx_v)
    lane = lax.iota(jnp.int32, L)

    def start(c, first=False):
        s = c % NBUF
        pltpu.async_copy(c_hbm.at[idx_v.at[pl.ds(c * CH, CH)]],
                         rows_v.at[s], sems_g.at[s])
        if not first:
            pltpu.async_copy(x_hbm.at[pl.ds(base + c * CH, CH)],
                             x_v.at[s], sems_x.at[s])

    def wait(c):
        s = c % NBUF
        pltpu.make_async_copy(c_hbm.at[idx_v.at[pl.ds(c * CH, CH)]],
                              rows_v.at[s], sems_g.at[s]).wait()
        pltpu.make_async_copy(x_hbm.at[pl.ds(base + c * CH, CH)],
                              x_v.at[s], sems_x.at[s]).wait()

    start(0, first=True)
    for c in range(NCH):
        if c + 1 < NCH:
            start(c + 1)
        wait(c)
        s = c % NBUF

        @plsc.parallel_loop(0, CH, unroll=UNR)
        def row_body(r):
            parts = [rows_v[s, r, pl.ds(k * L, L)]
                     * x_v[s, r, pl.ds(k * L, L)]
                     for k in range(N // L)]
            while len(parts) > 1:
                parts = [parts[i] + parts[i + 1]
                         for i in range(0, len(parts), 2)]
            v = parts[0]
            for sh in (1, 2, 4, 8):
                v = v + v.at[lane ^ sh].get(mode="promise_in_bounds")
            plsc.store_scatter(out_v,
                               [jnp.full((L,), c * CH, jnp.int32) + r],
                               v, mask=lane == 0)

    pltpu.sync_copy(out_v, out_hbm.at[pl.ds(base, BPW)])


def kernel(x, task_ids, C):
    mesh = plsc.VectorSubcoreMesh(core_axis_name="c", subcore_axis_name="s",
                                  num_cores=NC, num_subcores=NS)
    return pl.kernel(
        _sc_body,
        out_type=jax.ShapeDtypeStruct((B,), jnp.float32),
        mesh=mesh,
        compiler_params=pltpu.CompilerParams(needs_layout_passes=False),
        scratch_types=[
            pltpu.VMEM((BPW,), jnp.int32),
            pltpu.VMEM((NBUF, CH, N), jnp.float32),
            pltpu.VMEM((NBUF, CH, N), jnp.float32),
            pltpu.VMEM((BPW,), jnp.float32),
            pltpu.SemaphoreType.DMA((NBUF,)),
            pltpu.SemaphoreType.DMA((NBUF,)),
        ],
    )(x, task_ids.astype(jnp.int32), C)

# --- scband reference (transcript-rebuilt; emitter-appended) ---
"""Pipeline reference for scband-linear-network-69037304316476 (READ-ONLY COPY).

The authoritative reference and input builder live on the scoring server;
editing this copy changes nothing except your own understanding.
"""

import jax, jax.numpy as jnp
import numpy as np

NUM_TASKS = 100000
N = 128
BATCH = 16384

def setup_inputs(seed: int = 0) -> dict:
    key = jax.random.key(seed)
    k1, k2, k3 = jax.random.split(key, 3)
    x = jax.random.normal(k1, (BATCH, N), dtype=jnp.float32)
    task_ids = jax.random.randint(k2, (BATCH,), 0, NUM_TASKS, dtype=jnp.int64 if jax.config.jax_enable_x64 else jnp.int32)
    # lecun_normal on param shape (num_tasks, n): fan_in = shape[-2] = num_tasks
    std = 1.0 / np.sqrt(NUM_TASKS)
    C = jax.random.normal(k3, (NUM_TASKS, N), dtype=jnp.float32) * std
    return {"x": x, "task_ids": task_ids, "C": C}

def reference(x, task_ids, C):
    # Gather per-task linear weights, elementwise product with x, reduce over feature dim
    rows = jnp.take(C, task_ids, axis=0)  # [B, n] gather (embedding lookup)
    return (rows * x).sum(axis=1)  # [B]

if __name__ == "__main__":
    import jax
    _d = setup_inputs()
    print(jax.jit(kernel)(*tuple(_d.values())))

</pallas_src>

<mosaic_0001>
#map = affine_map<(d0, d1) -> (0, 0)>
#map1 = affine_map<(d0, d1) -> (0)>
module attributes {stable_mosaic.version = 14 : i64} {
  func.func @_sc_body(%arg0: i32, %arg1: i32, %arg2: memref<16384x128xf32, #tpu.memory_space<hbm>>, %arg3: memref<16384xi32, #tpu.memory_space<hbm>>, %arg4: memref<100000x128xf32, #tpu.memory_space<hbm>>, %arg5: memref<16384xf32, #tpu.memory_space<hbm>>, %arg6: memref<512xi32, #tpu.memory_space<vmem>>, %arg7: memref<4x64x128xf32, #tpu.memory_space<vmem>>, %arg8: memref<4x64x128xf32, #tpu.memory_space<vmem>>, %arg9: memref<512xf32, #tpu.memory_space<vmem>>, %arg10: memref<4x!tpu.dma_semaphore, #tpu.memory_space<semaphore_mem>>, %arg11: memref<4x!tpu.dma_semaphore, #tpu.memory_space<semaphore_mem>>) attributes {dimension_semantics = [#tpu.dimension_semantics<core_parallel>, #tpu.dimension_semantics<subcore_parallel>], iteration_bounds = array<i64: 2, 16>, scalar_prefetch = 0 : i64, scratch_operands = 6 : i64, tpu.core_type = #tpu.core_type<sc_vector_subcore>, window_params = [{transform_indices = #map}, {transform_indices = #map1}, {transform_indices = #map}, {transform_indices = #map1}]} {
    %mul3A = arith.constant 2 : i32
    %mul3A_0 = arith.muli %arg1, %mul3A : i32
    %add3A = arith.addi %mul3A_0, %arg0 : i32
    %mul3A_1 = arith.constant 512 : i32
    %mul3A_2 = arith.muli %add3A, %mul3A_1 : i32
    %dma_start3A = arith.constant 0 : i32
    %dma_start3A_3 = arith.constant 0 : i32
    %dma_start3A_4 = arith.constant 0 : i32
    %dma_start3A_5 = arith.constant 0 : i32
    %dma_start3A_6 = tpu.memref_slice %arg8[%dma_start3A, %dma_start3A_4, %dma_start3A_5] : memref<4x64x128xf32, #tpu.memory_space<vmem>> -> memref<1x64x128xf32, #tpu.memory_space<vmem>>
    %dma_start3A_7 = tpu.memref_squeeze %dma_start3A_6 : memref<1x64x128xf32, #tpu.memory_space<vmem>> -> memref<64x128xf32, #tpu.memory_space<vmem>>
    %dma_start3A_8 = arith.constant 0 : i32
    %dma_start3A_9 = tpu.memref_slice %arg2[%mul3A_2, %dma_start3A_8] : memref<16384x128xf32, #tpu.memory_space<hbm>> -> memref<64x128xf32, #tpu.memory_space<hbm>>
    %dma_start3A_10 = tpu.memref_slice %arg11[%dma_start3A_3] : memref<4x!tpu.dma_semaphore, #tpu.memory_space<semaphore_mem>> -> memref<1x!tpu.dma_semaphore, #tpu.memory_space<semaphore_mem>>
    %dma_start3A_11 = tpu.memref_squeeze %dma_start3A_10 : memref<1x!tpu.dma_semaphore, #tpu.memory_space<semaphore_mem>> -> memref<!tpu.dma_semaphore, #tpu.memory_space<semaphore_mem>>
    %dma_start3A_12 = arith.constant 0 : i32
    %dma_start3A_13 = arith.constant 0 : i32
    %dma_start3A_14 = tpu.memref_slice %arg8[%dma_start3A, %dma_start3A_12, %dma_start3A_13] : memref<4x64x128xf32, #tpu.memory_space<vmem>> -> memref<1x64x128xf32, #tpu.memory_space<vmem>>
    %dma_start3A_15 = tpu.memref_squeeze %dma_start3A_14 : memref<1x64x128xf32, #tpu.memory_space<vmem>> -> memref<64x128xf32, #tpu.memory_space<vmem>>
    %dma_start3A_16 = arith.constant 0 : i32
    %dma_start3A_17 = tpu.memref_slice %arg2[%mul3A_2, %dma_start3A_16] : memref<16384x128xf32, #tpu.memory_space<hbm>> -> memref<64x128xf32, #tpu.memory_space<hbm>>
    tpu.enqueue_dma source(%dma_start3A_17 : memref<64x128xf32, #tpu.memory_space<hbm>>) target(%dma_start3A_15 : memref<64x128xf32, #tpu.memory_space<vmem>>) target_semaphore(%dma_start3A_11 : memref<!tpu.dma_semaphore, #tpu.memory_space<semaphore_mem>>)
    "tpu.region"() ({
      %run_scoped3A = tpu.sem_alloc : memref<!tpu.dma_semaphore, #tpu.memory_space<semaphore_mem>>
      %dma_start3A_518 = tpu.memref_slice %arg3[%mul3A_2] : memref<16384xi32, #tpu.memory_space<hbm>> -> memref<512xi32, #tpu.memory_space<hbm>>
      %dma_start3A_519 = tpu.memref_slice %arg3[%mul3A_2] : memref<16384xi32, #tpu.memory_space<hbm>> -> memref<512xi32, #tpu.memory_space<hbm>>
      tpu.enqueue_dma source(%dma_start3A_519 : memref<512xi32, #tpu.memory_space<hbm>>) target(%arg6 : memref<512xi32, #tpu.memory_space<vmem>>) target_semaphore(%run_scoped3A : memref<!tpu.dma_semaphore, #tpu.memory_space<semaphore_mem>>)
      %dma_wait3A_520 = tpu.memref_slice %arg3[%mul3A_2] : memref<16384xi32, #tpu.memory_space<hbm>> -> memref<512xi32, #tpu.memory_space<hbm>>
      %dma_wait3A_521 = tpu.memref_slice %arg3[%mul3A_2] : memref<16384xi32, #tpu.memory_space<hbm>> -> memref<512xi32, #tpu.memory_space<hbm>>
      tpu.wait_dma2 semaphore(%run_scoped3A : memref<!tpu.dma_semaphore, #tpu.memory_space<semaphore_mem>>) src(%dma_wait3A_521 : memref<512xi32, #tpu.memory_space<hbm>>) dst(%arg6 : memref<512xi32, #tpu.memory_space<vmem>>)
      tpu.yield
    }) : () -> ()
    %iota3A = tpu.iota {dimensions = array<i32: 0>} : vector<16xi32>
    %dma_start3A_18 = arith.constant 0 : i32
    %dma_start3A_19 = arith.constant 0 : i32
    %dma_start3A_20 = arith.constant 0 : i32
    %dma_start3A_21 = arith.constant 0 : i32
    %dma_start3A_22 = tpu.memref_slice %arg7[%dma_start3A_18, %dma_start3A_20, %dma_start3A_21] : memref<4x64x128xf32, #tpu.memory_space<vmem>> -> memref<1x64x128xf32, #tpu.memory_space<vmem>>
    %dma_start3A_23 = tpu.memref_squeeze %dma_start3A_22 : memref<1x64x128xf32, #tpu.memory_space<vmem>> -> memref<64x128xf32, #tpu.memory_space<vmem>>
    %dma_start3A_24 = arith.constant 0 : i32
    %dma_start3A_25 = tpu.memref_slice %arg6[%dma_start3A_24] : memref<512xi32, #tpu.memory_space<vmem>> -> memref<64xi32, #tpu.memory_space<vmem>>
    %dma_start3A_26 = arith.constant 0 : i32
    %dma_start3A_27 = arith.constant 0 : i32
    %dma_start3A_28 = tpu.memref_slice %arg4[%dma_start3A_26, %dma_start3A_27] : memref<100000x128xf32, #tpu.memory_space<hbm>> -> memref<100000x128xf32, #tpu.memory_space<hbm>>
    %dma_start3A_29 = tpu.memref_slice %arg10[%dma_start3A_19] : memref<4x!tpu.dma_semaphore, #tpu.memory_space<semaphore_mem>> -> memref<1x!tpu.dma_semaphore, #tpu.memory_space<semaphore_mem>>
    %dma_start3A_30 = tpu.memref_squeeze %dma_start3A_29 : memref<1x!tpu.dma_semaphore, #tpu.memory_space<semaphore_mem>> -> memref<!tpu.dma_semaphore, #tpu.memory_space<semaphore_mem>>
    tpu.enqueue_indirect_dma source(%dma_start3A_28 : memref<100000x128xf32, #tpu.memory_space<hbm>>) target(%dma_start3A_23 : memref<64x128xf32, #tpu.memory_space<vmem>>) offsets(%dma_start3A_25 : memref<64xi32, #tpu.memory_space<vmem>>) semaphore(%dma_start3A_30 : memref<!tpu.dma_semaphore, #tpu.memory_space<semaphore_mem>>)
    %dma_start3A_31 = arith.constant 1 : i32
    %dma_start3A_32 = arith.constant 1 : i32
    %dma_start3A_33 = arith.constant 0 : i32
    %dma_start3A_34 = arith.constant 0 : i32
    %dma_start3A_35 = tpu.memref_slice %arg7[%dma_start3A_31, %dma_start3A_33, %dma_start3A_34] : memref<4x64x128xf32, #tpu.memory_space<vmem>> -> memref<1x64x128xf32, #tpu.memory_space<vmem>>
    %dma_start3A_36 = tpu.memref_squeeze %dma_start3A_35 : memref<1x64x128xf32, #tpu.memory_space<vmem>> -> memref<64x128xf32, #tpu.memory_space<vmem>>
    %dma_start3A_37 = arith.constant 64 : i32
    %dma_start3A_38 = tpu.memref_slice %arg6[%dma_start3A_37] : memref<512xi32, #tpu.memory_space<vmem>> -> memref<64xi32, #tpu.memory_space<vmem>>
    %dma_start3A_39 = arith.constant 0 : i32
    %dma_start3A_40 = arith.constant 0 : i32
    %dma_start3A_41 = tpu.memref_slice %arg4[%dma_start3A_39, %dma_start3A_40] : memref<100000x128xf32, #tpu.memory_space<hbm>> -> memref<100000x128xf32, #tpu.memory_space<hbm>>
    %dma_start3A_42 = tpu.memref_slice %arg10[%dma_start3A_32] : memref<4x!tpu.dma_semaphore, #tpu.memory_space<semaphore_mem>> -> memref<1x!tpu.dma_semaphore, #tpu.memory_space<semaphore_mem>>
    %dma_start3A_43 = tpu.memref_squeeze %dma_start3A_42 : memref<1x!tpu.dma_semaphore, #tpu.memory_space<semaphore_mem>> -> memref<!tpu.dma_semaphore, #tpu.memory_space<semaphore_mem>>
    tpu.enqueue_indirect_dma source(%dma_start3A_41 : memref<100000x128xf32, #tpu.memory_space<hbm>>) target(%dma_start3A_36 : memref<64x128xf32, #tpu.memory_space<vmem>>) offsets(%dma_start3A_38 : memref<64xi32, #tpu.memory_space<vmem>>) semaphore(%dma_start3A_43 : memref<!tpu.dma_semaphore, #tpu.memory_space<semaphore_mem>>)
    %add3A_44 = arith.constant 64 : i32
    %add3A_45 = arith.addi %mul3A_2, %add3A_44 : i32
    %dma_start3A_46 = arith.constant 1 : i32
    %dma_start3A_47 = arith.constant 1 : i32
    %dma_start3A_48 = arith.constant 0 : i32
    %dma_start3A_49 = arith.constant 0 : i32
    %dma_start3A_50 = tpu.memref_slice %arg8[%dma_start3A_46, %dma_start3A_48, %dma_start3A_49] : memref<4x64x128xf32, #tpu.memory_space<vmem>> -> memref<1x64x128xf32, #tpu.memory_space<vmem>>
    %dma_start3A_51 = tpu.memref_squeeze %dma_start3A_50 : memref<1x64x128xf32, #tpu.memory_space<vmem>> -> memref<64x128xf32, #tpu.memory_space<vmem>>
    %dma_start3A_52 = arith.constant 0 : i32
    %dma_start3A_53 = tpu.memref_slice %arg2[%add3A_45, %dma_start3A_52] : memref<16384x128xf32, #tpu.memory_space<hbm>> -> memref<64x128xf32, #tpu.memory_space<hbm>>
    %dma_start3A_54 = tpu.memref_slice %arg11[%dma_start3A_47] : memref<4x!tpu.dma_semaphore, #tpu.memory_space<semaphore_mem>> -> memref<1x!tpu.dma_semaphore, #tpu.memory_space<semaphore_mem>>
    %dma_start3A_55 = tpu.memref_squeeze %dma_start3A_54 : memref<1x!tpu.dma_semaphore, #tpu.memory_space<semaphore_mem>> -> memref<!tpu.dma_semaphore, #tpu.memory_space<semaphore_mem>>
    %dma_start3A_56 = arith.constant 0 : i32
    %dma_start3A_57 = arith.constant 0 : i32
    %dma_start3A_58 = tpu.memref_slice %arg8[%dma_start3A_46, %dma_start3A_56, %dma_start3A_57] : memref<4x64x128xf32, #tpu.memory_space<vmem>> -> memref<1x64x128xf32, #tpu.memory_space<vmem>>
    %dma_start3A_59 = tpu.memref_squeeze %dma_start3A_58 : memref<1x64x128xf32, #tpu.memory_space<vmem>> -> memref<64x128xf32, #tpu.memory_space<vmem>>
    %dma_start3A_60 = arith.constant 0 : i32
    %dma_start3A_61 = tpu.memref_slice %arg2[%add3A_45, %dma_start3A_60] : memref<16384x128xf32, #tpu.memory_space<hbm>> -> memref<64x128xf32, #tpu.memory_space<hbm>>
    tpu.enqueue_dma source(%dma_start3A_61 : memref<64x128xf32, #tpu.memory_space<hbm>>) target(%dma_start3A_59 : memref<64x128xf32, #tpu.memory_space<vmem>>) target_semaphore(%dma_start3A_55 : memref<!tpu.dma_semaphore, #tpu.memory_space<semaphore_mem>>)
    %dma_wait3A = arith.constant 0 : i32
    %dma_wait3A_62 = arith.constant 0 : i32
    %dma_wait3A_63 = arith.constant 0 : i32
    %dma_wait3A_64 = arith.constant 0 : i32
    %dma_wait3A_65 = tpu.memref_slice %arg7[%dma_wait3A, %dma_wait3A_63, %dma_wait3A_64] : memref<4x64x128xf32, #tpu.memory_space<vmem>> -> memref<1x64x128xf32, #tpu.memory_space<vmem>>
    %dma_wait3A_66 = tpu.memref_squeeze %dma_wait3A_65 : memref<1x64x128xf32, #tpu.memory_space<vmem>> -> memref<64x128xf32, #tpu.memory_space<vmem>>
    %dma_wait3A_67 = arith.constant 0 : i32
    %dma_wait3A_68 = tpu.memref_slice %arg6[%dma_wait3A_67] : memref<512xi32, #tpu.memory_space<vmem>> -> memref<64xi32, #tpu.memory_space<vmem>>
    %dma_wait3A_69 = arith.constant 0 : i32
    %dma_wait3A_70 = arith.constant 0 : i32
    %dma_wait3A_71 = tpu.memref_slice %arg4[%dma_wait3A_69, %dma_wait3A_70] : memref<100000x128xf32, #tpu.memory_space<hbm>> -> memref<100000x128xf32, #tpu.memory_space<hbm>>
    %dma_wait3A_72 = tpu.memref_slice %arg10[%dma_wait3A_62] : memref<4x!tpu.dma_semaphore, #tpu.memory_space<semaphore_mem>> -> memref<1x!tpu.dma_semaphore, #tpu.memory_space<semaphore_mem>>
    %dma_wait3A_73 = tpu.memref_squeeze %dma_wait3A_72 : memref<1x!tpu.dma_semaphore, #tpu.memory_space<semaphore_mem>> -> memref<!tpu.dma_semaphore, #tpu.memory_space<semaphore_mem>>
    tpu.wait_indirect_dma semaphore(%dma_wait3A_73 : memref<!tpu.dma_semaphore, #tpu.memory_space<semaphore_mem>>) src(%dma_wait3A_71 : memref<100000x128xf32, #tpu.memory_space<hbm>>) dst(%dma_wait3A_66 : memref<64x128xf32, #tpu.memory_space<vmem>>)
    %add3A_74 = arith.constant 0 : i32
    %add3A_75 = arith.addi %mul3A_2, %add3A_74 : i32
    %dma_wait3A_76 = arith.constant 0 : i32
    %dma_wait3A_77 = arith.constant 0 : i32
    %dma_wait3A_78 = arith.constant 0 : i32
    %dma_wait3A_79 = arith.constant 0 : i32
    %dma_wait3A_80 = tpu.memref_slice %arg8[%dma_wait3A_76, %dma_wait3A_78, %dma_wait3A_79] : memref<4x64x128xf32, #tpu.memory_space<vmem>> -> memref<1x64x128xf32, #tpu.memory_space<vmem>>
    %dma_wait3A_81 = tpu.memref_squeeze %dma_wait3A_80 : memref<1x64x128xf32, #tpu.memory_space<vmem>> -> memref<64x128xf32, #tpu.memory_space<vmem>>
    %dma_wait3A_82 = arith.constant 0 : i32
    %dma_wait3A_83 = tpu.memref_slice %arg2[%add3A_75, %dma_wait3A_82] : memref<16384x128xf32, #tpu.memory_space<hbm>> -> memref<64x128xf32, #tpu.memory_space<hbm>>
    %dma_wait3A_84 = tpu.memref_slice %arg11[%dma_wait3A_77] : memref<4x!tpu.dma_semaphore, #tpu.memory_space<semaphore_mem>> -> memref<1x!tpu.dma_semaphore, #tpu.memory_space<semaphore_mem>>
    %dma_wait3A_85 = tpu.memref_squeeze %dma_wait3A_84 : memref<1x!tpu.dma_semaphore, #tpu.memory_space<semaphore_mem>> -> memref<!tpu.dma_semaphore, #tpu.memory_space<semaphore_mem>>
    %dma_wait3A_86 = arith.constant 0 : i32
    %dma_wait3A_87 = arith.constant 0 : i32
    %dma_wait3A_88 = tpu.memref_slice %arg8[%dma_wait3A_76, %dma_wait3A_86, %dma_wait3A_87] : memref<4x64x128xf32, #tpu.memory_space<vmem>> -> memref<1x64x128xf32, #tpu.memory_space<vmem>>
    %dma_wait3A_89 = tpu.memref_squeeze %dma_wait3A_88 : memref<1x64x128xf32, #tpu.memory_space<vmem>> -> memref<64x128xf32, #tpu.memory_space<vmem>>
    %dma_wait3A_90 = arith.constant 0 : i32
    %dma_wait3A_91 = tpu.memref_slice %arg2[%add3A_75, %dma_wait3A_90] : memref<16384x128xf32, #tpu.memory_space<hbm>> -> memref<64x128xf32, #tpu.memory_space<hbm>>
    tpu.wait_dma2 semaphore(%dma_wait3A_85 : memref<!tpu.dma_semaphore, #tpu.memory_space<semaphore_mem>>) src(%dma_wait3A_91 : memref<64x128xf32, #tpu.memory_space<hbm>>) dst(%dma_wait3A_89 : memref<64x128xf32, #tpu.memory_space<vmem>>)
    %parallel_loop3A = arith.constant 0 : i32
    %parallel_loop3A_92 = arith.constant 64 : i32
    %parallel_loop3A_93 = arith.constant 1 : i32
    scf.for %parallel_loop3A_518 = %parallel_loop3A to %parallel_loop3A_92 step %parallel_loop3A_93  : i32 {
      %parallel_loop3A_519 = arith.constant 0 : i32
      %parallel_loop3A_520 = arith.index_cast %parallel_loop3A_519 : i32 to index
      %parallel_loop3A_521 = arith.index_cast %parallel_loop3A_518 : i32 to index
      %parallel_loop3A_522 = arith.constant 0 : index
      %parallel_loop3A_523 = tpu.vector_load %arg7[%parallel_loop3A_520, %parallel_loop3A_521, %parallel_loop3A_522] {strides = array<i32>} : memref<4x64x128xf32, #tpu.memory_space<vmem>>, vector<16xf32>,
      %parallel_loop3A_524 = arith.constant 0 : i32
      %parallel_loop3A_525 = arith.index_cast %parallel_loop3A_524 : i32 to index
      %parallel_loop3A_526 = arith.index_cast %parallel_loop3A_518 : i32 to index
      %parallel_loop3A_527 = arith.constant 0 : index
      %parallel_loop3A_528 = tpu.vector_load %arg8[%parallel_loop3A_525, %parallel_loop3A_526, %parallel_loop3A_527] {strides = array<i32>} : memref<4x64x128xf32, #tpu.memory_space<vmem>>, vector<16xf32>,
      %parallel_loop3A_529 = arith.mulf %parallel_loop3A_523, %parallel_loop3A_528 : vector<16xf32>
      %parallel_loop3A_530 = arith.constant 0 : i32
      %parallel_loop3A_531 = arith.index_cast %parallel_loop3A_530 : i32 to index
      %parallel_loop3A_532 = arith.index_cast %parallel_loop3A_518 : i32 to index
      %parallel_loop3A_533 = arith.constant 16 : index
      %parallel_loop3A_534 = tpu.vector_load %arg7[%parallel_loop3A_531, %parallel_loop3A_532, %parallel_loop3A_533] {strides = array<i32>} : memref<4x64x128xf32, #tpu.memory_space<vmem>>, vector<16xf32>,
      %parallel_loop3A_535 = arith.constant 0 : i32
      %parallel_loop3A_536 = arith.index_cast %parallel_loop3A_535 : i32 to index
      %parallel_loop3A_537 = arith.index_cast %parallel_loop3A_518 : i32 to index
      %parallel_loop3A_538 = arith.constant 16 : index
      %parallel_loop3A_539 = tpu.vector_load %arg8[%parallel_loop3A_536, %parallel_loop3A_537, %parallel_loop3A_538] {strides = array<i32>} : memref<4x64x128xf32, #tpu.memory_space<vmem>>, vector<16xf32>,
      %parallel_loop3A_540 = arith.mulf %parallel_loop3A_534, %parallel_loop3A_539 : vector<16xf32>
      %parallel_loop3A_541 = arith.constant 0 : i32
      %parallel_loop3A_542 = arith.index_cast %parallel_loop3A_541 : i32 to index
      %parallel_loop3A_543 = arith.index_cast %parallel_loop3A_518 : i32 to index
      %parallel_loop3A_544 = arith.constant 32 : index
      %parallel_loop3A_545 = tpu.vector_load %arg7[%parallel_loop3A_542, %parallel_loop3A_543, %parallel_loop3A_544] {strides = array<i32>} : memref<4x64x128xf32, #tpu.memory_space<vmem>>, vector<16xf32>,
      %parallel_loop3A_546 = arith.constant 0 : i32
      %parallel_loop3A_547 = arith.index_cast %parallel_loop3A_546 : i32 to index
      %parallel_loop3A_548 = arith.index_cast %parallel_loop3A_518 : i32 to index
      %parallel_loop3A_549 = arith.constant 32 : index
      %parallel_loop3A_550 = tpu.vector_load %arg8[%parallel_loop3A_547, %parallel_loop3A_548, %parallel_loop3A_549] {strides = array<i32>} : memref<4x64x128xf32, #tpu.memory_space<vmem>>, vector<16xf32>,
      %parallel_loop3A_551 = arith.mulf %parallel_loop3A_545, %parallel_loop3A_550 : vector<16xf32>
      %parallel_loop3A_552 = arith.constant 0 : i32
      %parallel_loop3A_553 = arith.index_cast %parallel_loop3A_552 : i32 to index
      %parallel_loop3A_554 = arith.index_cast %parallel_loop3A_518 : i32 to index
      %parallel_loop3A_555 = arith.constant 48 : index
      %parallel_loop3A_556 = tpu.vector_load %arg7[%parallel_loop3A_553, %parallel_loop3A_554, %parallel_loop3A_555] {strides = array<i32>} : memref<4x64x128xf32, #tpu.memory_space<vmem>>, vector<16xf32>,
      %parallel_loop3A_557 = arith.constant 0 : i32
      %parallel_loop3A_558 = arith.index_cast %parallel_loop3A_557 : i32 to index
      %parallel_loop3A_559 = arith.index_cast %parallel_loop3A_518 : i32 to index
      %parallel_loop3A_560 = arith.constant 48 : index
      %parallel_loop3A_561 = tpu.vector_load %arg8[%parallel_loop3A_558, %parallel_loop3A_559, %parallel_loop3A_560] {strides = array<i32>} : memref<4x64x128xf32, #tpu.memory_space<vmem>>, vector<16xf32>,
      %parallel_loop3A_562 = arith.mulf %parallel_loop3A_556, %parallel_loop3A_561 : vector<16xf32>
      %parallel_loop3A_563 = arith.constant 0 : i32
      %parallel_loop3A_564 = arith.index_cast %parallel_loop3A_563 : i32 to index
      %parallel_loop3A_565 = arith.index_cast %parallel_loop3A_518 : i32 to index
      %parallel_loop3A_566 = arith.constant 64 : index
      %parallel_loop3A_567 = tpu.vector_load %arg7[%parallel_loop3A_564, %parallel_loop3A_565, %parallel_loop3A_566] {strides = array<i32>} : memref<4x64x128xf32, #tpu.memory_space<vmem>>, vector<16xf32>,
      %parallel_loop3A_568 = arith.constant 0 : i32
      %parallel_loop3A_569 = arith.index_cast %parallel_loop3A_568 : i32 to index
      %parallel_loop3A_570 = arith.index_cast %parallel_loop3A_518 : i32 to index
      %parallel_loop3A_571 = arith.constant 64 : index
      %parallel_loop3A_572 = tpu.vector_load %arg8[%parallel_loop3A_569, %parallel_loop3A_570, %parallel_loop3A_571] {strides = array<i32>} : memref<4x64x128xf32, #tpu.memory_space<vmem>>, vector<16xf32>,
      %parallel_loop3A_573 = arith.mulf %parallel_loop3A_567, %parallel_loop3A_572 : vector<16xf32>
      %parallel_loop3A_574 = arith.constant 0 : i32
      %parallel_loop3A_575 = arith.index_cast %parallel_loop3A_574 : i32 to index
      %parallel_loop3A_576 = arith.index_cast %parallel_loop3A_518 : i32 to index
      %parallel_loop3A_577 = arith.constant 80 : index
      %parallel_loop3A_578 = tpu.vector_load %arg7[%parallel_loop3A_575, %parallel_loop3A_576, %parallel_loop3A_577] {strides = array<i32>} : memref<4x64x128xf32, #tpu.memory_space<vmem>>, vector<16xf32>,
      %parallel_loop3A_579 = arith.constant 0 : i32
      %parallel_loop3A_580 = arith.index_cast %parallel_loop3A_579 : i32 to index
      %parallel_loop3A_581 = arith.index_cast %parallel_loop3A_518 : i32 to index
      %parallel_loop3A_582 = arith.constant 80 : index
      %parallel_loop3A_583 = tpu.vector_load %arg8[%parallel_loop3A_580, %parallel_loop3A_581, %parallel_loop3A_582] {strides = array<i32>} : memref<4x64x128xf32, #tpu.memory_space<vmem>>, vector<16xf32>,
      %parallel_loop3A_584 = arith.mulf %parallel_loop3A_578, %parallel_loop3A_583 : vector<16xf32>
      %parallel_loop3A_585 = arith.constant 0 : i32
      %parallel_loop3A_586 = arith.index_cast %parallel_loop3A_585 : i32 to index
      %parallel_loop3A_587 = arith.index_cast %parallel_loop3A_518 : i32 to index
      %parallel_loop3A_588 = arith.constant 96 : index
      %parallel_loop3A_589 = tpu.vector_load %arg7[%parallel_loop3A_586, %parallel_loop3A_587, %parallel_loop3A_588] {strides = array<i32>} : memref<4x64x128xf32, #tpu.memory_space<vmem>>, vector<16xf32>,
      %parallel_loop3A_590 = arith.constant 0 : i32
      %parallel_loop3A_591 = arith.index_cast %parallel_loop3A_590 : i32 to index
      %parallel_loop3A_592 = arith.index_cast %parallel_loop3A_518 : i32 to index
      %parallel_loop3A_593 = arith.constant 96 : index
      %parallel_loop3A_594 = tpu.vector_load %arg8[%parallel_loop3A_591, %parallel_loop3A_592, %parallel_loop3A_593] {strides = array<i32>} : memref<4x64x128xf32, #tpu.memory_space<vmem>>, vector<16xf32>,
      %parallel_loop3A_595 = arith.mulf %parallel_loop3A_589, %parallel_loop3A_594 : vector<16xf32>
      %parallel_loop3A_596 = arith.constant 0 : i32
      %parallel_loop3A_597 = arith.index_cast %parallel_loop3A_596 : i32 to index
      %parallel_loop3A_598 = arith.index_cast %parallel_loop3A_518 : i32 to index
      %parallel_loop3A_599 = arith.constant 112 : index
      %parallel_loop3A_600 = tpu.vector_load %arg7[%parallel_loop3A_597, %parallel_loop3A_598, %parallel_loop3A_599] {strides = array<i32>} : memref<4x64x128xf32, #tpu.memory_space<vmem>>, vector<16xf32>,
      %parallel_loop3A_601 = arith.constant 0 : i32
      %parallel_loop3A_602 = arith.index_cast %parallel_loop3A_601 : i32 to index
      %parallel_loop3A_603 = arith.index_cast %parallel_loop3A_518 : i32 to index
      %parallel_loop3A_604 = arith.constant 112 : index
      %parallel_loop3A_605 = tpu.vector_load %arg8[%parallel_loop3A_602, %parallel_loop3A_603, %parallel_loop3A_604] {strides = array<i32>} : memref<4x64x128xf32, #tpu.memory_space<vmem>>, vector<16xf32>,
      %parallel_loop3A_606 = arith.mulf %parallel_loop3A_600, %parallel_loop3A_605 : vector<16xf32>
      %parallel_loop3A_607 = arith.addf %parallel_loop3A_529, %parallel_loop3A_540 : vector<16xf32>
      %parallel_loop3A_608 = arith.addf %parallel_loop3A_551, %parallel_loop3A_562 : vector<16xf32>
      %parallel_loop3A_609 = arith.addf %parallel_loop3A_573, %parallel_loop3A_584 : vector<16xf32>
      %parallel_loop3A_610 = arith.addf %parallel_loop3A_595, %parallel_loop3A_606 : vector<16xf32>
      %parallel_loop3A_611 = arith.addf %parallel_loop3A_607, %parallel_loop3A_608 : vector<16xf32>
      %parallel_loop3A_612 = arith.addf %parallel_loop3A_609, %parallel_loop3A_610 : vector<16xf32>
      %parallel_loop3A_613 = arith.addf %parallel_loop3A_611, %parallel_loop3A_612 : vector<16xf32>
      %parallel_loop3A_614 = arith.constant 1 : i32
      %parallel_loop3A_615 = vector.broadcast %parallel_loop3A_614 : i32 to vector<16xi32>
      %parallel_loop3A_616 = arith.xori %iota3A, %parallel_loop3A_615 : vector<16xi32>
      %parallel_loop3A_617 = arith.constant 0 : i32
      %parallel_loop3A_618 = vector.broadcast %parallel_loop3A_617 : i32 to vector<16xi32>
      %parallel_loop3A_619 = arith.cmpi slt, %parallel_loop3A_616, %parallel_loop3A_618 : vector<16xi32>
      %parallel_loop3A_620 = arith.constant 16 : i32
      %parallel_loop3A_621 = vector.broadcast %parallel_loop3A_620 : i32 to vector<16xi32>
      %parallel_loop3A_622 = arith.addi %parallel_loop3A_616, %parallel_loop3A_621 : vector<16xi32>
      %parallel_loop3A_623 = arith.select %parallel_loop3A_619, %parallel_loop3A_622, %parallel_loop3A_616 : vector<16xi1>, vector<16xi32>
      %parallel_loop3A_624 = vector.shape_cast %parallel_loop3A_623 : vector<16xi32> to vector<16x1xi32>
      %parallel_loop3A_625 = vector.shape_cast %parallel_loop3A_624 : vector<16x1xi32> to vector<16xi32>
      %parallel_loop3A_626 = tpu.dynamic_gather %parallel_loop3A_613[%parallel_loop3A_625] in [0] : vector<16xf32>, vector<16xi32> -> vector<16xf32>
      %parallel_loop3A_627 = arith.addf %parallel_loop3A_613, %parallel_loop3A_626 : vector<16xf32>
      %parallel_loop3A_628 = arith.constant 2 : i32
      %parallel_loop3A_629 = vector.broadcast %parallel_loop3A_628 : i32 to vector<16xi32>
      %parallel_loop3A_630 = arith.xori %iota3A, %parallel_loop3A_629 : vector<16xi32>
      %parallel_loop3A_631 = arith.constant 0 : i32
      %parallel_loop3A_632 = vector.broadcast %parallel_loop3A_631 : i32 to vector<16xi32>
      %parallel_loop3A_633 = arith.cmpi slt, %parallel_loop3A_630, %parallel_loop3A_632 : vector<16xi32>
      %parallel_loop3A_634 = arith.constant 16 : i32
      %parallel_loop3A_635 = vector.broadcast %parallel_loop3A_634 : i32 to vector<16xi32>
      %parallel_loop3A_636 = arith.addi %parallel_loop3A_630, %parallel_loop3A_635 : vector<16xi32>
      %parallel_loop3A_637 = arith.select %parallel_loop3A_633, %parallel_loop3A_636, %parallel_loop3A_630 : vector<16xi1>, vector<16xi32>
      %parallel_loop3A_638 = vector.shape_cast %parallel_loop3A_637 : vector<16xi32> to vector<16x1xi32>
      %parallel_loop3A_639 = vector.shape_cast %parallel_loop3A_638 : vector<16x1xi32> to vector<16xi32>
      %parallel_loop3A_640 = tpu.dynamic_gather %parallel_loop3A_627[%parallel_loop3A_639] in [0] : vector<16xf32>, vector<16xi32> -> vector<16xf32>
      %parallel_loop3A_641 = arith.addf %parallel_loop3A_627, %parallel_loop3A_640 : vector<16xf32>
      %parallel_loop3A_642 = arith.constant 4 : i32
      %parallel_loop3A_643 = vector.broadcast %parallel_loop3A_642 : i32 to vector<16xi32>
      %parallel_loop3A_644 = arith.xori %iota3A, %parallel_loop3A_643 : vector<16xi32>
      %parallel_loop3A_645 = arith.constant 0 : i32
      %parallel_loop3A_646 = vector.broadcast %parallel_loop3A_645 : i32 to vector<16xi32>
      %parallel_loop3A_647 = arith.cmpi slt, %parallel_loop3A_644, %parallel_loop3A_646 : vector<16xi32>
      %parallel_loop3A_648 = arith.constant 16 : i32
      %parallel_loop3A_649 = vector.broadcast %parallel_loop3A_648 : i32 to vector<16xi32>
      %parallel_loop3A_650 = arith.addi %parallel_loop3A_644, %parallel_loop3A_649 : vector<16xi32>
      %parallel_loop3A_651 = arith.select %parallel_loop3A_647, %parallel_loop3A_650, %parallel_loop3A_644 : vector<16xi1>, vector<16xi32>
      %parallel_loop3A_652 = vector.shape_cast %parallel_loop3A_651 : vector<16xi32> to vector<16x1xi32>
      %parallel_loop3A_653 = vector.shape_cast %parallel_loop3A_652 : vector<16x1xi32> to vector<16xi32>
      %parallel_loop3A_654 = tpu.dynamic_gather %parallel_loop3A_641[%parallel_loop3A_653] in [0] : vector<16xf32>, vector<16xi32> -> vector<16xf32>
      %parallel_loop3A_655 = arith.addf %parallel_loop3A_641, %parallel_loop3A_654 : vector<16xf32>
      %parallel_loop3A_656 = arith.constant 8 : i32
      %parallel_loop3A_657 = vector.broadcast %parallel_loop3A_656 : i32 to vector<16xi32>
      %parallel_loop3A_658 = arith.xori %iota3A, %parallel_loop3A_657 : vector<16xi32>
      %parallel_loop3A_659 = arith.constant 0 : i32
      %parallel_loop3A_660 = vector.broadcast %parallel_loop3A_659 : i32 to vector<16xi32>
      %parallel_loop3A_661 = arith.cmpi slt, %parallel_loop3A_658, %parallel_loop3A_660 : vector<16xi32>
      %parallel_loop3A_662 = arith.constant 16 : i32
      %parallel_loop3A_663 = vector.broadcast %parallel_loop3A_662 : i32 to vector<16xi32>
      %parallel_loop3A_664 = arith.addi %parallel_loop3A_658, %parallel_loop3A_663 : vector<16xi32>
      %parallel_loop3A_665 = arith.select %parallel_loop3A_661, %parallel_loop3A_664, %parallel_loop3A_658 : vector<16xi1>, vector<16xi32>
      %parallel_loop3A_666 = vector.shape_cast %parallel_loop3A_665 : vector<16xi32> to vector<16x1xi32>
      %parallel_loop3A_667 = vector.shape_cast %parallel_loop3A_666 : vector<16x1xi32> to vector<16xi32>
      %parallel_loop3A_668 = tpu.dynamic_gather %parallel_loop3A_655[%parallel_loop3A_667] in [0] : vector<16xf32>, vector<16xi32> -> vector<16xf32>
      %parallel_loop3A_669 = arith.addf %parallel_loop3A_655, %parallel_loop3A_668 : vector<16xf32>
      %parallel_loop3A_670 = arith.constant 0 : i32
      %parallel_loop3A_671 = vector.broadcast %parallel_loop3A_670 : i32 to vector<16xi32>
      %parallel_loop3A_672 = vector.broadcast %parallel_loop3A_518 : i32 to vector<16xi32>
      %parallel_loop3A_673 = arith.addi %parallel_loop3A_671, %parallel_loop3A_672 : vector<16xi32>
      %parallel_loop3A_674 = arith.constant 0 : i32
      %parallel_loop3A_675 = vector.broadcast %parallel_loop3A_674 : i32 to vector<16xi32>
      %parallel_loop3A_676 = arith.cmpi eq, %iota3A, %parallel_loop3A_675 : vector<16xi32>
      tpu.vector_store_idx %arg9[%parallel_loop3A_673], %parallel_loop3A_669 masked %parallel_loop3A_676 : memref<512xf32, #tpu.memory_space<vmem>>[vector<16xi32>], vector<16xf32>, vector<16xi1>
    } {sc.loop_unroll_factor = 2 : i64, sc.parallel_access}
    %dma_start3A_94 = arith.constant 2 : i32
    %dma_start3A_95 = arith.constant 2 : i32
    %dma_start3A_96 = arith.constant 0 : i32
    %dma_start3A_97 = arith.constant 0 : i32
    %dma_start3A_98 = tpu.memref_slice %arg7[%dma_start3A_94, %dma_start3A_96, %dma_start3A_97] : memref<4x64x128xf32, #tpu.memory_space<vmem>> -> memref<1x64x128xf32, #tpu.memory_space<vmem>>
    %dma_start3A_99 = tpu.memref_squeeze %dma_start3A_98 : memref<1x64x128xf32, #tpu.memory_space<vmem>> -> memref<64x128xf32, #tpu.memory_space<vmem>>
    %dma_start3A_100 = arith.constant 128 : i32
    %dma_start3A_101 = tpu.memref_slice %arg6[%dma_start3A_100] : memref<512xi32, #tpu.memory_space<vmem>> -> memref<64xi32, #tpu.memory_space<vmem>>
    %dma_start3A_102 = arith.constant 0 : i32
    %dma_start3A_103 = arith.constant 0 : i32
    %dma_start3A_104 = tpu.memref_slice %arg4[%dma_start3A_102, %dma_start3A_103] : memref<100000x128xf32, #tpu.memory_space<hbm>> -> memref<100000x128xf32, #tpu.memory_space<hbm>>
    %dma_start3A_105 = tpu.memref_slice %arg10[%dma_start3A_95] : memref<4x!tpu.dma_semaphore, #tpu.memory_space<semaphore_mem>> -> memref<1x!tpu.dma_semaphore, #tpu.memory_space<semaphore_mem>>
    %dma_start3A_106 = tpu.memref_squeeze %dma_start3A_105 : memref<1x!tpu.dma_semaphore, #tpu.memory_space<semaphore_mem>> -> memref<!tpu.dma_semaphore, #tpu.memory_space<semaphore_mem>>
    tpu.enqueue_indirect_dma source(%dma_start3A_104 : memref<100000x128xf32, #tpu.memory_space<hbm>>) target(%dma_start3A_99 : memref<64x128xf32, #tpu.memory_space<vmem>>) offsets(%dma_start3A_101 : memref<64xi32, #tpu.memory_space<vmem>>) semaphore(%dma_start3A_106 : memref<!tpu.dma_semaphore, #tpu.memory_space<semaphore_mem>>)
    %add3A_107 = arith.constant 128 : i32
    %add3A_108 = arith.addi %mul3A_2, %add3A_107 : i32
    %dma_start3A_109 = arith.constant 2 : i32
    %dma_start3A_110 = arith.constant 2 : i32
    %dma_start3A_111 = arith.constant 0 : i32
    %dma_start3A_112 = arith.constant 0 : i32
    %dma_start3A_113 = tpu.memref_slice %arg8[%dma_start3A_109, %dma_start3A_111, %dma_start3A_112] : memref<4x64x128xf32, #tpu.memory_space<vmem>> -> memref<1x64x128xf32, #tpu.memory_space<vmem>>
    %dma_start3A_114 = tpu.memref_squeeze %dma_start3A_113 : memref<1x64x128xf32, #tpu.memory_space<vmem>> -> memref<64x128xf32, #tpu.memory_space<vmem>>
    %dma_start3A_115 = arith.constant 0 : i32
    %dma_start3A_116 = tpu.memref_slice %arg2[%add3A_108, %dma_start3A_115] : memref<16384x128xf32, #tpu.memory_space<hbm>> -> memref<64x128xf32, #tpu.memory_space<hbm>>
    %dma_start3A_117 = tpu.memref_slice %arg11[%dma_start3A_110] : memref<4x!tpu.dma_semaphore, #tpu.memory_space<semaphore_mem>> -> memref<1x!tpu.dma_semaphore, #tpu.memory_space<semaphore_mem>>
    %dma_start3A_118 = tpu.memref_squeeze %dma_start3A_117 : memref<1x!tpu.dma_semaphore, #tpu.memory_space<semaphore_mem>> -> memref<!tpu.dma_semaphore, #tpu.memory_space<semaphore_mem>>
    %dma_start3A_119 = arith.constant 0 : i32
    %dma_start3A_120 = arith.constant 0 : i32
    %dma_start3A_121 = tpu.memref_slice %arg8[%dma_start3A_109, %dma_start3A_119, %dma_start3A_120] : memref<4x64x128xf32, #tpu.memory_space<vmem>> -> memref<1x64x128xf32, #tpu.memory_space<vmem>>
    %dma_start3A_122 = tpu.memref_squeeze %dma_start3A_121 : memref<1x64x128xf32, #tpu.memory_space<vmem>> -> memref<64x128xf32, #tpu.memory_space<vmem>>
    %dma_start3A_123 = arith.constant 0 : i32
    %dma_start3A_124 = tpu.memref_slice %arg2[%add3A_108, %dma_start3A_123] : memref<16384x128xf32, #tpu.memory_space<hbm>> -> memref<64x128xf32, #tpu.memory_space<hbm>>
    tpu.enqueue_dma source(%dma_start3A_124 : memref<64x128xf32, #tpu.memory_space<hbm>>) target(%dma_start3A_122 : memref<64x128xf32, #tpu.memory_space<vmem>>) target_semaphore(%dma_start3A_118 : memref<!tpu.dma_semaphore, #tpu.memory_space<semaphore_mem>>)
    %dma_wait3A_125 = arith.constant 1 : i32
    %dma_wait3A_126 = arith.constant 1 : i32
    %dma_wait3A_127 = arith.constant 0 : i32
    %dma_wait3A_128 = arith.constant 0 : i32
    %dma_wait3A_129 = tpu.memref_slice %arg7[%dma_wait3A_125, %dma_wait3A_127, %dma_wait3A_128] : memref<4x64x128xf32, #tpu.memory_space<vmem>> -> memref<1x64x128xf32, #tpu.memory_space<vmem>>
    %dma_wait3A_130 = tpu.memref_squeeze %dma_wait3A_129 : memref<1x64x128xf32, #tpu.memory_space<vmem>> -> memref<64x128xf32, #tpu.memory_space<vmem>>
    %dma_wait3A_131 = arith.constant 64 : i32
    %dma_wait3A_132 = tpu.memref_slice %arg6[%dma_wait3A_131] : memref<512xi32, #tpu.memory_space<vmem>> -> memref<64xi32, #tpu.memory_space<vmem>>
    %dma_wait3A_133 = arith.constant 0 : i32
    %dma_wait3A_134 = arith.constant 0 : i32
    %dma_wait3A_135 = tpu.memref_slice %arg4[%dma_wait3A_133, %dma_wait3A_134] : memref<100000x128xf32, #tpu.memory_space<hbm>> -> memref<100000x128xf32, #tpu.memory_space<hbm>>
    %dma_wait3A_136 = tpu.memref_slice %arg10[%dma_wait3A_126] : memref<4x!tpu.dma_semaphore, #tpu.memory_space<semaphore_mem>> -> memref<1x!tpu.dma_semaphore, #tpu.memory_space<semaphore_mem>>
    %dma_wait3A_137 = tpu.memref_squeeze %dma_wait3A_136 : memref<1x!tpu.dma_semaphore, #tpu.memory_space<semaphore_mem>> -> memref<!tpu.dma_semaphore, #tpu.memory_space<semaphore_mem>>
    tpu.wait_indirect_dma semaphore(%dma_wait3A_137 : memref<!tpu.dma_semaphore, #tpu.memory_space<semaphore_mem>>) src(%dma_wait3A_135 : memref<100000x128xf32, #tpu.memory_space<hbm>>) dst(%dma_wait3A_130 : memref<64x128xf32, #tpu.memory_space<vmem>>)
    %add3A_138 = arith.constant 64 : i32
    %add3A_139 = arith.addi %mul3A_2, %add3A_138 : i32
    %dma_wait3A_140 = arith.constant 1 : i32
    %dma_wait3A_141 = arith.constant 1 : i32
    %dma_wait3A_142 = arith.constant 0 : i32
    %dma_wait3A_143 = arith.constant 0 : i32
    %dma_wait3A_144 = tpu.memref_slice %arg8[%dma_wait3A_140, %dma_wait3A_142, %dma_wait3A_143] : memref<4x64x128xf32, #tpu.memory_space<vmem>> -> memref<1x64x128xf32, #tpu.memory_space<vmem>>
    %dma_wait3A_145 = tpu.memref_squeeze %dma_wait3A_144 : memref<1x64x128xf32, #tpu.memory_space<vmem>> -> memref<64x128xf32, #tpu.memory_space<vmem>>
    %dma_wait3A_146 = arith.constant 0 : i32
    %dma_wait3A_147 = tpu.memref_slice %arg2[%add3A_139, %dma_wait3A_146] : memref<16384x128xf32, #tpu.memory_space<hbm>> -> memref<64x128xf32, #tpu.memory_space<hbm>>
    %dma_wait3A_148 = tpu.memref_slice %arg11[%dma_wait3A_141] : memref<4x!tpu.dma_semaphore, #tpu.memory_space<semaphore_mem>> -> memref<1x!tpu.dma_semaphore, #tpu.memory_space<semaphore_mem>>
    %dma_wait3A_149 = tpu.memref_squeeze %dma_wait3A_148 : memref<1x!tpu.dma_semaphore, #tpu.memory_space<semaphore_mem>> -> memref<!tpu.dma_semaphore, #tpu.memory_space<semaphore_mem>>
    %dma_wait3A_150 = arith.constant 0 : i32
    %dma_wait3A_151 = arith.constant 0 : i32
    %dma_wait3A_152 = tpu.memref_slice %arg8[%dma_wait3A_140, %dma_wait3A_150, %dma_wait3A_151] : memref<4x64x128xf32, #tpu.memory_space<vmem>> -> memref<1x64x128xf32, #tpu.memory_space<vmem>>
    %dma_wait3A_153 = tpu.memref_squeeze %dma_wait3A_152 : memref<1x64x128xf32, #tpu.memory_space<vmem>> -> memref<64x128xf32, #tpu.memory_space<vmem>>
    %dma_wait3A_154 = arith.constant 0 : i32
    %dma_wait3A_155 = tpu.memref_slice %arg2[%add3A_139, %dma_wait3A_154] : memref<16384x128xf32, #tpu.memory_space<hbm>> -> memref<64x128xf32, #tpu.memory_space<hbm>>
    tpu.wait_dma2 semaphore(%dma_wait3A_149 : memref<!tpu.dma_semaphore, #tpu.memory_space<semaphore_mem>>) src(%dma_wait3A_155 : memref<64x128xf32, #tpu.memory_space<hbm>>) dst(%dma_wait3A_153 : memref<64x128xf32, #tpu.memory_space<vmem>>)
    %parallel_loop3A_156 = arith.constant 0 : i32
    %parallel_loop3A_157 = arith.constant 64 : i32
    %parallel_loop3A_158 = arith.constant 1 : i32
    scf.for %parallel_loop3A_518 = %parallel_loop3A_156 to %parallel_loop3A_157 step %parallel_loop3A_158  : i32 {
      %parallel_loop3A_519 = arith.constant 1 : i32
      %parallel_loop3A_520 = arith.index_cast %parallel_loop3A_519 : i32 to index
      %parallel_loop3A_521 = arith.index_cast %parallel_loop3A_518 : i32 to index
      %parallel_loop3A_522 = arith.constant 0 : index
      %parallel_loop3A_523 = tpu.vector_load %arg7[%parallel_loop3A_520, %parallel_loop3A_521, %parallel_loop3A_522] {strides = array<i32>} : memref<4x64x128xf32, #tpu.memory_space<vmem>>, vector<16xf32>,
      %parallel_loop3A_524 = arith.constant 1 : i32
      %parallel_loop3A_525 = arith.index_cast %parallel_loop3A_524 : i32 to index
      %parallel_loop3A_526 = arith.index_cast %parallel_loop3A_518 : i32 to index
      %parallel_loop3A_527 = arith.constant 0 : index
      %parallel_loop3A_528 = tpu.vector_load %arg8[%parallel_loop3A_525, %parallel_loop3A_526, %parallel_loop3A_527] {strides = array<i32>} : memref<4x64x128xf32, #tpu.memory_space<vmem>>, vector<16xf32>,
      %parallel_loop3A_529 = arith.mulf %parallel_loop3A_523, %parallel_loop3A_528 : vector<16xf32>
      %parallel_loop3A_530 = arith.constant 1 : i32
      %parallel_loop3A_531 = arith.index_cast %parallel_loop3A_530 : i32 to index
      %parallel_loop3A_532 = arith.index_cast %parallel_loop3A_518 : i32 to index
      %parallel_loop3A_533 = arith.constant 16 : index
      %parallel_loop3A_534 = tpu.vector_load %arg7[%parallel_loop3A_531, %parallel_loop3A_532, %parallel_loop3A_533] {strides = array<i32>} : memref<4x64x128xf32, #tpu.memory_space<vmem>>, vector<16xf32>,
      %parallel_loop3A_535 = arith.constant 1 : i32
      %parallel_loop3A_536 = arith.index_cast %parallel_loop3A_535 : i32 to index
      %parallel_loop3A_537 = arith.index_cast %parallel_loop3A_518 : i32 to index
      %parallel_loop3A_538 = arith.constant 16 : index
      %parallel_loop3A_539 = tpu.vector_load %arg8[%parallel_loop3A_536, %parallel_loop3A_537, %parallel_loop3A_538] {strides = array<i32>} : memref<4x64x128xf32, #tpu.memory_space<vmem>>, vector<16xf32>,
      %parallel_loop3A_540 = arith.mulf %parallel_loop3A_534, %parallel_loop3A_539 : vector<16xf32>
      %parallel_loop3A_541 = arith.constant 1 : i32
      %parallel_loop3A_542 = arith.index_cast %parallel_loop3A_541 : i32 to index
      %parallel_loop3A_543 = arith.index_cast %parallel_loop3A_518 : i32 to index
      %parallel_loop3A_544 = arith.constant 32 : index
      %parallel_loop3A_545 = tpu.vector_load %arg7[%parallel_loop3A_542, %parallel_loop3A_543, %parallel_loop3A_544] {strides = array<i32>} : memref<4x64x128xf32, #tpu.memory_space<vmem>>, vector<16xf32>,
      %parallel_loop3A_546 = arith.constant 1 : i32
      %parallel_loop3A_547 = arith.index_cast %parallel_loop3A_546 : i32 to index
      %parallel_loop3A_548 = arith.index_cast %parallel_loop3A_518 : i32 to index
      %parallel_loop3A_549 = arith.constant 32 : index
      %parallel_loop3A_550 = tpu.vector_load %arg8[%parallel_loop3A_547, %parallel_loop3A_548, %parallel_loop3A_549] {strides = array<i32>} : memref<4x64x128xf32, #tpu.memory_space<vmem>>, vector<16xf32>,
      %parallel_loop3A_551 = arith.mulf %parallel_loop3A_545, %parallel_loop3A_550 : vector<16xf32>
      %parallel_loop3A_552 = arith.constant 1 : i32
      %parallel_loop3A_553 = arith.index_cast %parallel_loop3A_552 : i32 to index
      %parallel_loop3A_554 = arith.index_cast %parallel_loop3A_518 : i32 to index
      %parallel_loop3A_555 = arith.constant 48 : index
      %parallel_loop3A_556 = tpu.vector_load %arg7[%parallel_loop3A_553, %parallel_loop3A_554, %parallel_loop3A_555] {strides = array<i32>} : memref<4x64x128xf32, #tpu.memory_space<vmem>>, vector<16xf32>,
      %parallel_loop3A_557 = arith.constant 1 : i32
      %parallel_loop3A_558 = arith.index_cast %parallel_loop3A_557 : i32 to index
      %parallel_loop3A_559 = arith.index_cast %parallel_loop3A_518 : i32 to index
      %parallel_loop3A_560 = arith.constant 48 : index
      %parallel_loop3A_561 = tpu.vector_load %arg8[%parallel_loop3A_558, %parallel_loop3A_559, %parallel_loop3A_560] {strides = array<i32>} : memref<4x64x128xf32, #tpu.memory_space<vmem>>, vector<16xf32>,
      %parallel_loop3A_562 = arith.mulf %parallel_loop3A_556, %parallel_loop3A_561 : vector<16xf32>
      %parallel_loop3A_563 = arith.constant 1 : i32
      %parallel_loop3A_564 = arith.index_cast %parallel_loop3A_563 : i32 to index
      %parallel_loop3A_565 = arith.index_cast %parallel_loop3A_518 : i32 to index
      %parallel_loop3A_566 = arith.constant 64 : index
      %parallel_loop3A_567 = tpu.vector_load %arg7[%parallel_loop3A_564, %parallel_loop3A_565, %parallel_loop3A_566] {strides = array<i32>} : memref<4x64x128xf32, #tpu.memory_space<vmem>>, vector<16xf32>,
      %parallel_loop3A_568 = arith.constant 1 : i32
      %parallel_loop3A_569 = arith.index_cast %parallel_loop3A_568 : i32 to index
      %parallel_loop3A_570 = arith.index_cast %parallel_loop3A_518 : i32 to index
      %parallel_loop3A_571 = arith.constant 64 : index
      %parallel_loop3A_572 = tpu.vector_load %arg8[%parallel_loop3A_569, %parallel_loop3A_570, %parallel_loop3A_571] {strides = array<i32>} : memref<4x64x128xf32, #tpu.memory_space<vmem>>, vector<16xf32>,
      %parallel_loop3A_573 = arith.mulf %parallel_loop3A_567, %parallel_loop3A_572 : vector<16xf32>
      %parallel_loop3A_574 = arith.constant 1 : i32
      %parallel_loop3A_575 = arith.index_cast %parallel_loop3A_574 : i32 to index
      %parallel_loop3A_576 = arith.index_cast %parallel_loop3A_518 : i32 to index
      %parallel_loop3A_577 = arith.constant 80 : index
      %parallel_loop3A_578 = tpu.vector_load %arg7[%parallel_loop3A_575, %parallel_loop3A_576, %parallel_loop3A_577] {strides = array<i32>} : memref<4x64x128xf32, #tpu.memory_space<vmem>>, vector<16xf32>,
      %parallel_loop3A_579 = arith.constant 1 : i32
      %parallel_loop3A_580 = arith.index_cast %parallel_loop3A_579 : i32 to index
      %parallel_loop3A_581 = arith.index_cast %parallel_loop3A_518 : i32 to index
      %parallel_loop3A_582 = arith.constant 80 : index
      %parallel_loop3A_583 = tpu.vector_load %arg8[%parallel_loop3A_580, %parallel_loop3A_581, %parallel_loop3A_582] {strides = array<i32>} : memref<4x64x128xf32, #tpu.memory_space<vmem>>, vector<16xf32>,
      %parallel_loop3A_584 = arith.mulf %parallel_loop3A_578, %parallel_loop3A_583 : vector<16xf32>
      %parallel_loop3A_585 = arith.constant 1 : i32
      %parallel_loop3A_586 = arith.index_cast %parallel_loop3A_585 : i32 to index
      %parallel_loop3A_587 = arith.index_cast %parallel_loop3A_518 : i32 to index
      %parallel_loop3A_588 = arith.constant 96 : index
      %parallel_loop3A_589 = tpu.vector_load %arg7[%parallel_loop3A_586, %parallel_loop3A_587, %parallel_loop3A_588] {strides = array<i32>} : memref<4x64x128xf32, #tpu.memory_space<vmem>>, vector<16xf32>,
      %parallel_loop3A_590 = arith.constant 1 : i32
      %parallel_loop3A_591 = arith.index_cast %parallel_loop3A_590 : i32 to index
      %parallel_loop3A_592 = arith.index_cast %parallel_loop3A_518 : i32 to index
      %parallel_loop3A_593 = arith.constant 96 : index
      %parallel_loop3A_594 = tpu.vector_load %arg8[%parallel_loop3A_591, %parallel_loop3A_592, %parallel_loop3A_593] {strides = array<i32>} : memref<4x64x128xf32, #tpu.memory_space<vmem>>, vector<16xf32>,
      %parallel_loop3A_595 = arith.mulf %parallel_loop3A_589, %parallel_loop3A_594 : vector<16xf32>
      %parallel_loop3A_596 = arith.constant 1 : i32
      %parallel_loop3A_597 = arith.index_cast %parallel_loop3A_596 : i32 to index
      %parallel_loop3A_598 = arith.index_cast %parallel_loop3A_518 : i32 to index
      %parallel_loop3A_599 = arith.constant 112 : index
      %parallel_loop3A_600 = tpu.vector_load %arg7[%parallel_loop3A_597, %parallel_loop3A_598, %parallel_loop3A_599] {strides = array<i32>} : memref<4x64x128xf32, #tpu.memory_space<vmem>>, vector<16xf32>,
      %parallel_loop3A_601 = arith.constant 1 : i32
      %parallel_loop3A_602 = arith.index_cast %parallel_loop3A_601 : i32 to index
      %parallel_loop3A_603 = arith.index_cast %parallel_loop3A_518 : i32 to index
      %parallel_loop3A_604 = arith.constant 112 : index
      %parallel_loop3A_605 = tpu.vector_load %arg8[%parallel_loop3A_602, %parallel_loop3A_603, %parallel_loop3A_604] {strides = array<i32>} : memref<4x64x128xf32, #tpu.memory_space<vmem>>, vector<16xf32>,
      %parallel_loop3A_606 = arith.mulf %parallel_loop3A_600, %parallel_loop3A_605 : vector<16xf32>
      %parallel_loop3A_607 = arith.addf %parallel_loop3A_529, %parallel_loop3A_540 : vector<16xf32>
      %parallel_loop3A_608 = arith.addf %parallel_loop3A_551, %parallel_loop3A_562 : vector<16xf32>
      %parallel_loop3A_609 = arith.addf %parallel_loop3A_573, %parallel_loop3A_584 : vector<16xf32>
      %parallel_loop3A_610 = arith.addf %parallel_loop3A_595, %parallel_loop3A_606 : vector<16xf32>
      %parallel_loop3A_611 = arith.addf %parallel_loop3A_607, %parallel_loop3A_608 : vector<16xf32>
      %parallel_loop3A_612 = arith.addf %parallel_loop3A_609, %parallel_loop3A_610 : vector<16xf32>
      %parallel_loop3A_613 = arith.addf %parallel_loop3A_611, %parallel_loop3A_612 : vector<16xf32>
      %parallel_loop3A_614 = arith.constant 1 : i32
      %parallel_loop3A_615 = vector.broadcast %parallel_loop3A_614 : i32 to vector<16xi32>
      %parallel_loop3A_616 = arith.xori %iota3A, %parallel_loop3A_615 : vector<16xi32>
      %parallel_loop3A_617 = arith.constant 0 : i32
      %parallel_loop3A_618 = vector.broadcast %parallel_loop3A_617 : i32 to vector<16xi32>
      %parallel_loop3A_619 = arith.cmpi slt, %parallel_loop3A_616, %parallel_loop3A_618 : vector<16xi32>
      %parallel_loop3A_620 = arith.constant 16 : i32
      %parallel_loop3A_621 = vector.broadcast %parallel_loop3A_620 : i32 to vector<16xi32>
      %parallel_loop3A_622 = arith.addi %parallel_loop3A_616, %parallel_loop3A_621 : vector<16xi32>
      %parallel_loop3A_623 = arith.select %parallel_loop3A_619, %parallel_loop3A_622, %parallel_loop3A_616 : vector<16xi1>, vector<16xi32>
      %parallel_loop3A_624 = vector.shape_cast %parallel_loop3A_623 : vector<16xi32> to vector<16x1xi32>
      %parallel_loop3A_625 = vector.shape_cast %parallel_loop3A_624 : vector<16x1xi32> to vector<16xi32>
      %parallel_loop3A_626 = tpu.dynamic_gather %parallel_loop3A_613[%parallel_loop3A_625] in [0] : vector<16xf32>, vector<16xi32> -> vector<16xf32>
      %parallel_loop3A_627 = arith.addf %parallel_loop3A_613, %parallel_loop3A_626 : vector<16xf32>
      %parallel_loop3A_628 = arith.constant 2 : i32
      %parallel_loop3A_629 = vector.broadcast %parallel_loop3A_628 : i32 to vector<16xi32>
      %parallel_loop3A_630 = arith.xori %iota3A, %parallel_loop3A_629 : vector<16xi32>
      %parallel_loop3A_631 = arith.constant 0 : i32
      %parallel_loop3A_632 = vector.broadcast %parallel_loop3A_631 : i32 to vector<16xi32>
      %parallel_loop3A_633 = arith.cmpi slt, %parallel_loop3A_630, %parallel_loop3A_632 : vector<16xi32>
      %parallel_loop3A_634 = arith.constant 16 : i32
      %parallel_loop3A_635 = vector.broadcast %parallel_loop3A_634 : i32 to vector<16xi32>
      %parallel_loop3A_636 = arith.addi %parallel_loop3A_630, %parallel_loop3A_635 : vector<16xi32>
      %parallel_loop3A_637 = arith.select %parallel_loop3A_633, %parallel_loop3A_636, %parallel_loop3A_630 : vector<16xi1>, vector<16xi32>
      %parallel_loop3A_638 = vector.shape_cast %parallel_loop3A_637 : vector<16xi32> to vector<16x1xi32>
      %parallel_loop3A_639 = vector.shape_cast %parallel_loop3A_638 : vector<16x1xi32> to vector<16xi32>
      %parallel_loop3A_640 = tpu.dynamic_gather %parallel_loop3A_627[%parallel_loop3A_639] in [0] : vector<16xf32>, vector<16xi32> -> vector<16xf32>
      %parallel_loop3A_641 = arith.addf %parallel_loop3A_627, %parallel_loop3A_640 : vector<16xf32>
      %parallel_loop3A_642 = arith.constant 4 : i32
      %parallel_loop3A_643 = vector.broadcast %parallel_loop3A_642 : i32 to vector<16xi32>
      %parallel_loop3A_644 = arith.xori %iota3A, %parallel_loop3A_643 : vector<16xi32>
      %parallel_loop3A_645 = arith.constant 0 : i32
      %parallel_loop3A_646 = vector.broadcast %parallel_loop3A_645 : i32 to vector<16xi32>
      %parallel_loop3A_647 = arith.cmpi slt, %parallel_loop3A_644, %parallel_loop3A_646 : vector<16xi32>
      %parallel_loop3A_648 = arith.constant 16 : i32
      %parallel_loop3A_649 = vector.broadcast %parallel_loop3A_648 : i32 to vector<16xi32>
      %parallel_loop3A_650 = arith.addi %parallel_loop3A_644, %parallel_loop3A_649 : vector<16xi32>
      %parallel_loop3A_651 = arith.select %parallel_loop3A_647, %parallel_loop3A_650, %parallel_loop3A_644 : vector<16xi1>, vector<16xi32>
      %parallel_loop3A_652 = vector.shape_cast %parallel_loop3A_651 : vector<16xi32> to vector<16x1xi32>
      %parallel_loop3A_653 = vector.shape_cast %parallel_loop3A_652 : vector<16x1xi32> to vector<16xi32>
      %parallel_loop3A_654 = tpu.dynamic_gather %parallel_loop3A_641[%parallel_loop3A_653] in [0] : vector<16xf32>, vector<16xi32> -> vector<16xf32>
      %parallel_loop3A_655 = arith.addf %parallel_loop3A_641, %parallel_loop3A_654 : vector<16xf32>
      %parallel_loop3A_656 = arith.constant 8 : i32
      %parallel_loop3A_657 = vector.broadcast %parallel_loop3A_656 : i32 to vector<16xi32>
      %parallel_loop3A_658 = arith.xori %iota3A, %parallel_loop3A_657 : vector<16xi32>
      %parallel_loop3A_659 = arith.constant 0 : i32
      %parallel_loop3A_660 = vector.broadcast %parallel_loop3A_659 : i32 to vector<16xi32>
      %parallel_loop3A_661 = arith.cmpi slt, %parallel_loop3A_658, %parallel_loop3A_660 : vector<16xi32>
      %parallel_loop3A_662 = arith.constant 16 : i32
      %parallel_loop3A_663 = vector.broadcast %parallel_loop3A_662 : i32 to vector<16xi32>
      %parallel_loop3A_664 = arith.addi %parallel_loop3A_658, %parallel_loop3A_663 : vector<16xi32>
      %parallel_loop3A_665 = arith.select %parallel_loop3A_661, %parallel_loop3A_664, %parallel_loop3A_658 : vector<16xi1>, vector<16xi32>
      %parallel_loop3A_666 = vector.shape_cast %parallel_loop3A_665 : vector<16xi32> to vector<16x1xi32>
      %parallel_loop3A_667 = vector.shape_cast %parallel_loop3A_666 : vector<16x1xi32> to vector<16xi32>
      %parallel_loop3A_668 = tpu.dynamic_gather %parallel_loop3A_655[%parallel_loop3A_667] in [0] : vector<16xf32>, vector<16xi32> -> vector<16xf32>
      %parallel_loop3A_669 = arith.addf %parallel_loop3A_655, %parallel_loop3A_668 : vector<16xf32>
      %parallel_loop3A_670 = arith.constant 64 : i32
      %parallel_loop3A_671 = vector.broadcast %parallel_loop3A_670 : i32 to vector<16xi32>
      %parallel_loop3A_672 = vector.broadcast %parallel_loop3A_518 : i32 to vector<16xi32>
      %parallel_loop3A_673 = arith.addi %parallel_loop3A_671, %parallel_loop3A_672 : vector<16xi32>
      %parallel_loop3A_674 = arith.constant 0 : i32
      %parallel_loop3A_675 = vector.broadcast %parallel_loop3A_674 : i32 to vector<16xi32>
      %parallel_loop3A_676 = arith.cmpi eq, %iota3A, %parallel_loop3A_675 : vector<16xi32>
      tpu.vector_store_idx %arg9[%parallel_loop3A_673], %parallel_loop3A_669 masked %parallel_loop3A_676 : memref<512xf32, #tpu.memory_space<vmem>>[vector<16xi32>], vector<16xf32>, vector<16xi1>
    } {sc.loop_unroll_factor = 2 : i64, sc.parallel_access}
    %dma_start3A_159 = arith.constant 3 : i32
    %dma_start3A_160 = arith.constant 3 : i32
    %dma_start3A_161 = arith.constant 0 : i32
    %dma_start3A_162 = arith.constant 0 : i32
    %dma_start3A_163 = tpu.memref_slice %arg7[%dma_start3A_159, %dma_start3A_161, %dma_start3A_162] : memref<4x64x128xf32, #tpu.memory_space<vmem>> -> memref<1x64x128xf32, #tpu.memory_space<vmem>>
    %dma_start3A_164 = tpu.memref_squeeze %dma_start3A_163 : memref<1x64x128xf32, #tpu.memory_space<vmem>> -> memref<64x128xf32, #tpu.memory_space<vmem>>
    %dma_start3A_165 = arith.constant 192 : i32
    %dma_start3A_166 = tpu.memref_slice %arg6[%dma_start3A_165] : memref<512xi32, #tpu.memory_space<vmem>> -> memref<64xi32, #tpu.memory_space<vmem>>
    %dma_start3A_167 = arith.constant 0 : i32
    %dma_start3A_168 = arith.constant 0 : i32
    %dma_start3A_169 = tpu.memref_slice %arg4[%dma_start3A_167, %dma_start3A_168] : memref<100000x128xf32, #tpu.memory_space<hbm>> -> memref<100000x128xf32, #tpu.memory_space<hbm>>
    %dma_start3A_170 = tpu.memref_slice %arg10[%dma_start3A_160] : memref<4x!tpu.dma_semaphore, #tpu.memory_space<semaphore_mem>> -> memref<1x!tpu.dma_semaphore, #tpu.memory_space<semaphore_mem>>
    %dma_start3A_171 = tpu.memref_squeeze %dma_start3A_170 : memref<1x!tpu.dma_semaphore, #tpu.memory_space<semaphore_mem>> -> memref<!tpu.dma_semaphore, #tpu.memory_space<semaphore_mem>>
    tpu.enqueue_indirect_dma source(%dma_start3A_169 : memref<100000x128xf32, #tpu.memory_space<hbm>>) target(%dma_start3A_164 : memref<64x128xf32, #tpu.memory_space<vmem>>) offsets(%dma_start3A_166 : memref<64xi32, #tpu.memory_space<vmem>>) semaphore(%dma_start3A_171 : memref<!tpu.dma_semaphore, #tpu.memory_space<semaphore_mem>>)
    %add3A_172 = arith.constant 192 : i32
    %add3A_173 = arith.addi %mul3A_2, %add3A_172 : i32
    %dma_start3A_174 = arith.constant 3 : i32
    %dma_start3A_175 = arith.constant 3 : i32
    %dma_start3A_176 = arith.constant 0 : i32
    %dma_start3A_177 = arith.constant 0 : i32
    %dma_start3A_178 = tpu.memref_slice %arg8[%dma_start3A_174, %dma_start3A_176, %dma_start3A_177] : memref<4x64x128xf32, #tpu.memory_space<vmem>> -> memref<1x64x128xf32, #tpu.memory_space<vmem>>
    %dma_start3A_179 = tpu.memref_squeeze %dma_start3A_178 : memref<1x64x128xf32, #tpu.memory_space<vmem>> -> memref<64x128xf32, #tpu.memory_space<vmem>>
    %dma_start3A_180 = arith.constant 0 : i32
    %dma_start3A_181 = tpu.memref_slice %arg2[%add3A_173, %dma_start3A_180] : memref<16384x128xf32, #tpu.memory_space<hbm>> -> memref<64x128xf32, #tpu.memory_space<hbm>>
    %dma_start3A_182 = tpu.memref_slice %arg11[%dma_start3A_175] : memref<4x!tpu.dma_semaphore, #tpu.memory_space<semaphore_mem>> -> memref<1x!tpu.dma_semaphore, #tpu.memory_space<semaphore_mem>>
    %dma_start3A_183 = tpu.memref_squeeze %dma_start3A_182 : memref<1x!tpu.dma_semaphore, #tpu.memory_space<semaphore_mem>> -> memref<!tpu.dma_semaphore, #tpu.memory_space<semaphore_mem>>
    %dma_start3A_184 = arith.constant 0 : i32
    %dma_start3A_185 = arith.constant 0 : i32
    %dma_start3A_186 = tpu.memref_slice %arg8[%dma_start3A_174, %dma_start3A_184, %dma_start3A_185] : memref<4x64x128xf32, #tpu.memory_space<vmem>> -> memref<1x64x128xf32, #tpu.memory_space<vmem>>
    %dma_start3A_187 = tpu.memref_squeeze %dma_start3A_186 : memref<1x64x128xf32, #tpu.memory_space<vmem>> -> memref<64x128xf32, #tpu.memory_space<vmem>>
    %dma_start3A_188 = arith.constant 0 : i32
    %dma_start3A_189 = tpu.memref_slice %arg2[%add3A_173, %dma_start3A_188] : memref<16384x128xf32, #tpu.memory_space<hbm>> -> memref<64x128xf32, #tpu.memory_space<hbm>>
    tpu.enqueue_dma source(%dma_start3A_189 : memref<64x128xf32, #tpu.memory_space<hbm>>) target(%dma_start3A_187 : memref<64x128xf32, #tpu.memory_space<vmem>>) target_semaphore(%dma_start3A_183 : memref<!tpu.dma_semaphore, #tpu.memory_space<semaphore_mem>>)
    %dma_wait3A_190 = arith.constant 2 : i32
    %dma_wait3A_191 = arith.constant 2 : i32
    %dma_wait3A_192 = arith.constant 0 : i32
    %dma_wait3A_193 = arith.constant 0 : i32
    %dma_wait3A_194 = tpu.memref_slice %arg7[%dma_wait3A_190, %dma_wait3A_192, %dma_wait3A_193] : memref<4x64x128xf32, #tpu.memory_space<vmem>> -> memref<1x64x128xf32, #tpu.memory_space<vmem>>
    %dma_wait3A_195 = tpu.memref_squeeze %dma_wait3A_194 : memref<1x64x128xf32, #tpu.memory_space<vmem>> -> memref<64x128xf32, #tpu.memory_space<vmem>>
    %dma_wait3A_196 = arith.constant 128 : i32
    %dma_wait3A_197 = tpu.memref_slice %arg6[%dma_wait3A_196] : memref<512xi32, #tpu.memory_space<vmem>> -> memref<64xi32, #tpu.memory_space<vmem>>
    %dma_wait3A_198 = arith.constant 0 : i32
    %dma_wait3A_199 = arith.constant 0 : i32
    %dma_wait3A_200 = tpu.memref_slice %arg4[%dma_wait3A_198, %dma_wait3A_199] : memref<100000x128xf32, #tpu.memory_space<hbm>> -> memref<100000x128xf32, #tpu.memory_space<hbm>>
    %dma_wait3A_201 = tpu.memref_slice %arg10[%dma_wait3A_191] : memref<4x!tpu.dma_semaphore, #tpu.memory_space<semaphore_mem>> -> memref<1x!tpu.dma_semaphore, #tpu.memory_space<semaphore_mem>>
    %dma_wait3A_202 = tpu.memref_squeeze %dma_wait3A_201 : memref<1x!tpu.dma_semaphore, #tpu.memory_space<semaphore_mem>> -> memref<!tpu.dma_semaphore, #tpu.memory_space<semaphore_mem>>
    tpu.wait_indirect_dma semaphore(%dma_wait3A_202 : memref<!tpu.dma_semaphore, #tpu.memory_space<semaphore_mem>>) src(%dma_wait3A_200 : memref<100000x128xf32, #tpu.memory_space<hbm>>) dst(%dma_wait3A_195 : memref<64x128xf32, #tpu.memory_space<vmem>>)
    %add3A_203 = arith.constant 128 : i32
    %add3A_204 = arith.addi %mul3A_2, %add3A_203 : i32
    %dma_wait3A_205 = arith.constant 2 : i32
    %dma_wait3A_206 = arith.constant 2 : i32
    %dma_wait3A_207 = arith.constant 0 : i32
    %dma_wait3A_208 = arith.constant 0 : i32
    %dma_wait3A_209 = tpu.memref_slice %arg8[%dma_wait3A_205, %dma_wait3A_207, %dma_wait3A_208] : memref<4x64x128xf32, #tpu.memory_space<vmem>> -> memref<1x64x128xf32, #tpu.memory_space<vmem>>
    %dma_wait3A_210 = tpu.memref_squeeze %dma_wait3A_209 : memref<1x64x128xf32, #tpu.memory_space<vmem>> -> memref<64x128xf32, #tpu.memory_space<vmem>>
    %dma_wait3A_211 = arith.constant 0 : i32
    %dma_wait3A_212 = tpu.memref_slice %arg2[%add3A_204, %dma_wait3A_211] : memref<16384x128xf32, #tpu.memory_space<hbm>> -> memref<64x128xf32, #tpu.memory_space<hbm>>
    %dma_wait3A_213 = tpu.memref_slice %arg11[%dma_wait3A_206] : memref<4x!tpu.dma_semaphore, #tpu.memory_space<semaphore_mem>> -> memref<1x!tpu.dma_semaphore, #tpu.memory_space<semaphore_mem>>
    %dma_wait3A_214 = tpu.memref_squeeze %dma_wait3A_213 : memref<1x!tpu.dma_semaphore, #tpu.memory_space<semaphore_mem>> -> memref<!tpu.dma_semaphore, #tpu.memory_space<semaphore_mem>>
    %dma_wait3A_215 = arith.constant 0 : i32
    %dma_wait3A_216 = arith.constant 0 : i32
    %dma_wait3A_217 = tpu.memref_slice %arg8[%dma_wait3A_205, %dma_wait3A_215, %dma_wait3A_216] : memref<4x64x128xf32, #tpu.memory_space<vmem>> -> memref<1x64x128xf32, #tpu.memory_space<vmem>>
    %dma_wait3A_218 = tpu.memref_squeeze %dma_wait3A_217 : memref<1x64x128xf32, #tpu.memory_space<vmem>> -> memref<64x128xf32, #tpu.memory_space<vmem>>
    %dma_wait3A_219 = arith.constant 0 : i32
    %dma_wait3A_220 = tpu.memref_slice %arg2[%add3A_204, %dma_wait3A_219] : memref<16384x128xf32, #tpu.memory_space<hbm>> -> memref<64x128xf32, #tpu.memory_space<hbm>>
    tpu.wait_dma2 semaphore(%dma_wait3A_214 : memref<!tpu.dma_semaphore, #tpu.memory_space<semaphore_mem>>) src(%dma_wait3A_220 : memref<64x128xf32, #tpu.memory_space<hbm>>) dst(%dma_wait3A_218 : memref<64x128xf32, #tpu.memory_space<vmem>>)
    %parallel_loop3A_221 = arith.constant 0 : i32
    %parallel_loop3A_222 = arith.constant 64 : i32
    %parallel_loop3A_223 = arith.constant 1 : i32
    scf.for %parallel_loop3A_518 = %parallel_loop3A_221 to %parallel_loop3A_222 step %parallel_loop3A_223  : i32 {
      %parallel_loop3A_519 = arith.constant 2 : i32
      %parallel_loop3A_520 = arith.index_cast %parallel_loop3A_519 : i32 to index
      %parallel_loop3A_521 = arith.index_cast %parallel_loop3A_518 : i32 to index
      %parallel_loop3A_522 = arith.constant 0 : index
      %parallel_loop3A_523 = tpu.vector_load %arg7[%parallel_loop3A_520, %parallel_loop3A_521, %parallel_loop3A_522] {strides = array<i32>} : memref<4x64x128xf32, #tpu.memory_space<vmem>>, vector<16xf32>,
      %parallel_loop3A_524 = arith.constant 2 : i32
      %parallel_loop3A_525 = arith.index_cast %parallel_loop3A_524 : i32 to index
      %parallel_loop3A_526 = arith.index_cast %parallel_loop3A_518 : i32 to index
      %parallel_loop3A_527 = arith.constant 0 : index
      %parallel_loop3A_528 = tpu.vector_load %arg8[%parallel_loop3A_525, %parallel_loop3A_526, %parallel_loop3A_527] {strides = array<i32>} : memref<4x64x128xf32, #tpu.memory_space<vmem>>, vector<16xf32>,
      %parallel_loop3A_529 = arith.mulf %parallel_loop3A_523, %parallel_loop3A_528 : vector<16xf32>
      %parallel_loop3A_530 = arith.constant 2 : i32
      %parallel_loop3A_531 = arith.index_cast %parallel_loop3A_530 : i32 to index
      %parallel_loop3A_532 = arith.index_cast %parallel_loop3A_518 : i32 to index
      %parallel_loop3A_533 = arith.constant 16 : index
      %parallel_loop3A_534 = tpu.vector_load %arg7[%parallel_loop3A_531, %parallel_loop3A_532, %parallel_loop3A_533] {strides = array<i32>} : memref<4x64x128xf32, #tpu.memory_space<vmem>>, vector<16xf32>,
      %parallel_loop3A_535 = arith.constant 2 : i32
      %parallel_loop3A_536 = arith.index_cast %parallel_loop3A_535 : i32 to index
      %parallel_loop3A_537 = arith.index_cast %parallel_loop3A_518 : i32 to index
      %parallel_loop3A_538 = arith.constant 16 : index
      %parallel_loop3A_539 = tpu.vector_load %arg8[%parallel_loop3A_536, %parallel_loop3A_537, %parallel_loop3A_538] {strides = array<i32>} : memref<4x64x128xf32, #tpu.memory_space<vmem>>, vector<16xf32>,
      %parallel_loop3A_540 = arith.mulf %parallel_loop3A_534, %parallel_loop3A_539 : vector<16xf32>
      %parallel_loop3A_541 = arith.constant 2 : i32
      %parallel_loop3A_542 = arith.index_cast %parallel_loop3A_541 : i32 to index
      %parallel_loop3A_543 = arith.index_cast %parallel_loop3A_518 : i32 to index
      %parallel_loop3A_544 = arith.constant 32 : index
      %parallel_loop3A_545 = tpu.vector_load %arg7[%parallel_loop3A_542, %parallel_loop3A_543, %parallel_loop3A_544] {strides = array<i32>} : memref<4x64x128xf32, #tpu.memory_space<vmem>>, vector<16xf32>,
      %parallel_loop3A_546 = arith.constant 2 : i32
      %parallel_loop3A_547 = arith.index_cast %parallel_loop3A_546 : i32 to index
      %parallel_loop3A_548 = arith.index_cast %parallel_loop3A_518 : i32 to index
      %parallel_loop3A_549 = arith.constant 32 : index
      %parallel_loop3A_550 = tpu.vector_load %arg8[%parallel_loop3A_547, %parallel_loop3A_548, %parallel_loop3A_549] {strides = array<i32>} : memref<4x64x128xf32, #tpu.memory_space<vmem>>, vector<16xf32>,
      %parallel_loop3A_551 = arith.mulf %parallel_loop3A_545, %parallel_loop3A_550 : vector<16xf32>
      %parallel_loop3A_552 = arith.constant 2 : i32
      %parallel_loop3A_553 = arith.index_cast %parallel_loop3A_552 : i32 to index
      %parallel_loop3A_554 = arith.index_cast %parallel_loop3A_518 : i32 to index
      %parallel_loop3A_555 = arith.constant 48 : index
      %parallel_loop3A_556 = tpu.vector_load %arg7[%parallel_loop3A_553, %parallel_loop3A_554, %parallel_loop3A_555] {strides = array<i32>} : memref<4x64x128xf32, #tpu.memory_space<vmem>>, vector<16xf32>,
      %parallel_loop3A_557 = arith.constant 2 : i32
      %parallel_loop3A_558 = arith.index_cast %parallel_loop3A_557 : i32 to index
      %parallel_loop3A_559 = arith.index_cast %parallel_loop3A_518 : i32 to index
      %parallel_loop3A_560 = arith.constant 48 : index
      %parallel_loop3A_561 = tpu.vector_load %arg8[%parallel_loop3A_558, %parallel_loop3A_559, %parallel_loop3A_560] {strides = array<i32>} : memref<4x64x128xf32, #tpu.memory_space<vmem>>, vector<16xf32>,
      %parallel_loop3A_562 = arith.mulf %parallel_loop3A_556, %parallel_loop3A_561 : vector<16xf32>
      %parallel_loop3A_563 = arith.constant 2 : i32
      %parallel_loop3A_564 = arith.index_cast %parallel_loop3A_563 : i32 to index
      %parallel_loop3A_565 = arith.index_cast %parallel_loop3A_518 : i32 to index
      %parallel_loop3A_566 = arith.constant 64 : index
      %parallel_loop3A_567 = tpu.vector_load %arg7[%parallel_loop3A_564, %parallel_loop3A_565, %parallel_loop3A_566] {strides = array<i32>} : memref<4x64x128xf32, #tpu.memory_space<vmem>>, vector<16xf32>,
      %parallel_loop3A_568 = arith.constant 2 : i32
      %parallel_loop3A_569 = arith.index_cast %parallel_loop3A_568 : i32 to index
      %parallel_loop3A_570 = arith.index_cast %parallel_loop3A_518 : i32 to index
      %parallel_loop3A_571 = arith.constant 64 : index
      %parallel_loop3A_572 = tpu.vector_load %arg8[%parallel_loop3A_569, %parallel_loop3A_570, %parallel_loop3A_571] {strides = array<i32>} : memref<4x64x128xf32, #tpu.memory_space<vmem>>, vector<16xf32>,
      %parallel_loop3A_573 = arith.mulf %parallel_loop3A_567, %parallel_loop3A_572 : vector<16xf32>
      %parallel_loop3A_574 = arith.constant 2 : i32
      %parallel_loop3A_575 = arith.index_cast %parallel_loop3A_574 : i32 to index
      %parallel_loop3A_576 = arith.index_cast %parallel_loop3A_518 : i32 to index
      %parallel_loop3A_577 = arith.constant 80 : index
      %parallel_loop3A_578 = tpu.vector_load %arg7[%parallel_loop3A_575, %parallel_loop3A_576, %parallel_loop3A_577] {strides = array<i32>} : memref<4x64x128xf32, #tpu.memory_space<vmem>>, vector<16xf32>,
      %parallel_loop3A_579 = arith.constant 2 : i32
      %parallel_loop3A_580 = arith.index_cast %parallel_loop3A_579 : i32 to index
      %parallel_loop3A_581 = arith.index_cast %parallel_loop3A_518 : i32 to index
      %parallel_loop3A_582 = arith.constant 80 : index
      %parallel_loop3A_583 = tpu.vector_load %arg8[%parallel_loop3A_580, %parallel_loop3A_581, %parallel_loop3A_582] {strides = array<i32>} : memref<4x64x128xf32, #tpu.memory_space<vmem>>, vector<16xf32>,
      %parallel_loop3A_584 = arith.mulf %parallel_loop3A_578, %parallel_loop3A_583 : vector<16xf32>
      %parallel_loop3A_585 = arith.constant 2 : i32
      %parallel_loop3A_586 = arith.index_cast %parallel_loop3A_585 : i32 to index
      %parallel_loop3A_587 = arith.index_cast %parallel_loop3A_518 : i32 to index
      %parallel_loop3A_588 = arith.constant 96 : index
      %parallel_loop3A_589 = tpu.vector_load %arg7[%parallel_loop3A_586, %parallel_loop3A_587, %parallel_loop3A_588] {strides = array<i32>} : memref<4x64x128xf32, #tpu.memory_space<vmem>>, vector<16xf32>,
      %parallel_loop3A_590 = arith.constant 2 : i32
      %parallel_loop3A_591 = arith.index_cast %parallel_loop3A_590 : i32 to index
      %parallel_loop3A_592 = arith.index_cast %parallel_loop3A_518 : i32 to index
      %parallel_loop3A_593 = arith.constant 96 : index
      %parallel_loop3A_594 = tpu.vector_load %arg8[%parallel_loop3A_591, %parallel_loop3A_592, %parallel_loop3A_593] {strides = array<i32>} : memref<4x64x128xf32, #tpu.memory_space<vmem>>, vector<16xf32>,
      %parallel_loop3A_595 = arith.mulf %parallel_loop3A_589, %parallel_loop3A_594 : vector<16xf32>
      %parallel_loop3A_596 = arith.constant 2 : i32
      %parallel_loop3A_597 = arith.index_cast %parallel_loop3A_596 : i32 to index
      %parallel_loop3A_598 = arith.index_cast %parallel_loop3A_518 : i32 to index
      %parallel_loop3A_599 = arith.constant 112 : index
      %parallel_loop3A_600 = tpu.vector_load %arg7[%parallel_loop3A_597, %parallel_loop3A_598, %parallel_loop3A_599] {strides = array<i32>} : memref<4x64x128xf32, #tpu.memory_space<vmem>>, vector<16xf32>,
      %parallel_loop3A_601 = arith.constant 2 : i32
      %parallel_loop3A_602 = arith.index_cast %parallel_loop3A_601 : i32 to index
      %parallel_loop3A_603 = arith.index_cast %parallel_loop3A_518 : i32 to index
      %parallel_loop3A_604 = arith.constant 112 : index
      %parallel_loop3A_605 = tpu.vector_load %arg8[%parallel_loop3A_602, %parallel_loop3A_603, %parallel_loop3A_604] {strides = array<i32>} : memref<4x64x128xf32, #tpu.memory_space<vmem>>, vector<16xf32>,
      %parallel_loop3A_606 = arith.mulf %parallel_loop3A_600, %parallel_loop3A_605 : vector<16xf32>
      %parallel_loop3A_607 = arith.addf %parallel_loop3A_529, %parallel_loop3A_540 : vector<16xf32>
      %parallel_loop3A_608 = arith.addf %parallel_loop3A_551, %parallel_loop3A_562 : vector<16xf32>
      %parallel_loop3A_609 = arith.addf %parallel_loop3A_573, %parallel_loop3A_584 : vector<16xf32>
      %parallel_loop3A_610 = arith.addf %parallel_loop3A_595, %parallel_loop3A_606 : vector<16xf32>
      %parallel_loop3A_611 = arith.addf %parallel_loop3A_607, %parallel_loop3A_608 : vector<16xf32>
      %parallel_loop3A_612 = arith.addf %parallel_loop3A_609, %parallel_loop3A_610 : vector<16xf32>
      %parallel_loop3A_613 = arith.addf %parallel_loop3A_611, %parallel_loop3A_612 : vector<16xf32>
      %parallel_loop3A_614 = arith.constant 1 : i32
      %parallel_loop3A_615 = vector.broadcast %parallel_loop3A_614 : i32 to vector<16xi32>
      %parallel_loop3A_616 = arith.xori %iota3A, %parallel_loop3A_615 : vector<16xi32>
      %parallel_loop3A_617 = arith.constant 0 : i32
      %parallel_loop3A_618 = vector.broadcast %parallel_loop3A_617 : i32 to vector<16xi32>
      %parallel_loop3A_619 = arith.cmpi slt, %parallel_loop3A_616, %parallel_loop3A_618 : vector<16xi32>
      %parallel_loop3A_620 = arith.constant 16 : i32
      %parallel_loop3A_621 = vector.broadcast %parallel_loop3A_620 : i32 to vector<16xi32>
      %parallel_loop3A_622 = arith.addi %parallel_loop3A_616, %parallel_loop3A_621 : vector<16xi32>
      %parallel_loop3A_623 = arith.select %parallel_loop3A_619, %parallel_loop3A_622, %parallel_loop3A_616 : vector<16xi1>, vector<16xi32>
      %parallel_loop3A_624 = vector.shape_cast %parallel_loop3A_623 : vector<16xi32> to vector<16x1xi32>
      %parallel_loop3A_625 = vector.shape_cast %parallel_loop3A_624 : vector<16x1xi32> to vector<16xi32>
      %parallel_loop3A_626 = tpu.dynamic_gather %parallel_loop3A_613[%parallel_loop3A_625] in [0] : vector<16xf32>, vector<16xi32> -> vector<16xf32>
      %parallel_loop3A_627 = arith.addf %parallel_loop3A_613, %parallel_loop3A_626 : vector<16xf32>
      %parallel_loop3A_628 = arith.constant 2 : i32
      %parallel_loop3A_629 = vector.broadcast %parallel_loop3A_628 : i32 to vector<16xi32>
      %parallel_loop3A_630 = arith.xori %iota3A, %parallel_loop3A_629 : vector<16xi32>
      %parallel_loop3A_631 = arith.constant 0 : i32
      %parallel_loop3A_632 = vector.broadcast %parallel_loop3A_631 : i32 to vector<16xi32>
      %parallel_loop3A_633 = arith.cmpi slt, %parallel_loop3A_630, %parallel_loop3A_632 : vector<16xi32>
      %parallel_loop3A_634 = arith.constant 16 : i32
      %parallel_loop3A_635 = vector.broadcast %parallel_loop3A_634 : i32 to vector<16xi32>
      %parallel_loop3A_636 = arith.addi %parallel_loop3A_630, %parallel_loop3A_635 : vector<16xi32>
      %parallel_loop3A_637 = arith.select %parallel_loop3A_633, %parallel_loop3A_636, %parallel_loop3A_630 : vector<16xi1>, vector<16xi32>
      %parallel_loop3A_638 = vector.shape_cast %parallel_loop3A_637 : vector<16xi32> to vector<16x1xi32>
      %parallel_loop3A_639 = vector.shape_cast %parallel_loop3A_638 : vector<16x1xi32> to vector<16xi32>
      %parallel_loop3A_640 = tpu.dynamic_gather %parallel_loop3A_627[%parallel_loop3A_639] in [0] : vector<16xf32>, vector<16xi32> -> vector<16xf32>
      %parallel_loop3A_641 = arith.addf %parallel_loop3A_627, %parallel_loop3A_640 : vector<16xf32>
      %parallel_loop3A_642 = arith.constant 4 : i32
      %parallel_loop3A_643 = vector.broadcast %parallel_loop3A_642 : i32 to vector<16xi32>
      %parallel_loop3A_644 = arith.xori %iota3A, %parallel_loop3A_643 : vector<16xi32>
      %parallel_loop3A_645 = arith.constant 0 : i32
      %parallel_loop3A_646 = vector.broadcast %parallel_loop3A_645 : i32 to vector<16xi32>
      %parallel_loop3A_647 = arith.cmpi slt, %parallel_loop3A_644, %parallel_loop3A_646 : vector<16xi32>
      %parallel_loop3A_648 = arith.constant 16 : i32
      %parallel_loop3A_649 = vector.broadcast %parallel_loop3A_648 : i32 to vector<16xi32>
      %parallel_loop3A_650 = arith.addi %parallel_loop3A_644, %parallel_loop3A_649 : vector<16xi32>
      %parallel_loop3A_651 = arith.select %parallel_loop3A_647, %parallel_loop3A_650, %parallel_loop3A_644 : vector<16xi1>, vector<16xi32>
      %parallel_loop3A_652 = vector.shape_cast %parallel_loop3A_651 : vector<16xi32> to vector<16x1xi32>
      %parallel_loop3A_653 = vector.shape_cast %parallel_loop3A_652 : vector<16x1xi32> to vector<16xi32>
      %parallel_loop3A_654 = tpu.dynamic_gather %parallel_loop3A_641[%parallel_loop3A_653] in [0] : vector<16xf32>, vector<16xi32> -> vector<16xf32>
      %parallel_loop3A_655 = arith.addf %parallel_loop3A_641, %parallel_loop3A_654 : vector<16xf32>
      %parallel_loop3A_656 = arith.constant 8 : i32
      %parallel_loop3A_657 = vector.broadcast %parallel_loop3A_656 : i32 to vector<16xi32>
      %parallel_loop3A_658 = arith.xori %iota3A, %parallel_loop3A_657 : vector<16xi32>
      %parallel_loop3A_659 = arith.constant 0 : i32
      %parallel_loop3A_660 = vector.broadcast %parallel_loop3A_659 : i32 to vector<16xi32>
      %parallel_loop3A_661 = arith.cmpi slt, %parallel_loop3A_658, %parallel_loop3A_660 : vector<16xi32>
      %parallel_loop3A_662 = arith.constant 16 : i32
      %parallel_loop3A_663 = vector.broadcast %parallel_loop3A_662 : i32 to vector<16xi32>
      %parallel_loop3A_664 = arith.addi %parallel_loop3A_658, %parallel_loop3A_663 : vector<16xi32>
      %parallel_loop3A_665 = arith.select %parallel_loop3A_661, %parallel_loop3A_664, %parallel_loop3A_658 : vector<16xi1>, vector<16xi32>
      %parallel_loop3A_666 = vector.shape_cast %parallel_loop3A_665 : vector<16xi32> to vector<16x1xi32>
      %parallel_loop3A_667 = vector.shape_cast %parallel_loop3A_666 : vector<16x1xi32> to vector<16xi32>
      %parallel_loop3A_668 = tpu.dynamic_gather %parallel_loop3A_655[%parallel_loop3A_667] in [0] : vector<16xf32>, vector<16xi32> -> vector<16xf32>
      %parallel_loop3A_669 = arith.addf %parallel_loop3A_655, %parallel_loop3A_668 : vector<16xf32>
      %parallel_loop3A_670 = arith.constant 128 : i32
      %parallel_loop3A_671 = vector.broadcast %parallel_loop3A_670 : i32 to vector<16xi32>
      %parallel_loop3A_672 = vector.broadcast %parallel_loop3A_518 : i32 to vector<16xi32>
      %parallel_loop3A_673 = arith.addi %parallel_loop3A_671, %parallel_loop3A_672 : vector<16xi32>
      %parallel_loop3A_674 = arith.constant 0 : i32
      %parallel_loop3A_675 = vector.broadcast %parallel_loop3A_674 : i32 to vector<16xi32>
      %parallel_loop3A_676 = arith.cmpi eq, %iota3A, %parallel_loop3A_675 : vector<16xi32>
      tpu.vector_store_idx %arg9[%parallel_loop3A_673], %parallel_loop3A_669 masked %parallel_loop3A_676 : memref<512xf32, #tpu.memory_space<vmem>>[vector<16xi32>], vector<16xf32>, vector<16xi1>
    } {sc.loop_unroll_factor = 2 : i64, sc.parallel_access}
    %dma_start3A_224 = arith.constant 0 : i32
    %dma_start3A_225 = arith.constant 0 : i32
    %dma_start3A_226 = arith.constant 0 : i32
    %dma_start3A_227 = arith.constant 0 : i32
    %dma_start3A_228 = tpu.memref_slice %arg7[%dma_start3A_224, %dma_start3A_226, %dma_start3A_227] : memref<4x64x128xf32, #tpu.memory_space<vmem>> -> memref<1x64x128xf32, #tpu.memory_space<vmem>>
    %dma_start3A_229 = tpu.memref_squeeze %dma_start3A_228 : memref<1x64x128xf32, #tpu.memory_space<vmem>> -> memref<64x128xf32, #tpu.memory_space<vmem>>
    %dma_start3A_230 = arith.constant 256 : i32
    %dma_start3A_231 = tpu.memref_slice %arg6[%dma_start3A_230] : memref<512xi32, #tpu.memory_space<vmem>> -> memref<64xi32, #tpu.memory_space<vmem>>
    %dma_start3A_232 = arith.constant 0 : i32
    %dma_start3A_233 = arith.constant 0 : i32
    %dma_start3A_234 = tpu.memref_slice %arg4[%dma_start3A_232, %dma_start3A_233] : memref<100000x128xf32, #tpu.memory_space<hbm>> -> memref<100000x128xf32, #tpu.memory_space<hbm>>
    %dma_start3A_235 = tpu.memref_slice %arg10[%dma_start3A_225] : memref<4x!tpu.dma_semaphore, #tpu.memory_space<semaphore_mem>> -> memref<1x!tpu.dma_semaphore, #tpu.memory_space<semaphore_mem>>
    %dma_start3A_236 = tpu.memref_squeeze %dma_start3A_235 : memref<1x!tpu.dma_semaphore, #tpu.memory_space<semaphore_mem>> -> memref<!tpu.dma_semaphore, #tpu.memory_space<semaphore_mem>>
    tpu.enqueue_indirect_dma source(%dma_start3A_234 : memref<100000x128xf32, #tpu.memory_space<hbm>>) target(%dma_start3A_229 : memref<64x128xf32, #tpu.memory_space<vmem>>) offsets(%dma_start3A_231 : memref<64xi32, #tpu.memory_space<vmem>>) semaphore(%dma_start3A_236 : memref<!tpu.dma_semaphore, #tpu.memory_space<semaphore_mem>>)
    %add3A_237 = arith.constant 256 : i32
    %add3A_238 = arith.addi %mul3A_2, %add3A_237 : i32
    %dma_start3A_239 = arith.constant 0 : i32
    %dma_start3A_240 = arith.constant 0 : i32
    %dma_start3A_241 = arith.constant 0 : i32
    %dma_start3A_242 = arith.constant 0 : i32
    %dma_start3A_243 = tpu.memref_slice %arg8[%dma_start3A_239, %dma_start3A_241, %dma_start3A_242] : memref<4x64x128xf32, #tpu.memory_space<vmem>> -> memref<1x64x128xf32, #tpu.memory_space<vmem>>
    %dma_start3A_244 = tpu.memref_squeeze %dma_start3A_243 : memref<1x64x128xf32, #tpu.memory_space<vmem>> -> memref<64x128xf32, #tpu.memory_space<vmem>>
    %dma_start3A_245 = arith.constant 0 : i32
    %dma_start3A_246 = tpu.memref_slice %arg2[%add3A_238, %dma_start3A_245] : memref<16384x128xf32, #tpu.memory_space<hbm>> -> memref<64x128xf32, #tpu.memory_space<hbm>>
    %dma_start3A_247 = tpu.memref_slice %arg11[%dma_start3A_240] : memref<4x!tpu.dma_semaphore, #tpu.memory_space<semaphore_mem>> -> memref<1x!tpu.dma_semaphore, #tpu.memory_space<semaphore_mem>>
    %dma_start3A_248 = tpu.memref_squeeze %dma_start3A_247 : memref<1x!tpu.dma_semaphore, #tpu.memory_space<semaphore_mem>> -> memref<!tpu.dma_semaphore, #tpu.memory_space<semaphore_mem>>
    %dma_start3A_249 = arith.constant 0 : i32
    %dma_start3A_250 = arith.constant 0 : i32
    %dma_start3A_251 = tpu.memref_slice %arg8[%dma_start3A_239, %dma_start3A_249, %dma_start3A_250] : memref<4x64x128xf32, #tpu.memory_space<vmem>> -> memref<1x64x128xf32, #tpu.memory_space<vmem>>
    %dma_start3A_252 = tpu.memref_squeeze %dma_start3A_251 : memref<1x64x128xf32, #tpu.memory_space<vmem>> -> memref<64x128xf32, #tpu.memory_space<vmem>>
    %dma_start3A_253 = arith.constant 0 : i32
    %dma_start3A_254 = tpu.memref_slice %arg2[%add3A_238, %dma_start3A_253] : memref<16384x128xf32, #tpu.memory_space<hbm>> -> memref<64x128xf32, #tpu.memory_space<hbm>>
    tpu.enqueue_dma source(%dma_start3A_254 : memref<64x128xf32, #tpu.memory_space<hbm>>) target(%dma_start3A_252 : memref<64x128xf32, #tpu.memory_space<vmem>>) target_semaphore(%dma_start3A_248 : memref<!tpu.dma_semaphore, #tpu.memory_space<semaphore_mem>>)
    %dma_wait3A_255 = arith.constant 3 : i32
    %dma_wait3A_256 = arith.constant 3 : i32
    %dma_wait3A_257 = arith.constant 0 : i32
    %dma_wait3A_258 = arith.constant 0 : i32
    %dma_wait3A_259 = tpu.memref_slice %arg7[%dma_wait3A_255, %dma_wait3A_257, %dma_wait3A_258] : memref<4x64x128xf32, #tpu.memory_space<vmem>> -> memref<1x64x128xf32, #tpu.memory_space<vmem>>
    %dma_wait3A_260 = tpu.memref_squeeze %dma_wait3A_259 : memref<1x64x128xf32, #tpu.memory_space<vmem>> -> memref<64x128xf32, #tpu.memory_space<vmem>>
    %dma_wait3A_261 = arith.constant 192 : i32
    %dma_wait3A_262 = tpu.memref_slice %arg6[%dma_wait3A_261] : memref<512xi32, #tpu.memory_space<vmem>> -> memref<64xi32, #tpu.memory_space<vmem>>
    %dma_wait3A_263 = arith.constant 0 : i32
    %dma_wait3A_264 = arith.constant 0 : i32
    %dma_wait3A_265 = tpu.memref_slice %arg4[%dma_wait3A_263, %dma_wait3A_264] : memref<100000x128xf32, #tpu.memory_space<hbm>> -> memref<100000x128xf32, #tpu.memory_space<hbm>>
    %dma_wait3A_266 = tpu.memref_slice %arg10[%dma_wait3A_256] : memref<4x!tpu.dma_semaphore, #tpu.memory_space<semaphore_mem>> -> memref<1x!tpu.dma_semaphore, #tpu.memory_space<semaphore_mem>>
    %dma_wait3A_267 = tpu.memref_squeeze %dma_wait3A_266 : memref<1x!tpu.dma_semaphore, #tpu.memory_space<semaphore_mem>> -> memref<!tpu.dma_semaphore, #tpu.memory_space<semaphore_mem>>
    tpu.wait_indirect_dma semaphore(%dma_wait3A_267 : memref<!tpu.dma_semaphore, #tpu.memory_space<semaphore_mem>>) src(%dma_wait3A_265 : memref<100000x128xf32, #tpu.memory_space<hbm>>) dst(%dma_wait3A_260 : memref<64x128xf32, #tpu.memory_space<vmem>>)
    %add3A_268 = arith.constant 192 : i32
    %add3A_269 = arith.addi %mul3A_2, %add3A_268 : i32
    %dma_wait3A_270 = arith.constant 3 : i32
    %dma_wait3A_271 = arith.constant 3 : i32
    %dma_wait3A_272 = arith.constant 0 : i32
    %dma_wait3A_273 = arith.constant 0 : i32
    %dma_wait3A_274 = tpu.memref_slice %arg8[%dma_wait3A_270, %dma_wait3A_272, %dma_wait3A_273] : memref<4x64x128xf32, #tpu.memory_space<vmem>> -> memref<1x64x128xf32, #tpu.memory_space<vmem>>
    %dma_wait3A_275 = tpu.memref_squeeze %dma_wait3A_274 : memref<1x64x128xf32, #tpu.memory_space<vmem>> -> memref<64x128xf32, #tpu.memory_space<vmem>>
    %dma_wait3A_276 = arith.constant 0 : i32
    %dma_wait3A_277 = tpu.memref_slice %arg2[%add3A_269, %dma_wait3A_276] : memref<16384x128xf32, #tpu.memory_space<hbm>> -> memref<64x128xf32, #tpu.memory_space<hbm>>
    %dma_wait3A_278 = tpu.memref_slice %arg11[%dma_wait3A_271] : memref<4x!tpu.dma_semaphore, #tpu.memory_space<semaphore_mem>> -> memref<1x!tpu.dma_semaphore, #tpu.memory_space<semaphore_mem>>
    %dma_wait3A_279 = tpu.memref_squeeze %dma_wait3A_278 : memref<1x!tpu.dma_semaphore, #tpu.memory_space<semaphore_mem>> -> memref<!tpu.dma_semaphore, #tpu.memory_space<semaphore_mem>>
    %dma_wait3A_280 = arith.constant 0 : i32
    %dma_wait3A_281 = arith.constant 0 : i32
    %dma_wait3A_282 = tpu.memref_slice %arg8[%dma_wait3A_270, %dma_wait3A_280, %dma_wait3A_281] : memref<4x64x128xf32, #tpu.memory_space<vmem>> -> memref<1x64x128xf32, #tpu.memory_space<vmem>>
    %dma_wait3A_283 = tpu.memref_squeeze %dma_wait3A_282 : memref<1x64x128xf32, #tpu.memory_space<vmem>> -> memref<64x128xf32, #tpu.memory_space<vmem>>
    %dma_wait3A_284 = arith.constant 0 : i32
    %dma_wait3A_285 = tpu.memref_slice %arg2[%add3A_269, %dma_wait3A_284] : memref<16384x128xf32, #tpu.memory_space<hbm>> -> memref<64x128xf32, #tpu.memory_space<hbm>>
    tpu.wait_dma2 semaphore(%dma_wait3A_279 : memref<!tpu.dma_semaphore, #tpu.memory_space<semaphore_mem>>) src(%dma_wait3A_285 : memref<64x128xf32, #tpu.memory_space<hbm>>) dst(%dma_wait3A_283 : memref<64x128xf32, #tpu.memory_space<vmem>>)
    %parallel_loop3A_286 = arith.constant 0 : i32
    %parallel_loop3A_287 = arith.constant 64 : i32
    %parallel_loop3A_288 = arith.constant 1 : i32
    scf.for %parallel_loop3A_518 = %parallel_loop3A_286 to %parallel_loop3A_287 step %parallel_loop3A_288  : i32 {
      %parallel_loop3A_519 = arith.constant 3 : i32
      %parallel_loop3A_520 = arith.index_cast %parallel_loop3A_519 : i32 to index
      %parallel_loop3A_521 = arith.index_cast %parallel_loop3A_518 : i32 to index
      %parallel_loop3A_522 = arith.constant 0 : index
      %parallel_loop3A_523 = tpu.vector_load %arg7[%parallel_loop3A_520, %parallel_loop3A_521, %parallel_loop3A_522] {strides = array<i32>} : memref<4x64x128xf32, #tpu.memory_space<vmem>>, vector<16xf32>,
      %parallel_loop3A_524 = arith.constant 3 : i32
      %parallel_loop3A_525 = arith.index_cast %parallel_loop3A_524 : i32 to index
      %parallel_loop3A_526 = arith.index_cast %parallel_loop3A_518 : i32 to index
      %parallel_loop3A_527 = arith.constant 0 : index
      %parallel_loop3A_528 = tpu.vector_load %arg8[%parallel_loop3A_525, %parallel_loop3A_526, %parallel_loop3A_527] {strides = array<i32>} : memref<4x64x128xf32, #tpu.memory_space<vmem>>, vector<16xf32>,
      %parallel_loop3A_529 = arith.mulf %parallel_loop3A_523, %parallel_loop3A_528 : vector<16xf32>
      %parallel_loop3A_530 = arith.constant 3 : i32
      %parallel_loop3A_531 = arith.index_cast %parallel_loop3A_530 : i32 to index
      %parallel_loop3A_532 = arith.index_cast %parallel_loop3A_518 : i32 to index
      %parallel_loop3A_533 = arith.constant 16 : index
      %parallel_loop3A_534 = tpu.vector_load %arg7[%parallel_loop3A_531, %parallel_loop3A_532, %parallel_loop3A_533] {strides = array<i32>} : memref<4x64x128xf32, #tpu.memory_space<vmem>>, vector<16xf32>,
      %parallel_loop3A_535 = arith.constant 3 : i32
      %parallel_loop3A_536 = arith.index_cast %parallel_loop3A_535 : i32 to index
      %parallel_loop3A_537 = arith.index_cast %parallel_loop3A_518 : i32 to index
      %parallel_loop3A_538 = arith.constant 16 : index
      %parallel_loop3A_539 = tpu.vector_load %arg8[%parallel_loop3A_536, %parallel_loop3A_537, %parallel_loop3A_538] {strides = array<i32>} : memref<4x64x128xf32, #tpu.memory_space<vmem>>, vector<16xf32>,
      %parallel_loop3A_540 = arith.mulf %parallel_loop3A_534, %parallel_loop3A_539 : vector<16xf32>
      %parallel_loop3A_541 = arith.constant 3 : i32
      %parallel_loop3A_542 = arith.index_cast %parallel_loop3A_541 : i32 to index
      %parallel_loop3A_543 = arith.index_cast %parallel_loop3A_518 : i32 to index
      %parallel_loop3A_544 = arith.constant 32 : index
      %parallel_loop3A_545 = tpu.vector_load %arg7[%parallel_loop3A_542, %parallel_loop3A_543, %parallel_loop3A_544] {strides = array<i32>} : memref<4x64x128xf32, #tpu.memory_space<vmem>>, vector<16xf32>,
      %parallel_loop3A_546 = arith.constant 3 : i32
      %parallel_loop3A_547 = arith.index_cast %parallel_loop3A_546 : i32 to index
      %parallel_loop3A_548 = arith.index_cast %parallel_loop3A_518 : i32 to index
      %parallel_loop3A_549 = arith.constant 32 : index
      %parallel_loop3A_550 = tpu.vector_load %arg8[%parallel_loop3A_547, %parallel_loop3A_548, %parallel_loop3A_549] {strides = array<i32>} : memref<4x64x128xf32, #tpu.memory_space<vmem>>, vector<16xf32>,
      %parallel_loop3A_551 = arith.mulf %parallel_loop3A_545, %parallel_loop3A_550 : vector<16xf32>
      %parallel_loop3A_552 = arith.constant 3 : i32
      %parallel_loop3A_553 = arith.index_cast %parallel_loop3A_552 : i32 to index
      %parallel_loop3A_554 = arith.index_cast %parallel_loop3A_518 : i32 to index
      %parallel_loop3A_555 = arith.constant 48 : index
      %parallel_loop3A_556 = tpu.vector_load %arg7[%parallel_loop3A_553, %parallel_loop3A_554, %parallel_loop3A_555] {strides = array<i32>} : memref<4x64x128xf32, #tpu.memory_space<vmem>>, vector<16xf32>,
      %parallel_loop3A_557 = arith.constant 3 : i32
      %parallel_loop3A_558 = arith.index_cast %parallel_loop3A_557 : i32 to index
      %parallel_loop3A_559 = arith.index_cast %parallel_loop3A_518 : i32 to index
      %parallel_loop3A_560 = arith.constant 48 : index
      %parallel_loop3A_561 = tpu.vector_load %arg8[%parallel_loop3A_558, %parallel_loop3A_559, %parallel_loop3A_560] {strides = array<i32>} : memref<4x64x128xf32, #tpu.memory_space<vmem>>, vector<16xf32>,
      %parallel_loop3A_562 = arith.mulf %parallel_loop3A_556, %parallel_loop3A_561 : vector<16xf32>
      %parallel_loop3A_563 = arith.constant 3 : i32
      %parallel_loop3A_564 = arith.index_cast %parallel_loop3A_563 : i32 to index
      %parallel_loop3A_565 = arith.index_cast %parallel_loop3A_518 : i32 to index
      %parallel_loop3A_566 = arith.constant 64 : index
      %parallel_loop3A_567 = tpu.vector_load %arg7[%parallel_loop3A_564, %parallel_loop3A_565, %parallel_loop3A_566] {strides = array<i32>} : memref<4x64x128xf32, #tpu.memory_space<vmem>>, vector<16xf32>,
      %parallel_loop3A_568 = arith.constant 3 : i32
      %parallel_loop3A_569 = arith.index_cast %parallel_loop3A_568 : i32 to index
      %parallel_loop3A_570 = arith.index_cast %parallel_loop3A_518 : i32 to index
      %parallel_loop3A_571 = arith.constant 64 : index
      %parallel_loop3A_572 = tpu.vector_load %arg8[%parallel_loop3A_569, %parallel_loop3A_570, %parallel_loop3A_571] {strides = array<i32>} : memref<4x64x128xf32, #tpu.memory_space<vmem>>, vector<16xf32>,
      %parallel_loop3A_573 = arith.mulf %parallel_loop3A_567, %parallel_loop3A_572 : vector<16xf32>
      %parallel_loop3A_574 = arith.constant 3 : i32
      %parallel_loop3A_575 = arith.index_cast %parallel_loop3A_574 : i32 to index
      %parallel_loop3A_576 = arith.index_cast %parallel_loop3A_518 : i32 to index
      %parallel_loop3A_577 = arith.constant 80 : index
      %parallel_loop3A_578 = tpu.vector_load %arg7[%parallel_loop3A_575, %parallel_loop3A_576, %parallel_loop3A_577] {strides = array<i32>} : memref<4x64x128xf32, #tpu.memory_space<vmem>>, vector<16xf32>,
      %parallel_loop3A_579 = arith.constant 3 : i32
      %parallel_loop3A_580 = arith.index_cast %parallel_loop3A_579 : i32 to index
      %parallel_loop3A_581 = arith.index_cast %parallel_loop3A_518 : i32 to index
      %parallel_loop3A_582 = arith.constant 80 : index
      %parallel_loop3A_583 = tpu.vector_load %arg8[%parallel_loop3A_580, %parallel_loop3A_581, %parallel_loop3A_582] {strides = array<i32>} : memref<4x64x128xf32, #tpu.memory_space<vmem>>, vector<16xf32>,
      %parallel_loop3A_584 = arith.mulf %parallel_loop3A_578, %parallel_loop3A_583 : vector<16xf32>
      %parallel_loop3A_585 = arith.constant 3 : i32
      %parallel_loop3A_586 = arith.index_cast %parallel_loop3A_585 : i32 to index
      %parallel_loop3A_587 = arith.index_cast %parallel_loop3A_518 : i32 to index
      %parallel_loop3A_588 = arith.constant 96 : index
      %parallel_loop3A_589 = tpu.vector_load %arg7[%parallel_loop3A_586, %parallel_loop3A_587, %parallel_loop3A_588] {strides = array<i32>} : memref<4x64x128xf32, #tpu.memory_space<vmem>>, vector<16xf32>,
      %parallel_loop3A_590 = arith.constant 3 : i32
      %parallel_loop3A_591 = arith.index_cast %parallel_loop3A_590 : i32 to index
      %parallel_loop3A_592 = arith.index_cast %parallel_loop3A_518 : i32 to index
      %parallel_loop3A_593 = arith.constant 96 : index
      %parallel_loop3A_594 = tpu.vector_load %arg8[%parallel_loop3A_591, %parallel_loop3A_592, %parallel_loop3A_593] {strides = array<i32>} : memref<4x64x128xf32, #tpu.memory_space<vmem>>, vector<16xf32>,
      %parallel_loop3A_595 = arith.mulf %parallel_loop3A_589, %parallel_loop3A_594 : vector<16xf32>
      %parallel_loop3A_596 = arith.constant 3 : i32
      %parallel_loop3A_597 = arith.index_cast %parallel_loop3A_596 : i32 to index
      %parallel_loop3A_598 = arith.index_cast %parallel_loop3A_518 : i32 to index
      %parallel_loop3A_599 = arith.constant 112 : index
      %parallel_loop3A_600 = tpu.vector_load %arg7[%parallel_loop3A_597, %parallel_loop3A_598, %parallel_loop3A_599] {strides = array<i32>} : memref<4x64x128xf32, #tpu.memory_space<vmem>>, vector<16xf32>,
      %parallel_loop3A_601 = arith.constant 3 : i32
      %parallel_loop3A_602 = arith.index_cast %parallel_loop3A_601 : i32 to index
      %parallel_loop3A_603 = arith.index_cast %parallel_loop3A_518 : i32 to index
      %parallel_loop3A_604 = arith.constant 112 : index
      %parallel_loop3A_605 = tpu.vector_load %arg8[%parallel_loop3A_602, %parallel_loop3A_603, %parallel_loop3A_604] {strides = array<i32>} : memref<4x64x128xf32, #tpu.memory_space<vmem>>, vector<16xf32>,
      %parallel_loop3A_606 = arith.mulf %parallel_loop3A_600, %parallel_loop3A_605 : vector<16xf32>
      %parallel_loop3A_607 = arith.addf %parallel_loop3A_529, %parallel_loop3A_540 : vector<16xf32>
      %parallel_loop3A_608 = arith.addf %parallel_loop3A_551, %parallel_loop3A_562 : vector<16xf32>
      %parallel_loop3A_609 = arith.addf %parallel_loop3A_573, %parallel_loop3A_584 : vector<16xf32>
      %parallel_loop3A_610 = arith.addf %parallel_loop3A_595, %parallel_loop3A_606 : vector<16xf32>
      %parallel_loop3A_611 = arith.addf %parallel_loop3A_607, %parallel_loop3A_608 : vector<16xf32>
      %parallel_loop3A_612 = arith.addf %parallel_loop3A_609, %parallel_loop3A_610 : vector<16xf32>
      %parallel_loop3A_613 = arith.addf %parallel_loop3A_611, %parallel_loop3A_612 : vector<16xf32>
      %parallel_loop3A_614 = arith.constant 1 : i32
      %parallel_loop3A_615 = vector.broadcast %parallel_loop3A_614 : i32 to vector<16xi32>
      %parallel_loop3A_616 = arith.xori %iota3A, %parallel_loop3A_615 : vector<16xi32>
      %parallel_loop3A_617 = arith.constant 0 : i32
      %parallel_loop3A_618 = vector.broadcast %parallel_loop3A_617 : i32 to vector<16xi32>
      %parallel_loop3A_619 = arith.cmpi slt, %parallel_loop3A_616, %parallel_loop3A_618 : vector<16xi32>
      %parallel_loop3A_620 = arith.constant 16 : i32
      %parallel_loop3A_621 = vector.broadcast %parallel_loop3A_620 : i32 to vector<16xi32>
      %parallel_loop3A_622 = arith.addi %parallel_loop3A_616, %parallel_loop3A_621 : vector<16xi32>
      %parallel_loop3A_623 = arith.select %parallel_loop3A_619, %parallel_loop3A_622, %parallel_loop3A_616 : vector<16xi1>, vector<16xi32>
      %parallel_loop3A_624 = vector.shape_cast %parallel_loop3A_623 : vector<16xi32> to vector<16x1xi32>
      %parallel_loop3A_625 = vector.shape_cast %parallel_loop3A_624 : vector<16x1xi32> to vector<16xi32>
      %parallel_loop3A_626 = tpu.dynamic_gather %parallel_loop3A_613[%parallel_loop3A_625] in [0] : vector<16xf32>, vector<16xi32> -> vector<16xf32>
      %parallel_loop3A_627 = arith.addf %parallel_loop3A_613, %parallel_loop3A_626 : vector<16xf32>
      %parallel_loop3A_628 = arith.constant 2 : i32
      %parallel_loop3A_629 = vector.broadcast %parallel_loop3A_628 : i32 to vector<16xi32>
      %parallel_loop3A_630 = arith.xori %iota3A, %parallel_loop3A_629 : vector<16xi32>
      %parallel_loop3A_631 = arith.constant 0 : i32
      %parallel_loop3A_632 = vector.broadcast %parallel_loop3A_631 : i32 to vector<16xi32>
      %parallel_loop3A_633 = arith.cmpi slt, %parallel_loop3A_630, %parallel_loop3A_632 : vector<16xi32>
      %parallel_loop3A_634 = arith.constant 16 : i32
      %parallel_loop3A_635 = vector.broadcast %parallel_loop3A_634 : i32 to vector<16xi32>
      %parallel_loop3A_636 = arith.addi %parallel_loop3A_630, %parallel_loop3A_635 : vector<16xi32>
      %parallel_loop3A_637 = arith.select %parallel_loop3A_633, %parallel_loop3A_636, %parallel_loop3A_630 : vector<16xi1>, vector<16xi32>
      %parallel_loop3A_638 = vector.shape_cast %parallel_loop3A_637 : vector<16xi32> to vector<16x1xi32>
      %parallel_loop3A_639 = vector.shape_cast %parallel_loop3A_638 : vector<16x1xi32> to vector<16xi32>
      %parallel_loop3A_640 = tpu.dynamic_gather %parallel_loop3A_627[%parallel_loop3A_639] in [0] : vector<16xf32>, vector<16xi32> -> vector<16xf32>
      %parallel_loop3A_641 = arith.addf %parallel_loop3A_627, %parallel_loop3A_640 : vector<16xf32>
      %parallel_loop3A_642 = arith.constant 4 : i32
      %parallel_loop3A_643 = vector.broadcast %parallel_loop3A_642 : i32 to vector<16xi32>
      %parallel_loop3A_644 = arith.xori %iota3A, %parallel_loop3A_643 : vector<16xi32>
      %parallel_loop3A_645 = arith.constant 0 : i32
      %parallel_loop3A_646 = vector.broadcast %parallel_loop3A_645 : i32 to vector<16xi32>
      %parallel_loop3A_647 = arith.cmpi slt, %parallel_loop3A_644, %parallel_loop3A_646 : vector<16xi32>
      %parallel_loop3A_648 = arith.constant 16 : i32
      %parallel_loop3A_649 = vector.broadcast %parallel_loop3A_648 : i32 to vector<16xi32>
      %parallel_loop3A_650 = arith.addi %parallel_loop3A_644, %parallel_loop3A_649 : vector<16xi32>
      %parallel_loop3A_651 = arith.select %parallel_loop3A_647, %parallel_loop3A_650, %parallel_loop3A_644 : vector<16xi1>, vector<16xi32>
      %parallel_loop3A_652 = vector.shape_cast %parallel_loop3A_651 : vector<16xi32> to vector<16x1xi32>
      %parallel_loop3A_653 = vector.shape_cast %parallel_loop3A_652 : vector<16x1xi32> to vector<16xi32>
      %parallel_loop3A_654 = tpu.dynamic_gather %parallel_loop3A_641[%parallel_loop3A_653] in [0] : vector<16xf32>, vector<16xi32> -> vector<16xf32>
      %parallel_loop3A_655 = arith.addf %parallel_loop3A_641, %parallel_loop3A_654 : vector<16xf32>
      %parallel_loop3A_656 = arith.constant 8 : i32
      %parallel_loop3A_657 = vector.broadcast %parallel_loop3A_656 : i32 to vector<16xi32>
      %parallel_loop3A_658 = arith.xori %iota3A, %parallel_loop3A_657 : vector<16xi32>
      %parallel_loop3A_659 = arith.constant 0 : i32
      %parallel_loop3A_660 = vector.broadcast %parallel_loop3A_659 : i32 to vector<16xi32>
      %parallel_loop3A_661 = arith.cmpi slt, %parallel_loop3A_658, %parallel_loop3A_660 : vector<16xi32>
      %parallel_loop3A_662 = arith.constant 16 : i32
      %parallel_loop3A_663 = vector.broadcast %parallel_loop3A_662 : i32 to vector<16xi32>
      %parallel_loop3A_664 = arith.addi %parallel_loop3A_658, %parallel_loop3A_663 : vector<16xi32>
      %parallel_loop3A_665 = arith.select %parallel_loop3A_661, %parallel_loop3A_664, %parallel_loop3A_658 : vector<16xi1>, vector<16xi32>
      %parallel_loop3A_666 = vector.shape_cast %parallel_loop3A_665 : vector<16xi32> to vector<16x1xi32>
      %parallel_loop3A_667 = vector.shape_cast %parallel_loop3A_666 : vector<16x1xi32> to vector<16xi32>
      %parallel_loop3A_668 = tpu.dynamic_gather %parallel_loop3A_655[%parallel_loop3A_667] in [0] : vector<16xf32>, vector<16xi32> -> vector<16xf32>
      %parallel_loop3A_669 = arith.addf %parallel_loop3A_655, %parallel_loop3A_668 : vector<16xf32>
      %parallel_loop3A_670 = arith.constant 192 : i32
      %parallel_loop3A_671 = vector.broadcast %parallel_loop3A_670 : i32 to vector<16xi32>
      %parallel_loop3A_672 = vector.broadcast %parallel_loop3A_518 : i32 to vector<16xi32>
      %parallel_loop3A_673 = arith.addi %parallel_loop3A_671, %parallel_loop3A_672 : vector<16xi32>
      %parallel_loop3A_674 = arith.constant 0 : i32
      %parallel_loop3A_675 = vector.broadcast %parallel_loop3A_674 : i32 to vector<16xi32>
      %parallel_loop3A_676 = arith.cmpi eq, %iota3A, %parallel_loop3A_675 : vector<16xi32>
      tpu.vector_store_idx %arg9[%parallel_loop3A_673], %parallel_loop3A_669 masked %parallel_loop3A_676 : memref<512xf32, #tpu.memory_space<vmem>>[vector<16xi32>], vector<16xf32>, vector<16xi1>
    } {sc.loop_unroll_factor = 2 : i64, sc.parallel_access}
    %dma_start3A_289 = arith.constant 1 : i32
    %dma_start3A_290 = arith.constant 1 : i32
    %dma_start3A_291 = arith.constant 0 : i32
    %dma_start3A_292 = arith.constant 0 : i32
    %dma_start3A_293 = tpu.memref_slice %arg7[%dma_start3A_289, %dma_start3A_291, %dma_start3A_292] : memref<4x64x128xf32, #tpu.memory_space<vmem>> -> memref<1x64x128xf32, #tpu.memory_space<vmem>>
    %dma_start3A_294 = tpu.memref_squeeze %dma_start3A_293 : memref<1x64x128xf32, #tpu.memory_space<vmem>> -> memref<64x128xf32, #tpu.memory_space<vmem>>
    %dma_start3A_295 = arith.constant 320 : i32
    %dma_start3A_296 = tpu.memref_slice %arg6[%dma_start3A_295] : memref<512xi32, #tpu.memory_space<vmem>> -> memref<64xi32, #tpu.memory_space<vmem>>
    %dma_start3A_297 = arith.constant 0 : i32
    %dma_start3A_298 = arith.constant 0 : i32
    %dma_start3A_299 = tpu.memref_slice %arg4[%dma_start3A_297, %dma_start3A_298] : memref<100000x128xf32, #tpu.memory_space<hbm>> -> memref<100000x128xf32, #tpu.memory_space<hbm>>
    %dma_start3A_300 = tpu.memref_slice %arg10[%dma_start3A_290] : memref<4x!tpu.dma_semaphore, #tpu.memory_space<semaphore_mem>> -> memref<1x!tpu.dma_semaphore, #tpu.memory_space<semaphore_mem>>
    %dma_start3A_301 = tpu.memref_squeeze %dma_start3A_300 : memref<1x!tpu.dma_semaphore, #tpu.memory_space<semaphore_mem>> -> memref<!tpu.dma_semaphore, #tpu.memory_space<semaphore_mem>>
    tpu.enqueue_indirect_dma source(%dma_start3A_299 : memref<100000x128xf32, #tpu.memory_space<hbm>>) target(%dma_start3A_294 : memref<64x128xf32, #tpu.memory_space<vmem>>) offsets(%dma_start3A_296 : memref<64xi32, #tpu.memory_space<vmem>>) semaphore(%dma_start3A_301 : memref<!tpu.dma_semaphore, #tpu.memory_space<semaphore_mem>>)
    %add3A_302 = arith.constant 320 : i32
    %add3A_303 = arith.addi %mul3A_2, %add3A_302 : i32
    %dma_start3A_304 = arith.constant 1 : i32
    %dma_start3A_305 = arith.constant 1 : i32
    %dma_start3A_306 = arith.constant 0 : i32
    %dma_start3A_307 = arith.constant 0 : i32
    %dma_start3A_308 = tpu.memref_slice %arg8[%dma_start3A_304, %dma_start3A_306, %dma_start3A_307] : memref<4x64x128xf32, #tpu.memory_space<vmem>> -> memref<1x64x128xf32, #tpu.memory_space<vmem>>
    %dma_start3A_309 = tpu.memref_squeeze %dma_start3A_308 : memref<1x64x128xf32, #tpu.memory_space<vmem>> -> memref<64x128xf32, #tpu.memory_space<vmem>>
    %dma_start3A_310 = arith.constant 0 : i32
    %dma_start3A_311 = tpu.memref_slice %arg2[%add3A_303, %dma_start3A_310] : memref<16384x128xf32, #tpu.memory_space<hbm>> -> memref<64x128xf32, #tpu.memory_space<hbm>>
    %dma_start3A_312 = tpu.memref_slice %arg11[%dma_start3A_305] : memref<4x!tpu.dma_semaphore, #tpu.memory_space<semaphore_mem>> -> memref<1x!tpu.dma_semaphore, #tpu.memory_space<semaphore_mem>>
    %dma_start3A_313 = tpu.memref_squeeze %dma_start3A_312 : memref<1x!tpu.dma_semaphore, #tpu.memory_space<semaphore_mem>> -> memref<!tpu.dma_semaphore, #tpu.memory_space<semaphore_mem>>
    %dma_start3A_314 = arith.constant 0 : i32
    %dma_start3A_315 = arith.constant 0 : i32
    %dma_start3A_316 = tpu.memref_slice %arg8[%dma_start3A_304, %dma_start3A_314, %dma_start3A_315] : memref<4x64x128xf32, #tpu.memory_space<vmem>> -> memref<1x64x128xf32, #tpu.memory_space<vmem>>
    %dma_start3A_317 = tpu.memref_squeeze %dma_start3A_316 : memref<1x64x128xf32, #tpu.memory_space<vmem>> -> memref<64x128xf32, #tpu.memory_space<vmem>>
    %dma_start3A_318 = arith.constant 0 : i32
    %dma_start3A_319 = tpu.memref_slice %arg2[%add3A_303, %dma_start3A_318] : memref<16384x128xf32, #tpu.memory_space<hbm>> -> memref<64x128xf32, #tpu.memory_space<hbm>>
    tpu.enqueue_dma source(%dma_start3A_319 : memref<64x128xf32, #tpu.memory_space<hbm>>) target(%dma_start3A_317 : memref<64x128xf32, #tpu.memory_space<vmem>>) target_semaphore(%dma_start3A_313 : memref<!tpu.dma_semaphore, #tpu.memory_space<semaphore_mem>>)
    %dma_wait3A_320 = arith.constant 0 : i32
    %dma_wait3A_321 = arith.constant 0 : i32
    %dma_wait3A_322 = arith.constant 0 : i32
    %dma_wait3A_323 = arith.constant 0 : i32
    %dma_wait3A_324 = tpu.memref_slice %arg7[%dma_wait3A_320, %dma_wait3A_322, %dma_wait3A_323] : memref<4x64x128xf32, #tpu.memory_space<vmem>> -> memref<1x64x128xf32, #tpu.memory_space<vmem>>
    %dma_wait3A_325 = tpu.memref_squeeze %dma_wait3A_324 : memref<1x64x128xf32, #tpu.memory_space<vmem>> -> memref<64x128xf32, #tpu.memory_space<vmem>>
    %dma_wait3A_326 = arith.constant 256 : i32
    %dma_wait3A_327 = tpu.memref_slice %arg6[%dma_wait3A_326] : memref<512xi32, #tpu.memory_space<vmem>> -> memref<64xi32, #tpu.memory_space<vmem>>
    %dma_wait3A_328 = arith.constant 0 : i32
    %dma_wait3A_329 = arith.constant 0 : i32
    %dma_wait3A_330 = tpu.memref_slice %arg4[%dma_wait3A_328, %dma_wait3A_329] : memref<100000x128xf32, #tpu.memory_space<hbm>> -> memref<100000x128xf32, #tpu.memory_space<hbm>>
    %dma_wait3A_331 = tpu.memref_slice %arg10[%dma_wait3A_321] : memref<4x!tpu.dma_semaphore, #tpu.memory_space<semaphore_mem>> -> memref<1x!tpu.dma_semaphore, #tpu.memory_space<semaphore_mem>>
    %dma_wait3A_332 = tpu.memref_squeeze %dma_wait3A_331 : memref<1x!tpu.dma_semaphore, #tpu.memory_space<semaphore_mem>> -> memref<!tpu.dma_semaphore, #tpu.memory_space<semaphore_mem>>
    tpu.wait_indirect_dma semaphore(%dma_wait3A_332 : memref<!tpu.dma_semaphore, #tpu.memory_space<semaphore_mem>>) src(%dma_wait3A_330 : memref<100000x128xf32, #tpu.memory_space<hbm>>) dst(%dma_wait3A_325 : memref<64x128xf32, #tpu.memory_space<vmem>>)
    %add3A_333 = arith.constant 256 : i32
    %add3A_334 = arith.addi %mul3A_2, %add3A_333 : i32
    %dma_wait3A_335 = arith.constant 0 : i32
    %dma_wait3A_336 = arith.constant 0 : i32
    %dma_wait3A_337 = arith.constant 0 : i32
    %dma_wait3A_338 = arith.constant 0 : i32
    %dma_wait3A_339 = tpu.memref_slice %arg8[%dma_wait3A_335, %dma_wait3A_337, %dma_wait3A_338] : memref<4x64x128xf32, #tpu.memory_space<vmem>> -> memref<1x64x128xf32, #tpu.memory_space<vmem>>
    %dma_wait3A_340 = tpu.memref_squeeze %dma_wait3A_339 : memref<1x64x128xf32, #tpu.memory_space<vmem>> -> memref<64x128xf32, #tpu.memory_space<vmem>>
    %dma_wait3A_341 = arith.constant 0 : i32
    %dma_wait3A_342 = tpu.memref_slice %arg2[%add3A_334, %dma_wait3A_341] : memref<16384x128xf32, #tpu.memory_space<hbm>> -> memref<64x128xf32, #tpu.memory_space<hbm>>
    %dma_wait3A_343 = tpu.memref_slice %arg11[%dma_wait3A_336] : memref<4x!tpu.dma_semaphore, #tpu.memory_space<semaphore_mem>> -> memref<1x!tpu.dma_semaphore, #tpu.memory_space<semaphore_mem>>
    %dma_wait3A_344 = tpu.memref_squeeze %dma_wait3A_343 : memref<1x!tpu.dma_semaphore, #tpu.memory_space<semaphore_mem>> -> memref<!tpu.dma_semaphore, #tpu.memory_space<semaphore_mem>>
    %dma_wait3A_345 = arith.constant 0 : i32
    %dma_wait3A_346 = arith.constant 0 : i32
    %dma_wait3A_347 = tpu.memref_slice %arg8[%dma_wait3A_335, %dma_wait3A_345, %dma_wait3A_346] : memref<4x64x128xf32, #tpu.memory_space<vmem>> -> memref<1x64x128xf32, #tpu.memory_space<vmem>>
    %dma_wait3A_348 = tpu.memref_squeeze %dma_wait3A_347 : memref<1x64x128xf32, #tpu.memory_space<vmem>> -> memref<64x128xf32, #tpu.memory_space<vmem>>
    %dma_wait3A_349 = arith.constant 0 : i32
    %dma_wait3A_350 = tpu.memref_slice %arg2[%add3A_334, %dma_wait3A_349] : memref<16384x128xf32, #tpu.memory_space<hbm>> -> memref<64x128xf32, #tpu.memory_space<hbm>>
    tpu.wait_dma2 semaphore(%dma_wait3A_344 : memref<!tpu.dma_semaphore, #tpu.memory_space<semaphore_mem>>) src(%dma_wait3A_350 : memref<64x128xf32, #tpu.memory_space<hbm>>) dst(%dma_wait3A_348 : memref<64x128xf32, #tpu.memory_space<vmem>>)
    %parallel_loop3A_351 = arith.constant 0 : i32
    %parallel_loop3A_352 = arith.constant 64 : i32
    %parallel_loop3A_353 = arith.constant 1 : i32
    scf.for %parallel_loop3A_518 = %parallel_loop3A_351 to %parallel_loop3A_352 step %parallel_loop3A_353  : i32 {
      %parallel_loop3A_519 = arith.constant 0 : i32
      %parallel_loop3A_520 = arith.index_cast %parallel_loop3A_519 : i32 to index
      %parallel_loop3A_521 = arith.index_cast %parallel_loop3A_518 : i32 to index
      %parallel_loop3A_522 = arith.constant 0 : index
      %parallel_loop3A_523 = tpu.vector_load %arg7[%parallel_loop3A_520, %parallel_loop3A_521, %parallel_loop3A_522] {strides = array<i32>} : memref<4x64x128xf32, #tpu.memory_space<vmem>>, vector<16xf32>,
      %parallel_loop3A_524 = arith.constant 0 : i32
      %parallel_loop3A_525 = arith.index_cast %parallel_loop3A_524 : i32 to index
      %parallel_loop3A_526 = arith.index_cast %parallel_loop3A_518 : i32 to index
      %parallel_loop3A_527 = arith.constant 0 : index
      %parallel_loop3A_528 = tpu.vector_load %arg8[%parallel_loop3A_525, %parallel_loop3A_526, %parallel_loop3A_527] {strides = array<i32>} : memref<4x64x128xf32, #tpu.memory_space<vmem>>, vector<16xf32>,
      %parallel_loop3A_529 = arith.mulf %parallel_loop3A_523, %parallel_loop3A_528 : vector<16xf32>
      %parallel_loop3A_530 = arith.constant 0 : i32
      %parallel_loop3A_531 = arith.index_cast %parallel_loop3A_530 : i32 to index
      %parallel_loop3A_532 = arith.index_cast %parallel_loop3A_518 : i32 to index
      %parallel_loop3A_533 = arith.constant 16 : index
      %parallel_loop3A_534 = tpu.vector_load %arg7[%parallel_loop3A_531, %parallel_loop3A_532, %parallel_loop3A_533] {strides = array<i32>} : memref<4x64x128xf32, #tpu.memory_space<vmem>>, vector<16xf32>,
      %parallel_loop3A_535 = arith.constant 0 : i32
      %parallel_loop3A_536 = arith.index_cast %parallel_loop3A_535 : i32 to index
      %parallel_loop3A_537 = arith.index_cast %parallel_loop3A_518 : i32 to index
      %parallel_loop3A_538 = arith.constant 16 : index
      %parallel_loop3A_539 = tpu.vector_load %arg8[%parallel_loop3A_536, %parallel_loop3A_537, %parallel_loop3A_538] {strides = array<i32>} : memref<4x64x128xf32, #tpu.memory_space<vmem>>, vector<16xf32>,
      %parallel_loop3A_540 = arith.mulf %parallel_loop3A_534, %parallel_loop3A_539 : vector<16xf32>
      %parallel_loop3A_541 = arith.constant 0 : i32
      %parallel_loop3A_542 = arith.index_cast %parallel_loop3A_541 : i32 to index
      %parallel_loop3A_543 = arith.index_cast %parallel_loop3A_518 : i32 to index
      %parallel_loop3A_544 = arith.constant 32 : index
      %parallel_loop3A_545 = tpu.vector_load %arg7[%parallel_loop3A_542, %parallel_loop3A_543, %parallel_loop3A_544] {strides = array<i32>} : memref<4x64x128xf32, #tpu.memory_space<vmem>>, vector<16xf32>,
      %parallel_loop3A_546 = arith.constant 0 : i32
      %parallel_loop3A_547 = arith.index_cast %parallel_loop3A_546 : i32 to index
      %parallel_loop3A_548 = arith.index_cast %parallel_loop3A_518 : i32 to index
      %parallel_loop3A_549 = arith.constant 32 : index
      %parallel_loop3A_550 = tpu.vector_load %arg8[%parallel_loop3A_547, %parallel_loop3A_548, %parallel_loop3A_549] {strides = array<i32>} : memref<4x64x128xf32, #tpu.memory_space<vmem>>, vector<16xf32>,
      %parallel_loop3A_551 = arith.mulf %parallel_loop3A_545, %parallel_loop3A_550 : vector<16xf32>
      %parallel_loop3A_552 = arith.constant 0 : i32
      %parallel_loop3A_553 = arith.index_cast %parallel_loop3A_552 : i32 to index
      %parallel_loop3A_554 = arith.index_cast %parallel_loop3A_518 : i32 to index
      %parallel_loop3A_555 = arith.constant 48 : index
      %parallel_loop3A_556 = tpu.vector_load %arg7[%parallel_loop3A_553, %parallel_loop3A_554, %parallel_loop3A_555] {strides = array<i32>} : memref<4x64x128xf32, #tpu.memory_space<vmem>>, vector<16xf32>,
      %parallel_loop3A_557 = arith.constant 0 : i32
      %parallel_loop3A_558 = arith.index_cast %parallel_loop3A_557 : i32 to index
      %parallel_loop3A_559 = arith.index_cast %parallel_loop3A_518 : i32 to index
      %parallel_loop3A_560 = arith.constant 48 : index
      %parallel_loop3A_561 = tpu.vector_load %arg8[%parallel_loop3A_558, %parallel_loop3A_559, %parallel_loop3A_560] {strides = array<i32>} : memref<4x64x128xf32, #tpu.memory_space<vmem>>, vector<16xf32>,
      %parallel_loop3A_562 = arith.mulf %parallel_loop3A_556, %parallel_loop3A_561 : vector<16xf32>
      %parallel_loop3A_563 = arith.constant 0 : i32
      %parallel_loop3A_564 = arith.index_cast %parallel_loop3A_563 : i32 to index
      %parallel_loop3A_565 = arith.index_cast %parallel_loop3A_518 : i32 to index
      %parallel_loop3A_566 = arith.constant 64 : index
      %parallel_loop3A_567 = tpu.vector_load %arg7[%parallel_loop3A_564, %parallel_loop3A_565, %parallel_loop3A_566] {strides = array<i32>} : memref<4x64x128xf32, #tpu.memory_space<vmem>>, vector<16xf32>,
      %parallel_loop3A_568 = arith.constant 0 : i32
      %parallel_loop3A_569 = arith.index_cast %parallel_loop3A_568 : i32 to index
      %parallel_loop3A_570 = arith.index_cast %parallel_loop3A_518 : i32 to index
      %parallel_loop3A_571 = arith.constant 64 : index
      %parallel_loop3A_572 = tpu.vector_load %arg8[%parallel_loop3A_569, %parallel_loop3A_570, %parallel_loop3A_571] {strides = array<i32>} : memref<4x64x128xf32, #tpu.memory_space<vmem>>, vector<16xf32>,
      %parallel_loop3A_573 = arith.mulf %parallel_loop3A_567, %parallel_loop3A_572 : vector<16xf32>
      %parallel_loop3A_574 = arith.constant 0 : i32
      %parallel_loop3A_575 = arith.index_cast %parallel_loop3A_574 : i32 to index
      %parallel_loop3A_576 = arith.index_cast %parallel_loop3A_518 : i32 to index
      %parallel_loop3A_577 = arith.constant 80 : index
      %parallel_loop3A_578 = tpu.vector_load %arg7[%parallel_loop3A_575, %parallel_loop3A_576, %parallel_loop3A_577] {strides = array<i32>} : memref<4x64x128xf32, #tpu.memory_space<vmem>>, vector<16xf32>,
      %parallel_loop3A_579 = arith.constant 0 : i32
      %parallel_loop3A_580 = arith.index_cast %parallel_loop3A_579 : i32 to index
      %parallel_loop3A_581 = arith.index_cast %parallel_loop3A_518 : i32 to index
      %parallel_loop3A_582 = arith.constant 80 : index
      %parallel_loop3A_583 = tpu.vector_load %arg8[%parallel_loop3A_580, %parallel_loop3A_581, %parallel_loop3A_582] {strides = array<i32>} : memref<4x64x128xf32, #tpu.memory_space<vmem>>, vector<16xf32>,
      %parallel_loop3A_584 = arith.mulf %parallel_loop3A_578, %parallel_loop3A_583 : vector<16xf32>
      %parallel_loop3A_585 = arith.constant 0 : i32
      %parallel_loop3A_586 = arith.index_cast %parallel_loop3A_585 : i32 to index
      %parallel_loop3A_587 = arith.index_cast %parallel_loop3A_518 : i32 to index
      %parallel_loop3A_588 = arith.constant 96 : index
      %parallel_loop3A_589 = tpu.vector_load %arg7[%parallel_loop3A_586, %parallel_loop3A_587, %parallel_loop3A_588] {strides = array<i32>} : memref<4x64x128xf32, #tpu.memory_space<vmem>>, vector<16xf32>,
      %parallel_loop3A_590 = arith.constant 0 : i32
      %parallel_loop3A_591 = arith.index_cast %parallel_loop3A_590 : i32 to index
      %parallel_loop3A_592 = arith.index_cast %parallel_loop3A_518 : i32 to index
      %parallel_loop3A_593 = arith.constant 96 : index
      %parallel_loop3A_594 = tpu.vector_load %arg8[%parallel_loop3A_591, %parallel_loop3A_592, %parallel_loop3A_593] {strides = array<i32>} : memref<4x64x128xf32, #tpu.memory_space<vmem>>, vector<16xf32>,
      %parallel_loop3A_595 = arith.mulf %parallel_loop3A_589, %parallel_loop3A_594 : vector<16xf32>
      %parallel_loop3A_596 = arith.constant 0 : i32
      %parallel_loop3A_597 = arith.index_cast %parallel_loop3A_596 : i32 to index
      %parallel_loop3A_598 = arith.index_cast %parallel_loop3A_518 : i32 to index
      %parallel_loop3A_599 = arith.constant 112 : index
      %parallel_loop3A_600 = tpu.vector_load %arg7[%parallel_loop3A_597, %parallel_loop3A_598, %parallel_loop3A_599] {strides = array<i32>} : memref<4x64x128xf32, #tpu.memory_space<vmem>>, vector<16xf32>,
      %parallel_loop3A_601 = arith.constant 0 : i32
      %parallel_loop3A_602 = arith.index_cast %parallel_loop3A_601 : i32 to index
      %parallel_loop3A_603 = arith.index_cast %parallel_loop3A_518 : i32 to index
      %parallel_loop3A_604 = arith.constant 112 : index
      %parallel_loop3A_605 = tpu.vector_load %arg8[%parallel_loop3A_602, %parallel_loop3A_603, %parallel_loop3A_604] {strides = array<i32>} : memref<4x64x128xf32, #tpu.memory_space<vmem>>, vector<16xf32>,
      %parallel_loop3A_606 = arith.mulf %parallel_loop3A_600, %parallel_loop3A_605 : vector<16xf32>
      %parallel_loop3A_607 = arith.addf %parallel_loop3A_529, %parallel_loop3A_540 : vector<16xf32>
      %parallel_loop3A_608 = arith.addf %parallel_loop3A_551, %parallel_loop3A_562 : vector<16xf32>
      %parallel_loop3A_609 = arith.addf %parallel_loop3A_573, %parallel_loop3A_584 : vector<16xf32>
      %parallel_loop3A_610 = arith.addf %parallel_loop3A_595, %parallel_loop3A_606 : vector<16xf32>
      %parallel_loop3A_611 = arith.addf %parallel_loop3A_607, %parallel_loop3A_608 : vector<16xf32>
      %parallel_loop3A_612 = arith.addf %parallel_loop3A_609, %parallel_loop3A_610 : vector<16xf32>
      %parallel_loop3A_613 = arith.addf %parallel_loop3A_611, %parallel_loop3A_612 : vector<16xf32>
      %parallel_loop3A_614 = arith.constant 1 : i32
      %parallel_loop3A_615 = vector.broadcast %parallel_loop3A_614 : i32 to vector<16xi32>
      %parallel_loop3A_616 = arith.xori %iota3A, %parallel_loop3A_615 : vector<16xi32>
      %parallel_loop3A_617 = arith.constant 0 : i32
      %parallel_loop3A_618 = vector.broadcast %parallel_loop3A_617 : i32 to vector<16xi32>
      %parallel_loop3A_619 = arith.cmpi slt, %parallel_loop3A_616, %parallel_loop3A_618 : vector<16xi32>
      %parallel_loop3A_620 = arith.constant 16 : i32
      %parallel_loop3A_621 = vector.broadcast %parallel_loop3A_620 : i32 to vector<16xi32>
      %parallel_loop3A_622 = arith.addi %parallel_loop3A_616, %parallel_loop3A_621 : vector<16xi32>
      %parallel_loop3A_623 = arith.select %parallel_loop3A_619, %parallel_loop3A_622, %parallel_loop3A_616 : vector<16xi1>, vector<16xi32>
      %parallel_loop3A_624 = vector.shape_cast %parallel_loop3A_623 : vector<16xi32> to vector<16x1xi32>
      %parallel_loop3A_625 = vector.shape_cast %parallel_loop3A_624 : vector<16x1xi32> to vector<16xi32>
      %parallel_loop3A_626 = tpu.dynamic_gather %parallel_loop3A_613[%parallel_loop3A_625] in [0] : vector<16xf32>, vector<16xi32> -> vector<16xf32>
      %parallel_loop3A_627 = arith.addf %parallel_loop3A_613, %parallel_loop3A_626 : vector<16xf32>
      %parallel_loop3A_628 = arith.constant 2 : i32
      %parallel_loop3A_629 = vector.broadcast %parallel_loop3A_628 : i32 to vector<16xi32>
      %parallel_loop3A_630 = arith.xori %iota3A, %parallel_loop3A_629 : vector<16xi32>
      %parallel_loop3A_631 = arith.constant 0 : i32
      %parallel_loop3A_632 = vector.broadcast %parallel_loop3A_631 : i32 to vector<16xi32>
      %parallel_loop3A_633 = arith.cmpi slt, %parallel_loop3A_630, %parallel_loop3A_632 : vector<16xi32>
      %parallel_loop3A_634 = arith.constant 16 : i32
      %parallel_loop3A_635 = vector.broadcast %parallel_loop3A_634 : i32 to vector<16xi32>
      %parallel_loop3A_636 = arith.addi %parallel_loop3A_630, %parallel_loop3A_635 : vector<16xi32>
      %parallel_loop3A_637 = arith.select %parallel_loop3A_633, %parallel_loop3A_636, %parallel_loop3A_630 : vector<16xi1>, vector<16xi32>
      %parallel_loop3A_638 = vector.shape_cast %parallel_loop3A_637 : vector<16xi32> to vector<16x1xi32>
      %parallel_loop3A_639 = vector.shape_cast %parallel_loop3A_638 : vector<16x1xi32> to vector<16xi32>
      %parallel_loop3A_640 = tpu.dynamic_gather %parallel_loop3A_627[%parallel_loop3A_639] in [0] : vector<16xf32>, vector<16xi32> -> vector<16xf32>
      %parallel_loop3A_641 = arith.addf %parallel_loop3A_627, %parallel_loop3A_640 : vector<16xf32>
      %parallel_loop3A_642 = arith.constant 4 : i32
      %parallel_loop3A_643 = vector.broadcast %parallel_loop3A_642 : i32 to vector<16xi32>
      %parallel_loop3A_644 = arith.xori %iota3A, %parallel_loop3A_643 : vector<16xi32>
      %parallel_loop3A_645 = arith.constant 0 : i32
      %parallel_loop3A_646 = vector.broadcast %parallel_loop3A_645 : i32 to vector<16xi32>
      %parallel_loop3A_647 = arith.cmpi slt, %parallel_loop3A_644, %parallel_loop3A_646 : vector<16xi32>
      %parallel_loop3A_648 = arith.constant 16 : i32
      %parallel_loop3A_649 = vector.broadcast %parallel_loop3A_648 : i32 to vector<16xi32>
      %parallel_loop3A_650 = arith.addi %parallel_loop3A_644, %parallel_loop3A_649 : vector<16xi32>
      %parallel_loop3A_651 = arith.select %parallel_loop3A_647, %parallel_loop3A_650, %parallel_loop3A_644 : vector<16xi1>, vector<16xi32>
      %parallel_loop3A_652 = vector.shape_cast %parallel_loop3A_651 : vector<16xi32> to vector<16x1xi32>
      %parallel_loop3A_653 = vector.shape_cast %parallel_loop3A_652 : vector<16x1xi32> to vector<16xi32>
      %parallel_loop3A_654 = tpu.dynamic_gather %parallel_loop3A_641[%parallel_loop3A_653] in [0] : vector<16xf32>, vector<16xi32> -> vector<16xf32>
      %parallel_loop3A_655 = arith.addf %parallel_loop3A_641, %parallel_loop3A_654 : vector<16xf32>
      %parallel_loop3A_656 = arith.constant 8 : i32
      %parallel_loop3A_657 = vector.broadcast %parallel_loop3A_656 : i32 to vector<16xi32>
      %parallel_loop3A_658 = arith.xori %iota3A, %parallel_loop3A_657 : vector<16xi32>
      %parallel_loop3A_659 = arith.constant 0 : i32
      %parallel_loop3A_660 = vector.broadcast %parallel_loop3A_659 : i32 to vector<16xi32>
      %parallel_loop3A_661 = arith.cmpi slt, %parallel_loop3A_658, %parallel_loop3A_660 : vector<16xi32>
      %parallel_loop3A_662 = arith.constant 16 : i32
      %parallel_loop3A_663 = vector.broadcast %parallel_loop3A_662 : i32 to vector<16xi32>
      %parallel_loop3A_664 = arith.addi %parallel_loop3A_658, %parallel_loop3A_663 : vector<16xi32>
      %parallel_loop3A_665 = arith.select %parallel_loop3A_661, %parallel_loop3A_664, %parallel_loop3A_658 : vector<16xi1>, vector<16xi32>
      %parallel_loop3A_666 = vector.shape_cast %parallel_loop3A_665 : vector<16xi32> to vector<16x1xi32>
      %parallel_loop3A_667 = vector.shape_cast %parallel_loop3A_666 : vector<16x1xi32> to vector<16xi32>
      %parallel_loop3A_668 = tpu.dynamic_gather %parallel_loop3A_655[%parallel_loop3A_667] in [0] : vector<16xf32>, vector<16xi32> -> vector<16xf32>
      %parallel_loop3A_669 = arith.addf %parallel_loop3A_655, %parallel_loop3A_668 : vector<16xf32>
      %parallel_loop3A_670 = arith.constant 256 : i32
      %parallel_loop3A_671 = vector.broadcast %parallel_loop3A_670 : i32 to vector<16xi32>
      %parallel_loop3A_672 = vector.broadcast %parallel_loop3A_518 : i32 to vector<16xi32>
      %parallel_loop3A_673 = arith.addi %parallel_loop3A_671, %parallel_loop3A_672 : vector<16xi32>
      %parallel_loop3A_674 = arith.constant 0 : i32
      %parallel_loop3A_675 = vector.broadcast %parallel_loop3A_674 : i32 to vector<16xi32>
      %parallel_loop3A_676 = arith.cmpi eq, %iota3A, %parallel_loop3A_675 : vector<16xi32>
      tpu.vector_store_idx %arg9[%parallel_loop3A_673], %parallel_loop3A_669 masked %parallel_loop3A_676 : memref<512xf32, #tpu.memory_space<vmem>>[vector<16xi32>], vector<16xf32>, vector<16xi1>
    } {sc.loop_unroll_factor = 2 : i64, sc.parallel_access}
    %dma_start3A_354 = arith.constant 2 : i32
    %dma_start3A_355 = arith.constant 2 : i32
    %dma_start3A_356 = arith.constant 0 : i32
    %dma_start3A_357 = arith.constant 0 : i32
    %dma_start3A_358 = tpu.memref_slice %arg7[%dma_start3A_354, %dma_start3A_356, %dma_start3A_357] : memref<4x64x128xf32, #tpu.memory_space<vmem>> -> memref<1x64x128xf32, #tpu.memory_space<vmem>>
    %dma_start3A_359 = tpu.memref_squeeze %dma_start3A_358 : memref<1x64x128xf32, #tpu.memory_space<vmem>> -> memref<64x128xf32, #tpu.memory_space<vmem>>
    %dma_start3A_360 = arith.constant 384 : i32
    %dma_start3A_361 = tpu.memref_slice %arg6[%dma_start3A_360] : memref<512xi32, #tpu.memory_space<vmem>> -> memref<64xi32, #tpu.memory_space<vmem>>
    %dma_start3A_362 = arith.constant 0 : i32
    %dma_start3A_363 = arith.constant 0 : i32
    %dma_start3A_364 = tpu.memref_slice %arg4[%dma_start3A_362, %dma_start3A_363] : memref<100000x128xf32, #tpu.memory_space<hbm>> -> memref<100000x128xf32, #tpu.memory_space<hbm>>
    %dma_start3A_365 = tpu.memref_slice %arg10[%dma_start3A_355] : memref<4x!tpu.dma_semaphore, #tpu.memory_space<semaphore_mem>> -> memref<1x!tpu.dma_semaphore, #tpu.memory_space<semaphore_mem>>
    %dma_start3A_366 = tpu.memref_squeeze %dma_start3A_365 : memref<1x!tpu.dma_semaphore, #tpu.memory_space<semaphore_mem>> -> memref<!tpu.dma_semaphore, #tpu.memory_space<semaphore_mem>>
    tpu.enqueue_indirect_dma source(%dma_start3A_364 : memref<100000x128xf32, #tpu.memory_space<hbm>>) target(%dma_start3A_359 : memref<64x128xf32, #tpu.memory_space<vmem>>) offsets(%dma_start3A_361 : memref<64xi32, #tpu.memory_space<vmem>>) semaphore(%dma_start3A_366 : memref<!tpu.dma_semaphore, #tpu.memory_space<semaphore_mem>>)
    %add3A_367 = arith.constant 384 : i32
    %add3A_368 = arith.addi %mul3A_2, %add3A_367 : i32
    %dma_start3A_369 = arith.constant 2 : i32
    %dma_start3A_370 = arith.constant 2 : i32
    %dma_start3A_371 = arith.constant 0 : i32
    %dma_start3A_372 = arith.constant 0 : i32
    %dma_start3A_373 = tpu.memref_slice %arg8[%dma_start3A_369, %dma_start3A_371, %dma_start3A_372] : memref<4x64x128xf32, #tpu.memory_space<vmem>> -> memref<1x64x128xf32, #tpu.memory_space<vmem>>
    %dma_start3A_374 = tpu.memref_squeeze %dma_start3A_373 : memref<1x64x128xf32, #tpu.memory_space<vmem>> -> memref<64x128xf32, #tpu.memory_space<vmem>>
    %dma_start3A_375 = arith.constant 0 : i32
    %dma_start3A_376 = tpu.memref_slice %arg2[%add3A_368, %dma_start3A_375] : memref<16384x128xf32, #tpu.memory_space<hbm>> -> memref<64x128xf32, #tpu.memory_space<hbm>>
    %dma_start3A_377 = tpu.memref_slice %arg11[%dma_start3A_370] : memref<4x!tpu.dma_semaphore, #tpu.memory_space<semaphore_mem>> -> memref<1x!tpu.dma_semaphore, #tpu.memory_space<semaphore_mem>>
    %dma_start3A_378 = tpu.memref_squeeze %dma_start3A_377 : memref<1x!tpu.dma_semaphore, #tpu.memory_space<semaphore_mem>> -> memref<!tpu.dma_semaphore, #tpu.memory_space<semaphore_mem>>
    %dma_start3A_379 = arith.constant 0 : i32
    %dma_start3A_380 = arith.constant 0 : i32
    %dma_start3A_381 = tpu.memref_slice %arg8[%dma_start3A_369, %dma_start3A_379, %dma_start3A_380] : memref<4x64x128xf32, #tpu.memory_space<vmem>> -> memref<1x64x128xf32, #tpu.memory_space<vmem>>
    %dma_start3A_382 = tpu.memref_squeeze %dma_start3A_381 : memref<1x64x128xf32, #tpu.memory_space<vmem>> -> memref<64x128xf32, #tpu.memory_space<vmem>>
    %dma_start3A_383 = arith.constant 0 : i32
    %dma_start3A_384 = tpu.memref_slice %arg2[%add3A_368, %dma_start3A_383] : memref<16384x128xf32, #tpu.memory_space<hbm>> -> memref<64x128xf32, #tpu.memory_space<hbm>>
    tpu.enqueue_dma source(%dma_start3A_384 : memref<64x128xf32, #tpu.memory_space<hbm>>) target(%dma_start3A_382 : memref<64x128xf32, #tpu.memory_space<vmem>>) target_semaphore(%dma_start3A_378 : memref<!tpu.dma_semaphore, #tpu.memory_space<semaphore_mem>>)
    %dma_wait3A_385 = arith.constant 1 : i32
    %dma_wait3A_386 = arith.constant 1 : i32
    %dma_wait3A_387 = arith.constant 0 : i32
    %dma_wait3A_388 = arith.constant 0 : i32
    %dma_wait3A_389 = tpu.memref_slice %arg7[%dma_wait3A_385, %dma_wait3A_387, %dma_wait3A_388] : memref<4x64x128xf32, #tpu.memory_space<vmem>> -> memref<1x64x128xf32, #tpu.memory_space<vmem>>
    %dma_wait3A_390 = tpu.memref_squeeze %dma_wait3A_389 : memref<1x64x128xf32, #tpu.memory_space<vmem>> -> memref<64x128xf32, #tpu.memory_space<vmem>>
    %dma_wait3A_391 = arith.constant 320 : i32
    %dma_wait3A_392 = tpu.memref_slice %arg6[%dma_wait3A_391] : memref<512xi32, #tpu.memory_space<vmem>> -> memref<64xi32, #tpu.memory_space<vmem>>
    %dma_wait3A_393 = arith.constant 0 : i32
    %dma_wait3A_394 = arith.constant 0 : i32
    %dma_wait3A_395 = tpu.memref_slice %arg4[%dma_wait3A_393, %dma_wait3A_394] : memref<100000x128xf32, #tpu.memory_space<hbm>> -> memref<100000x128xf32, #tpu.memory_space<hbm>>
    %dma_wait3A_396 = tpu.memref_slice %arg10[%dma_wait3A_386] : memref<4x!tpu.dma_semaphore, #tpu.memory_space<semaphore_mem>> -> memref<1x!tpu.dma_semaphore, #tpu.memory_space<semaphore_mem>>
    %dma_wait3A_397 = tpu.memref_squeeze %dma_wait3A_396 : memref<1x!tpu.dma_semaphore, #tpu.memory_space<semaphore_mem>> -> memref<!tpu.dma_semaphore, #tpu.memory_space<semaphore_mem>>
    tpu.wait_indirect_dma semaphore(%dma_wait3A_397 : memref<!tpu.dma_semaphore, #tpu.memory_space<semaphore_mem>>) src(%dma_wait3A_395 : memref<100000x128xf32, #tpu.memory_space<hbm>>) dst(%dma_wait3A_390 : memref<64x128xf32, #tpu.memory_space<vmem>>)
    %add3A_398 = arith.constant 320 : i32
    %add3A_399 = arith.addi %mul3A_2, %add3A_398 : i32
    %dma_wait3A_400 = arith.constant 1 : i32
    %dma_wait3A_401 = arith.constant 1 : i32
    %dma_wait3A_402 = arith.constant 0 : i32
    %dma_wait3A_403 = arith.constant 0 : i32
    %dma_wait3A_404 = tpu.memref_slice %arg8[%dma_wait3A_400, %dma_wait3A_402, %dma_wait3A_403] : memref<4x64x128xf32, #tpu.memory_space<vmem>> -> memref<1x64x128xf32, #tpu.memory_space<vmem>>
    %dma_wait3A_405 = tpu.memref_squeeze %dma_wait3A_404 : memref<1x64x128xf32, #tpu.memory_space<vmem>> -> memref<64x128xf32, #tpu.memory_space<vmem>>
    %dma_wait3A_406 = arith.constant 0 : i32
    %dma_wait3A_407 = tpu.memref_slice %arg2[%add3A_399, %dma_wait3A_406] : memref<16384x128xf32, #tpu.memory_space<hbm>> -> memref<64x128xf32, #tpu.memory_space<hbm>>
    %dma_wait3A_408 = tpu.memref_slice %arg11[%dma_wait3A_401] : memref<4x!tpu.dma_semaphore, #tpu.memory_space<semaphore_mem>> -> memref<1x!tpu.dma_semaphore, #tpu.memory_space<semaphore_mem>>
    %dma_wait3A_409 = tpu.memref_squeeze %dma_wait3A_408 : memref<1x!tpu.dma_semaphore, #tpu.memory_space<semaphore_mem>> -> memref<!tpu.dma_semaphore, #tpu.memory_space<semaphore_mem>>
    %dma_wait3A_410 = arith.constant 0 : i32
    %dma_wait3A_411 = arith.constant 0 : i32
    %dma_wait3A_412 = tpu.memref_slice %arg8[%dma_wait3A_400, %dma_wait3A_410, %dma_wait3A_411] : memref<4x64x128xf32, #tpu.memory_space<vmem>> -> memref<1x64x128xf32, #tpu.memory_space<vmem>>
    %dma_wait3A_413 = tpu.memref_squeeze %dma_wait3A_412 : memref<1x64x128xf32, #tpu.memory_space<vmem>> -> memref<64x128xf32, #tpu.memory_space<vmem>>
    %dma_wait3A_414 = arith.constant 0 : i32
    %dma_wait3A_415 = tpu.memref_slice %arg2[%add3A_399, %dma_wait3A_414] : memref<16384x128xf32, #tpu.memory_space<hbm>> -> memref<64x128xf32, #tpu.memory_space<hbm>>
    tpu.wait_dma2 semaphore(%dma_wait3A_409 : memref<!tpu.dma_semaphore, #tpu.memory_space<semaphore_mem>>) src(%dma_wait3A_415 : memref<64x128xf32, #tpu.memory_space<hbm>>) dst(%dma_wait3A_413 : memref<64x128xf32, #tpu.memory_space<vmem>>)
    %parallel_loop3A_416 = arith.constant 0 : i32
    %parallel_loop3A_417 = arith.constant 64 : i32
    %parallel_loop3A_418 = arith.constant 1 : i32
    scf.for %parallel_loop3A_518 = %parallel_loop3A_416 to %parallel_loop3A_417 step %parallel_loop3A_418  : i32 {
      %parallel_loop3A_519 = arith.constant 1 : i32
      %parallel_loop3A_520 = arith.index_cast %parallel_loop3A_519 : i32 to index
      %parallel_loop3A_521 = arith.index_cast %parallel_loop3A_518 : i32 to index
      %parallel_loop3A_522 = arith.constant 0 : index
      %parallel_loop3A_523 = tpu.vector_load %arg7[%parallel_loop3A_520, %parallel_loop3A_521, %parallel_loop3A_522] {strides = array<i32>} : memref<4x64x128xf32, #tpu.memory_space<vmem>>, vector<16xf32>,
      %parallel_loop3A_524 = arith.constant 1 : i32
      %parallel_loop3A_525 = arith.index_cast %parallel_loop3A_524 : i32 to index
      %parallel_loop3A_526 = arith.index_cast %parallel_loop3A_518 : i32 to index
      %parallel_loop3A_527 = arith.constant 0 : index
      %parallel_loop3A_528 = tpu.vector_load %arg8[%parallel_loop3A_525, %parallel_loop3A_526, %parallel_loop3A_527] {strides = array<i32>} : memref<4x64x128xf32, #tpu.memory_space<vmem>>, vector<16xf32>,
      %parallel_loop3A_529 = arith.mulf %parallel_loop3A_523, %parallel_loop3A_528 : vector<16xf32>
      %parallel_loop3A_530 = arith.constant 1 : i32
      %parallel_loop3A_531 = arith.index_cast %parallel_loop3A_530 : i32 to index
      %parallel_loop3A_532 = arith.index_cast %parallel_loop3A_518 : i32 to index
      %parallel_loop3A_533 = arith.constant 16 : index
      %parallel_loop3A_534 = tpu.vector_load %arg7[%parallel_loop3A_531, %parallel_loop3A_532, %parallel_loop3A_533] {strides = array<i32>} : memref<4x64x128xf32, #tpu.memory_space<vmem>>, vector<16xf32>,
      %parallel_loop3A_535 = arith.constant 1 : i32
      %parallel_loop3A_536 = arith.index_cast %parallel_loop3A_535 : i32 to index
      %parallel_loop3A_537 = arith.index_cast %parallel_loop3A_518 : i32 to index
      %parallel_loop3A_538 = arith.constant 16 : index
      %parallel_loop3A_539 = tpu.vector_load %arg8[%parallel_loop3A_536, %parallel_loop3A_537, %parallel_loop3A_538] {strides = array<i32>} : memref<4x64x128xf32, #tpu.memory_space<vmem>>, vector<16xf32>,
      %parallel_loop3A_540 = arith.mulf %parallel_loop3A_534, %parallel_loop3A_539 : vector<16xf32>
      %parallel_loop3A_541 = arith.constant 1 : i32
      %parallel_loop3A_542 = arith.index_cast %parallel_loop3A_541 : i32 to index
      %parallel_loop3A_543 = arith.index_cast %parallel_loop3A_518 : i32 to index
      %parallel_loop3A_544 = arith.constant 32 : index
      %parallel_loop3A_545 = tpu.vector_load %arg7[%parallel_loop3A_542, %parallel_loop3A_543, %parallel_loop3A_544] {strides = array<i32>} : memref<4x64x128xf32, #tpu.memory_space<vmem>>, vector<16xf32>,
      %parallel_loop3A_546 = arith.constant 1 : i32
      %parallel_loop3A_547 = arith.index_cast %parallel_loop3A_546 : i32 to index
      %parallel_loop3A_548 = arith.index_cast %parallel_loop3A_518 : i32 to index
      %parallel_loop3A_549 = arith.constant 32 : index
      %parallel_loop3A_550 = tpu.vector_load %arg8[%parallel_loop3A_547, %parallel_loop3A_548, %parallel_loop3A_549] {strides = array<i32>} : memref<4x64x128xf32, #tpu.memory_space<vmem>>, vector<16xf32>,
      %parallel_loop3A_551 = arith.mulf %parallel_loop3A_545, %parallel_loop3A_550 : vector<16xf32>
      %parallel_loop3A_552 = arith.constant 1 : i32
      %parallel_loop3A_553 = arith.index_cast %parallel_loop3A_552 : i32 to index
      %parallel_loop3A_554 = arith.index_cast %parallel_loop3A_518 : i32 to index
      %parallel_loop3A_555 = arith.constant 48 : index
      %parallel_loop3A_556 = tpu.vector_load %arg7[%parallel_loop3A_553, %parallel_loop3A_554, %parallel_loop3A_555] {strides = array<i32>} : memref<4x64x128xf32, #tpu.memory_space<vmem>>, vector<16xf32>,
      %parallel_loop3A_557 = arith.constant 1 : i32
      %parallel_loop3A_558 = arith.index_cast %parallel_loop3A_557 : i32 to index
      %parallel_loop3A_559 = arith.index_cast %parallel_loop3A_518 : i32 to index
      %parallel_loop3A_560 = arith.constant 48 : index
      %parallel_loop3A_561 = tpu.vector_load %arg8[%parallel_loop3A_558, %parallel_loop3A_559, %parallel_loop3A_560] {strides = array<i32>} : memref<4x64x128xf32, #tpu.memory_space<vmem>>, vector<16xf32>,
      %parallel_loop3A_562 = arith.mulf %parallel_loop3A_556, %parallel_loop3A_561 : vector<16xf32>
      %parallel_loop3A_563 = arith.constant 1 : i32
      %parallel_loop3A_564 = arith.index_cast %parallel_loop3A_563 : i32 to index
      %parallel_loop3A_565 = arith.index_cast %parallel_loop3A_518 : i32 to index
      %parallel_loop3A_566 = arith.constant 64 : index
      %parallel_loop3A_567 = tpu.vector_load %arg7[%parallel_loop3A_564, %parallel_loop3A_565, %parallel_loop3A_566] {strides = array<i32>} : memref<4x64x128xf32, #tpu.memory_space<vmem>>, vector<16xf32>,
      %parallel_loop3A_568 = arith.constant 1 : i32
      %parallel_loop3A_569 = arith.index_cast %parallel_loop3A_568 : i32 to index
      %parallel_loop3A_570 = arith.index_cast %parallel_loop3A_518 : i32 to index
      %parallel_loop3A_571 = arith.constant 64 : index
      %parallel_loop3A_572 = tpu.vector_load %arg8[%parallel_loop3A_569, %parallel_loop3A_570, %parallel_loop3A_571] {strides = array<i32>} : memref<4x64x128xf32, #tpu.memory_space<vmem>>, vector<16xf32>,
      %parallel_loop3A_573 = arith.mulf %parallel_loop3A_567, %parallel_loop3A_572 : vector<16xf32>
      %parallel_loop3A_574 = arith.constant 1 : i32
      %parallel_loop3A_575 = arith.index_cast %parallel_loop3A_574 : i32 to index
      %parallel_loop3A_576 = arith.index_cast %parallel_loop3A_518 : i32 to index
      %parallel_loop3A_577 = arith.constant 80 : index
      %parallel_loop3A_578 = tpu.vector_load %arg7[%parallel_loop3A_575, %parallel_loop3A_576, %parallel_loop3A_577] {strides = array<i32>} : memref<4x64x128xf32, #tpu.memory_space<vmem>>, vector<16xf32>,
      %parallel_loop3A_579 = arith.constant 1 : i32
      %parallel_loop3A_580 = arith.index_cast %parallel_loop3A_579 : i32 to index
      %parallel_loop3A_581 = arith.index_cast %parallel_loop3A_518 : i32 to index
      %parallel_loop3A_582 = arith.constant 80 : index
      %parallel_loop3A_583 = tpu.vector_load %arg8[%parallel_loop3A_580, %parallel_loop3A_581, %parallel_loop3A_582] {strides = array<i32>} : memref<4x64x128xf32, #tpu.memory_space<vmem>>, vector<16xf32>,
      %parallel_loop3A_584 = arith.mulf %parallel_loop3A_578, %parallel_loop3A_583 : vector<16xf32>
      %parallel_loop3A_585 = arith.constant 1 : i32
      %parallel_loop3A_586 = arith.index_cast %parallel_loop3A_585 : i32 to index
      %parallel_loop3A_587 = arith.index_cast %parallel_loop3A_518 : i32 to index
      %parallel_loop3A_588 = arith.constant 96 : index
      %parallel_loop3A_589 = tpu.vector_load %arg7[%parallel_loop3A_586, %parallel_loop3A_587, %parallel_loop3A_588] {strides = array<i32>} : memref<4x64x128xf32, #tpu.memory_space<vmem>>, vector<16xf32>,
      %parallel_loop3A_590 = arith.constant 1 : i32
      %parallel_loop3A_591 = arith.index_cast %parallel_loop3A_590 : i32 to index
      %parallel_loop3A_592 = arith.index_cast %parallel_loop3A_518 : i32 to index
      %parallel_loop3A_593 = arith.constant 96 : index
      %parallel_loop3A_594 = tpu.vector_load %arg8[%parallel_loop3A_591, %parallel_loop3A_592, %parallel_loop3A_593] {strides = array<i32>} : memref<4x64x128xf32, #tpu.memory_space<vmem>>, vector<16xf32>,
      %parallel_loop3A_595 = arith.mulf %parallel_loop3A_589, %parallel_loop3A_594 : vector<16xf32>
      %parallel_loop3A_596 = arith.constant 1 : i32
      %parallel_loop3A_597 = arith.index_cast %parallel_loop3A_596 : i32 to index
      %parallel_loop3A_598 = arith.index_cast %parallel_loop3A_518 : i32 to index
      %parallel_loop3A_599 = arith.constant 112 : index
      %parallel_loop3A_600 = tpu.vector_load %arg7[%parallel_loop3A_597, %parallel_loop3A_598, %parallel_loop3A_599] {strides = array<i32>} : memref<4x64x128xf32, #tpu.memory_space<vmem>>, vector<16xf32>,
      %parallel_loop3A_601 = arith.constant 1 : i32
      %parallel_loop3A_602 = arith.index_cast %parallel_loop3A_601 : i32 to index
      %parallel_loop3A_603 = arith.index_cast %parallel_loop3A_518 : i32 to index
      %parallel_loop3A_604 = arith.constant 112 : index
      %parallel_loop3A_605 = tpu.vector_load %arg8[%parallel_loop3A_602, %parallel_loop3A_603, %parallel_loop3A_604] {strides = array<i32>} : memref<4x64x128xf32, #tpu.memory_space<vmem>>, vector<16xf32>,
      %parallel_loop3A_606 = arith.mulf %parallel_loop3A_600, %parallel_loop3A_605 : vector<16xf32>
      %parallel_loop3A_607 = arith.addf %parallel_loop3A_529, %parallel_loop3A_540 : vector<16xf32>
      %parallel_loop3A_608 = arith.addf %parallel_loop3A_551, %parallel_loop3A_562 : vector<16xf32>
      %parallel_loop3A_609 = arith.addf %parallel_loop3A_573, %parallel_loop3A_584 : vector<16xf32>
      %parallel_loop3A_610 = arith.addf %parallel_loop3A_595, %parallel_loop3A_606 : vector<16xf32>
      %parallel_loop3A_611 = arith.addf %parallel_loop3A_607, %parallel_loop3A_608 : vector<16xf32>
      %parallel_loop3A_612 = arith.addf %parallel_loop3A_609, %parallel_loop3A_610 : vector<16xf32>
      %parallel_loop3A_613 = arith.addf %parallel_loop3A_611, %parallel_loop3A_612 : vector<16xf32>
      %parallel_loop3A_614 = arith.constant 1 : i32
      %parallel_loop3A_615 = vector.broadcast %parallel_loop3A_614 : i32 to vector<16xi32>
      %parallel_loop3A_616 = arith.xori %iota3A, %parallel_loop3A_615 : vector<16xi32>
      %parallel_loop3A_617 = arith.constant 0 : i32
      %parallel_loop3A_618 = vector.broadcast %parallel_loop3A_617 : i32 to vector<16xi32>
      %parallel_loop3A_619 = arith.cmpi slt, %parallel_loop3A_616, %parallel_loop3A_618 : vector<16xi32>
      %parallel_loop3A_620 = arith.constant 16 : i32
      %parallel_loop3A_621 = vector.broadcast %parallel_loop3A_620 : i32 to vector<16xi32>
      %parallel_loop3A_622 = arith.addi %parallel_loop3A_616, %parallel_loop3A_621 : vector<16xi32>
      %parallel_loop3A_623 = arith.select %parallel_loop3A_619, %parallel_loop3A_622, %parallel_loop3A_616 : vector<16xi1>, vector<16xi32>
      %parallel_loop3A_624 = vector.shape_cast %parallel_loop3A_623 : vector<16xi32> to vector<16x1xi32>
      %parallel_loop3A_625 = vector.shape_cast %parallel_loop3A_624 : vector<16x1xi32> to vector<16xi32>
      %parallel_loop3A_626 = tpu.dynamic_gather %parallel_loop3A_613[%parallel_loop3A_625] in [0] : vector<16xf32>, vector<16xi32> -> vector<16xf32>
      %parallel_loop3A_627 = arith.addf %parallel_loop3A_613, %parallel_loop3A_626 : vector<16xf32>
      %parallel_loop3A_628 = arith.constant 2 : i32
      %parallel_loop3A_629 = vector.broadcast %parallel_loop3A_628 : i32 to vector<16xi32>
      %parallel_loop3A_630 = arith.xori %iota3A, %parallel_loop3A_629 : vector<16xi32>
      %parallel_loop3A_631 = arith.constant 0 : i32
      %parallel_loop3A_632 = vector.broadcast %parallel_loop3A_631 : i32 to vector<16xi32>
      %parallel_loop3A_633 = arith.cmpi slt, %parallel_loop3A_630, %parallel_loop3A_632 : vector<16xi32>
      %parallel_loop3A_634 = arith.constant 16 : i32
      %parallel_loop3A_635 = vector.broadcast %parallel_loop3A_634 : i32 to vector<16xi32>
      %parallel_loop3A_636 = arith.addi %parallel_loop3A_630, %parallel_loop3A_635 : vector<16xi32>
      %parallel_loop3A_637 = arith.select %parallel_loop3A_633, %parallel_loop3A_636, %parallel_loop3A_630 : vector<16xi1>, vector<16xi32>
      %parallel_loop3A_638 = vector.shape_cast %parallel_loop3A_637 : vector<16xi32> to vector<16x1xi32>
      %parallel_loop3A_639 = vector.shape_cast %parallel_loop3A_638 : vector<16x1xi32> to vector<16xi32>
      %parallel_loop3A_640 = tpu.dynamic_gather %parallel_loop3A_627[%parallel_loop3A_639] in [0] : vector<16xf32>, vector<16xi32> -> vector<16xf32>
      %parallel_loop3A_641 = arith.addf %parallel_loop3A_627, %parallel_loop3A_640 : vector<16xf32>
      %parallel_loop3A_642 = arith.constant 4 : i32
      %parallel_loop3A_643 = vector.broadcast %parallel_loop3A_642 : i32 to vector<16xi32>
      %parallel_loop3A_644 = arith.xori %iota3A, %parallel_loop3A_643 : vector<16xi32>
      %parallel_loop3A_645 = arith.constant 0 : i32
      %parallel_loop3A_646 = vector.broadcast %parallel_loop3A_645 : i32 to vector<16xi32>
      %parallel_loop3A_647 = arith.cmpi slt, %parallel_loop3A_644, %parallel_loop3A_646 : vector<16xi32>
      %parallel_loop3A_648 = arith.constant 16 : i32
      %parallel_loop3A_649 = vector.broadcast %parallel_loop3A_648 : i32 to vector<16xi32>
      %parallel_loop3A_650 = arith.addi %parallel_loop3A_644, %parallel_loop3A_649 : vector<16xi32>
      %parallel_loop3A_651 = arith.select %parallel_loop3A_647, %parallel_loop3A_650, %parallel_loop3A_644 : vector<16xi1>, vector<16xi32>
      %parallel_loop3A_652 = vector.shape_cast %parallel_loop3A_651 : vector<16xi32> to vector<16x1xi32>
      %parallel_loop3A_653 = vector.shape_cast %parallel_loop3A_652 : vector<16x1xi32> to vector<16xi32>
      %parallel_loop3A_654 = tpu.dynamic_gather %parallel_loop3A_641[%parallel_loop3A_653] in [0] : vector<16xf32>, vector<16xi32> -> vector<16xf32>
      %parallel_loop3A_655 = arith.addf %parallel_loop3A_641, %parallel_loop3A_654 : vector<16xf32>
      %parallel_loop3A_656 = arith.constant 8 : i32
      %parallel_loop3A_657 = vector.broadcast %parallel_loop3A_656 : i32 to vector<16xi32>
      %parallel_loop3A_658 = arith.xori %iota3A, %parallel_loop3A_657 : vector<16xi32>
      %parallel_loop3A_659 = arith.constant 0 : i32
      %parallel_loop3A_660 = vector.broadcast %parallel_loop3A_659 : i32 to vector<16xi32>
      %parallel_loop3A_661 = arith.cmpi slt, %parallel_loop3A_658, %parallel_loop3A_660 : vector<16xi32>
      %parallel_loop3A_662 = arith.constant 16 : i32
      %parallel_loop3A_663 = vector.broadcast %parallel_loop3A_662 : i32 to vector<16xi32>
      %parallel_loop3A_664 = arith.addi %parallel_loop3A_658, %parallel_loop3A_663 : vector<16xi32>
      %parallel_loop3A_665 = arith.select %parallel_loop3A_661, %parallel_loop3A_664, %parallel_loop3A_658 : vector<16xi1>, vector<16xi32>
      %parallel_loop3A_666 = vector.shape_cast %parallel_loop3A_665 : vector<16xi32> to vector<16x1xi32>
      %parallel_loop3A_667 = vector.shape_cast %parallel_loop3A_666 : vector<16x1xi32> to vector<16xi32>
      %parallel_loop3A_668 = tpu.dynamic_gather %parallel_loop3A_655[%parallel_loop3A_667] in [0] : vector<16xf32>, vector<16xi32> -> vector<16xf32>
      %parallel_loop3A_669 = arith.addf %parallel_loop3A_655, %parallel_loop3A_668 : vector<16xf32>
      %parallel_loop3A_670 = arith.constant 320 : i32
      %parallel_loop3A_671 = vector.broadcast %parallel_loop3A_670 : i32 to vector<16xi32>
      %parallel_loop3A_672 = vector.broadcast %parallel_loop3A_518 : i32 to vector<16xi32>
      %parallel_loop3A_673 = arith.addi %parallel_loop3A_671, %parallel_loop3A_672 : vector<16xi32>
      %parallel_loop3A_674 = arith.constant 0 : i32
      %parallel_loop3A_675 = vector.broadcast %parallel_loop3A_674 : i32 to vector<16xi32>
      %parallel_loop3A_676 = arith.cmpi eq, %iota3A, %parallel_loop3A_675 : vector<16xi32>
      tpu.vector_store_idx %arg9[%parallel_loop3A_673], %parallel_loop3A_669 masked %parallel_loop3A_676 : memref<512xf32, #tpu.memory_space<vmem>>[vector<16xi32>], vector<16xf32>, vector<16xi1>
    } {sc.loop_unroll_factor = 2 : i64, sc.parallel_access}
    %dma_start3A_419 = arith.constant 3 : i32
    %dma_start3A_420 = arith.constant 3 : i32
    %dma_start3A_421 = arith.constant 0 : i32
    %dma_start3A_422 = arith.constant 0 : i32
    %dma_start3A_423 = tpu.memref_slice %arg7[%dma_start3A_419, %dma_start3A_421, %dma_start3A_422] : memref<4x64x128xf32, #tpu.memory_space<vmem>> -> memref<1x64x128xf32, #tpu.memory_space<vmem>>
    %dma_start3A_424 = tpu.memref_squeeze %dma_start3A_423 : memref<1x64x128xf32, #tpu.memory_space<vmem>> -> memref<64x128xf32, #tpu.memory_space<vmem>>
    %dma_start3A_425 = arith.constant 448 : i32
    %dma_start3A_426 = tpu.memref_slice %arg6[%dma_start3A_425] : memref<512xi32, #tpu.memory_space<vmem>> -> memref<64xi32, #tpu.memory_space<vmem>>
    %dma_start3A_427 = arith.constant 0 : i32
    %dma_start3A_428 = arith.constant 0 : i32
    %dma_start3A_429 = tpu.memref_slice %arg4[%dma_start3A_427, %dma_start3A_428] : memref<100000x128xf32, #tpu.memory_space<hbm>> -> memref<100000x128xf32, #tpu.memory_space<hbm>>
    %dma_start3A_430 = tpu.memref_slice %arg10[%dma_start3A_420] : memref<4x!tpu.dma_semaphore, #tpu.memory_space<semaphore_mem>> -> memref<1x!tpu.dma_semaphore, #tpu.memory_space<semaphore_mem>>
    %dma_start3A_431 = tpu.memref_squeeze %dma_start3A_430 : memref<1x!tpu.dma_semaphore, #tpu.memory_space<semaphore_mem>> -> memref<!tpu.dma_semaphore, #tpu.memory_space<semaphore_mem>>
    tpu.enqueue_indirect_dma source(%dma_start3A_429 : memref<100000x128xf32, #tpu.memory_space<hbm>>) target(%dma_start3A_424 : memref<64x128xf32, #tpu.memory_space<vmem>>) offsets(%dma_start3A_426 : memref<64xi32, #tpu.memory_space<vmem>>) semaphore(%dma_start3A_431 : memref<!tpu.dma_semaphore, #tpu.memory_space<semaphore_mem>>)
    %add3A_432 = arith.constant 448 : i32
    %add3A_433 = arith.addi %mul3A_2, %add3A_432 : i32
    %dma_start3A_434 = arith.constant 3 : i32
    %dma_start3A_435 = arith.constant 3 : i32
    %dma_start3A_436 = arith.constant 0 : i32
    %dma_start3A_437 = arith.constant 0 : i32
    %dma_start3A_438 = tpu.memref_slice %arg8[%dma_start3A_434, %dma_start3A_436, %dma_start3A_437] : memref<4x64x128xf32, #tpu.memory_space<vmem>> -> memref<1x64x128xf32, #tpu.memory_space<vmem>>
    %dma_start3A_439 = tpu.memref_squeeze %dma_start3A_438 : memref<1x64x128xf32, #tpu.memory_space<vmem>> -> memref<64x128xf32, #tpu.memory_space<vmem>>
    %dma_start3A_440 = arith.constant 0 : i32
    %dma_start3A_441 = tpu.memref_slice %arg2[%add3A_433, %dma_start3A_440] : memref<16384x128xf32, #tpu.memory_space<hbm>> -> memref<64x128xf32, #tpu.memory_space<hbm>>
    %dma_start3A_442 = tpu.memref_slice %arg11[%dma_start3A_435] : memref<4x!tpu.dma_semaphore, #tpu.memory_space<semaphore_mem>> -> memref<1x!tpu.dma_semaphore, #tpu.memory_space<semaphore_mem>>
    %dma_start3A_443 = tpu.memref_squeeze %dma_start3A_442 : memref<1x!tpu.dma_semaphore, #tpu.memory_space<semaphore_mem>> -> memref<!tpu.dma_semaphore, #tpu.memory_space<semaphore_mem>>
    %dma_start3A_444 = arith.constant 0 : i32
    %dma_start3A_445 = arith.constant 0 : i32
    %dma_start3A_446 = tpu.memref_slice %arg8[%dma_start3A_434, %dma_start3A_444, %dma_start3A_445] : memref<4x64x128xf32, #tpu.memory_space<vmem>> -> memref<1x64x128xf32, #tpu.memory_space<vmem>>
    %dma_start3A_447 = tpu.memref_squeeze %dma_start3A_446 : memref<1x64x128xf32, #tpu.memory_space<vmem>> -> memref<64x128xf32, #tpu.memory_space<vmem>>
    %dma_start3A_448 = arith.constant 0 : i32
    %dma_start3A_449 = tpu.memref_slice %arg2[%add3A_433, %dma_start3A_448] : memref<16384x128xf32, #tpu.memory_space<hbm>> -> memref<64x128xf32, #tpu.memory_space<hbm>>
    tpu.enqueue_dma source(%dma_start3A_449 : memref<64x128xf32, #tpu.memory_space<hbm>>) target(%dma_start3A_447 : memref<64x128xf32, #tpu.memory_space<vmem>>) target_semaphore(%dma_start3A_443 : memref<!tpu.dma_semaphore, #tpu.memory_space<semaphore_mem>>)
    %dma_wait3A_450 = arith.constant 2 : i32
    %dma_wait3A_451 = arith.constant 2 : i32
    %dma_wait3A_452 = arith.constant 0 : i32
    %dma_wait3A_453 = arith.constant 0 : i32
    %dma_wait3A_454 = tpu.memref_slice %arg7[%dma_wait3A_450, %dma_wait3A_452, %dma_wait3A_453] : memref<4x64x128xf32, #tpu.memory_space<vmem>> -> memref<1x64x128xf32, #tpu.memory_space<vmem>>
    %dma_wait3A_455 = tpu.memref_squeeze %dma_wait3A_454 : memref<1x64x128xf32, #tpu.memory_space<vmem>> -> memref<64x128xf32, #tpu.memory_space<vmem>>
    %dma_wait3A_456 = arith.constant 384 : i32
    %dma_wait3A_457 = tpu.memref_slice %arg6[%dma_wait3A_456] : memref<512xi32, #tpu.memory_space<vmem>> -> memref<64xi32, #tpu.memory_space<vmem>>
    %dma_wait3A_458 = arith.constant 0 : i32
    %dma_wait3A_459 = arith.constant 0 : i32
    %dma_wait3A_460 = tpu.memref_slice %arg4[%dma_wait3A_458, %dma_wait3A_459] : memref<100000x128xf32, #tpu.memory_space<hbm>> -> memref<100000x128xf32, #tpu.memory_space<hbm>>
    %dma_wait3A_461 = tpu.memref_slice %arg10[%dma_wait3A_451] : memref<4x!tpu.dma_semaphore, #tpu.memory_space<semaphore_mem>> -> memref<1x!tpu.dma_semaphore, #tpu.memory_space<semaphore_mem>>
    %dma_wait3A_462 = tpu.memref_squeeze %dma_wait3A_461 : memref<1x!tpu.dma_semaphore, #tpu.memory_space<semaphore_mem>> -> memref<!tpu.dma_semaphore, #tpu.memory_space<semaphore_mem>>
    tpu.wait_indirect_dma semaphore(%dma_wait3A_462 : memref<!tpu.dma_semaphore, #tpu.memory_space<semaphore_mem>>) src(%dma_wait3A_460 : memref<100000x128xf32, #tpu.memory_space<hbm>>) dst(%dma_wait3A_455 : memref<64x128xf32, #tpu.memory_space<vmem>>)
    %add3A_463 = arith.constant 384 : i32
    %add3A_464 = arith.addi %mul3A_2, %add3A_463 : i32
    %dma_wait3A_465 = arith.constant 2 : i32
    %dma_wait3A_466 = arith.constant 2 : i32
    %dma_wait3A_467 = arith.constant 0 : i32
    %dma_wait3A_468 = arith.constant 0 : i32
    %dma_wait3A_469 = tpu.memref_slice %arg8[%dma_wait3A_465, %dma_wait3A_467, %dma_wait3A_468] : memref<4x64x128xf32, #tpu.memory_space<vmem>> -> memref<1x64x128xf32, #tpu.memory_space<vmem>>
    %dma_wait3A_470 = tpu.memref_squeeze %dma_wait3A_469 : memref<1x64x128xf32, #tpu.memory_space<vmem>> -> memref<64x128xf32, #tpu.memory_space<vmem>>
    %dma_wait3A_471 = arith.constant 0 : i32
    %dma_wait3A_472 = tpu.memref_slice %arg2[%add3A_464, %dma_wait3A_471] : memref<16384x128xf32, #tpu.memory_space<hbm>> -> memref<64x128xf32, #tpu.memory_space<hbm>>
    %dma_wait3A_473 = tpu.memref_slice %arg11[%dma_wait3A_466] : memref<4x!tpu.dma_semaphore, #tpu.memory_space<semaphore_mem>> -> memref<1x!tpu.dma_semaphore, #tpu.memory_space<semaphore_mem>>
    %dma_wait3A_474 = tpu.memref_squeeze %dma_wait3A_473 : memref<1x!tpu.dma_semaphore, #tpu.memory_space<semaphore_mem>> -> memref<!tpu.dma_semaphore, #tpu.memory_space<semaphore_mem>>
    %dma_wait3A_475 = arith.constant 0 : i32
    %dma_wait3A_476 = arith.constant 0 : i32
    %dma_wait3A_477 = tpu.memref_slice %arg8[%dma_wait3A_465, %dma_wait3A_475, %dma_wait3A_476] : memref<4x64x128xf32, #tpu.memory_space<vmem>> -> memref<1x64x128xf32, #tpu.memory_space<vmem>>
    %dma_wait3A_478 = tpu.memref_squeeze %dma_wait3A_477 : memref<1x64x128xf32, #tpu.memory_space<vmem>> -> memref<64x128xf32, #tpu.memory_space<vmem>>
    %dma_wait3A_479 = arith.constant 0 : i32
    %dma_wait3A_480 = tpu.memref_slice %arg2[%add3A_464, %dma_wait3A_479] : memref<16384x128xf32, #tpu.memory_space<hbm>> -> memref<64x128xf32, #tpu.memory_space<hbm>>
    tpu.wait_dma2 semaphore(%dma_wait3A_474 : memref<!tpu.dma_semaphore, #tpu.memory_space<semaphore_mem>>) src(%dma_wait3A_480 : memref<64x128xf32, #tpu.memory_space<hbm>>) dst(%dma_wait3A_478 : memref<64x128xf32, #tpu.memory_space<vmem>>)
    %parallel_loop3A_481 = arith.constant 0 : i32
    %parallel_loop3A_482 = arith.constant 64 : i32
    %parallel_loop3A_483 = arith.constant 1 : i32
    scf.for %parallel_loop3A_518 = %parallel_loop3A_481 to %parallel_loop3A_482 step %parallel_loop3A_483  : i32 {
      %parallel_loop3A_519 = arith.constant 2 : i32
      %parallel_loop3A_520 = arith.index_cast %parallel_loop3A_519 : i32 to index
      %parallel_loop3A_521 = arith.index_cast %parallel_loop3A_518 : i32 to index
      %parallel_loop3A_522 = arith.constant 0 : index
      %parallel_loop3A_523 = tpu.vector_load %arg7[%parallel_loop3A_520, %parallel_loop3A_521, %parallel_loop3A_522] {strides = array<i32>} : memref<4x64x128xf32, #tpu.memory_space<vmem>>, vector<16xf32>,
      %parallel_loop3A_524 = arith.constant 2 : i32
      %parallel_loop3A_525 = arith.index_cast %parallel_loop3A_524 : i32 to index
      %parallel_loop3A_526 = arith.index_cast %parallel_loop3A_518 : i32 to index
      %parallel_loop3A_527 = arith.constant 0 : index
      %parallel_loop3A_528 = tpu.vector_load %arg8[%parallel_loop3A_525, %parallel_loop3A_526, %parallel_loop3A_527] {strides = array<i32>} : memref<4x64x128xf32, #tpu.memory_space<vmem>>, vector<16xf32>,
      %parallel_loop3A_529 = arith.mulf %parallel_loop3A_523, %parallel_loop3A_528 : vector<16xf32>
      %parallel_loop3A_530 = arith.constant 2 : i32
      %parallel_loop3A_531 = arith.index_cast %parallel_loop3A_530 : i32 to index
      %parallel_loop3A_532 = arith.index_cast %parallel_loop3A_518 : i32 to index
      %parallel_loop3A_533 = arith.constant 16 : index
      %parallel_loop3A_534 = tpu.vector_load %arg7[%parallel_loop3A_531, %parallel_loop3A_532, %parallel_loop3A_533] {strides = array<i32>} : memref<4x64x128xf32, #tpu.memory_space<vmem>>, vector<16xf32>,
      %parallel_loop3A_535 = arith.constant 2 : i32
      %parallel_loop3A_536 = arith.index_cast %parallel_loop3A_535 : i32 to index
      %parallel_loop3A_537 = arith.index_cast %parallel_loop3A_518 : i32 to index
      %parallel_loop3A_538 = arith.constant 16 : index
      %parallel_loop3A_539 = tpu.vector_load %arg8[%parallel_loop3A_536, %parallel_loop3A_537, %parallel_loop3A_538] {strides = array<i32>} : memref<4x64x128xf32, #tpu.memory_space<vmem>>, vector<16xf32>,
      %parallel_loop3A_540 = arith.mulf %parallel_loop3A_534, %parallel_loop3A_539 : vector<16xf32>
      %parallel_loop3A_541 = arith.constant 2 : i32
      %parallel_loop3A_542 = arith.index_cast %parallel_loop3A_541 : i32 to index
      %parallel_loop3A_543 = arith.index_cast %parallel_loop3A_518 : i32 to index
      %parallel_loop3A_544 = arith.constant 32 : index
      %parallel_loop3A_545 = tpu.vector_load %arg7[%parallel_loop3A_542, %parallel_loop3A_543, %parallel_loop3A_544] {strides = array<i32>} : memref<4x64x128xf32, #tpu.memory_space<vmem>>, vector<16xf32>,
      %parallel_loop3A_546 = arith.constant 2 : i32
      %parallel_loop3A_547 = arith.index_cast %parallel_loop3A_546 : i32 to index
      %parallel_loop3A_548 = arith.index_cast %parallel_loop3A_518 : i32 to index
      %parallel_loop3A_549 = arith.constant 32 : index
      %parallel_loop3A_550 = tpu.vector_load %arg8[%parallel_loop3A_547, %parallel_loop3A_548, %parallel_loop3A_549] {strides = array<i32>} : memref<4x64x128xf32, #tpu.memory_space<vmem>>, vector<16xf32>,
      %parallel_loop3A_551 = arith.mulf %parallel_loop3A_545, %parallel_loop3A_550 : vector<16xf32>
      %parallel_loop3A_552 = arith.constant 2 : i32
      %parallel_loop3A_553 = arith.index_cast %parallel_loop3A_552 : i32 to index
      %parallel_loop3A_554 = arith.index_cast %parallel_loop3A_518 : i32 to index
      %parallel_loop3A_555 = arith.constant 48 : index
      %parallel_loop3A_556 = tpu.vector_load %arg7[%parallel_loop3A_553, %parallel_loop3A_554, %parallel_loop3A_555] {strides = array<i32>} : memref<4x64x128xf32, #tpu.memory_space<vmem>>, vector<16xf32>,
      %parallel_loop3A_557 = arith.constant 2 : i32
      %parallel_loop3A_558 = arith.index_cast %parallel_loop3A_557 : i32 to index
      %parallel_loop3A_559 = arith.index_cast %parallel_loop3A_518 : i32 to index
      %parallel_loop3A_560 = arith.constant 48 : index
      %parallel_loop3A_561 = tpu.vector_load %arg8[%parallel_loop3A_558, %parallel_loop3A_559, %parallel_loop3A_560] {strides = array<i32>} : memref<4x64x128xf32, #tpu.memory_space<vmem>>, vector<16xf32>,
      %parallel_loop3A_562 = arith.mulf %parallel_loop3A_556, %parallel_loop3A_561 : vector<16xf32>
      %parallel_loop3A_563 = arith.constant 2 : i32
      %parallel_loop3A_564 = arith.index_cast %parallel_loop3A_563 : i32 to index
      %parallel_loop3A_565 = arith.index_cast %parallel_loop3A_518 : i32 to index
      %parallel_loop3A_566 = arith.constant 64 : index
      %parallel_loop3A_567 = tpu.vector_load %arg7[%parallel_loop3A_564, %parallel_loop3A_565, %parallel_loop3A_566] {strides = array<i32>} : memref<4x64x128xf32, #tpu.memory_space<vmem>>, vector<16xf32>,
      %parallel_loop3A_568 = arith.constant 2 : i32
      %parallel_loop3A_569 = arith.index_cast %parallel_loop3A_568 : i32 to index
      %parallel_loop3A_570 = arith.index_cast %parallel_loop3A_518 : i32 to index
      %parallel_loop3A_571 = arith.constant 64 : index
      %parallel_loop3A_572 = tpu.vector_load %arg8[%parallel_loop3A_569, %parallel_loop3A_570, %parallel_loop3A_571] {strides = array<i32>} : memref<4x64x128xf32, #tpu.memory_space<vmem>>, vector<16xf32>,
      %parallel_loop3A_573 = arith.mulf %parallel_loop3A_567, %parallel_loop3A_572 : vector<16xf32>
      %parallel_loop3A_574 = arith.constant 2 : i32
      %parallel_loop3A_575 = arith.index_cast %parallel_loop3A_574 : i32 to index
      %parallel_loop3A_576 = arith.index_cast %parallel_loop3A_518 : i32 to index
      %parallel_loop3A_577 = arith.constant 80 : index
      %parallel_loop3A_578 = tpu.vector_load %arg7[%parallel_loop3A_575, %parallel_loop3A_576, %parallel_loop3A_577] {strides = array<i32>} : memref<4x64x128xf32, #tpu.memory_space<vmem>>, vector<16xf32>,
      %parallel_loop3A_579 = arith.constant 2 : i32
      %parallel_loop3A_580 = arith.index_cast %parallel_loop3A_579 : i32 to index
      %parallel_loop3A_581 = arith.index_cast %parallel_loop3A_518 : i32 to index
      %parallel_loop3A_582 = arith.constant 80 : index
      %parallel_loop3A_583 = tpu.vector_load %arg8[%parallel_loop3A_580, %parallel_loop3A_581, %parallel_loop3A_582] {strides = array<i32>} : memref<4x64x128xf32, #tpu.memory_space<vmem>>, vector<16xf32>,
      %parallel_loop3A_584 = arith.mulf %parallel_loop3A_578, %parallel_loop3A_583 : vector<16xf32>
      %parallel_loop3A_585 = arith.constant 2 : i32
      %parallel_loop3A_586 = arith.index_cast %parallel_loop3A_585 : i32 to index
      %parallel_loop3A_587 = arith.index_cast %parallel_loop3A_518 : i32 to index
      %parallel_loop3A_588 = arith.constant 96 : index
      %parallel_loop3A_589 = tpu.vector_load %arg7[%parallel_loop3A_586, %parallel_loop3A_587, %parallel_loop3A_588] {strides = array<i32>} : memref<4x64x128xf32, #tpu.memory_space<vmem>>, vector<16xf32>,
      %parallel_loop3A_590 = arith.constant 2 : i32
      %parallel_loop3A_591 = arith.index_cast %parallel_loop3A_590 : i32 to index
      %parallel_loop3A_592 = arith.index_cast %parallel_loop3A_518 : i32 to index
      %parallel_loop3A_593 = arith.constant 96 : index
      %parallel_loop3A_594 = tpu.vector_load %arg8[%parallel_loop3A_591, %parallel_loop3A_592, %parallel_loop3A_593] {strides = array<i32>} : memref<4x64x128xf32, #tpu.memory_space<vmem>>, vector<16xf32>,
      %parallel_loop3A_595 = arith.mulf %parallel_loop3A_589, %parallel_loop3A_594 : vector<16xf32>
      %parallel_loop3A_596 = arith.constant 2 : i32
      %parallel_loop3A_597 = arith.index_cast %parallel_loop3A_596 : i32 to index
      %parallel_loop3A_598 = arith.index_cast %parallel_loop3A_518 : i32 to index
      %parallel_loop3A_599 = arith.constant 112 : index
      %parallel_loop3A_600 = tpu.vector_load %arg7[%parallel_loop3A_597, %parallel_loop3A_598, %parallel_loop3A_599] {strides = array<i32>} : memref<4x64x128xf32, #tpu.memory_space<vmem>>, vector<16xf32>,
      %parallel_loop3A_601 = arith.constant 2 : i32
      %parallel_loop3A_602 = arith.index_cast %parallel_loop3A_601 : i32 to index
      %parallel_loop3A_603 = arith.index_cast %parallel_loop3A_518 : i32 to index
      %parallel_loop3A_604 = arith.constant 112 : index
      %parallel_loop3A_605 = tpu.vector_load %arg8[%parallel_loop3A_602, %parallel_loop3A_603, %parallel_loop3A_604] {strides = array<i32>} : memref<4x64x128xf32, #tpu.memory_space<vmem>>, vector<16xf32>,
      %parallel_loop3A_606 = arith.mulf %parallel_loop3A_600, %parallel_loop3A_605 : vector<16xf32>
      %parallel_loop3A_607 = arith.addf %parallel_loop3A_529, %parallel_loop3A_540 : vector<16xf32>
      %parallel_loop3A_608 = arith.addf %parallel_loop3A_551, %parallel_loop3A_562 : vector<16xf32>
      %parallel_loop3A_609 = arith.addf %parallel_loop3A_573, %parallel_loop3A_584 : vector<16xf32>
      %parallel_loop3A_610 = arith.addf %parallel_loop3A_595, %parallel_loop3A_606 : vector<16xf32>
      %parallel_loop3A_611 = arith.addf %parallel_loop3A_607, %parallel_loop3A_608 : vector<16xf32>
      %parallel_loop3A_612 = arith.addf %parallel_loop3A_609, %parallel_loop3A_610 : vector<16xf32>
      %parallel_loop3A_613 = arith.addf %parallel_loop3A_611, %parallel_loop3A_612 : vector<16xf32>
      %parallel_loop3A_614 = arith.constant 1 : i32
      %parallel_loop3A_615 = vector.broadcast %parallel_loop3A_614 : i32 to vector<16xi32>
      %parallel_loop3A_616 = arith.xori %iota3A, %parallel_loop3A_615 : vector<16xi32>
      %parallel_loop3A_617 = arith.constant 0 : i32
      %parallel_loop3A_618 = vector.broadcast %parallel_loop3A_617 : i32 to vector<16xi32>
      %parallel_loop3A_619 = arith.cmpi slt, %parallel_loop3A_616, %parallel_loop3A_618 : vector<16xi32>
      %parallel_loop3A_620 = arith.constant 16 : i32
      %parallel_loop3A_621 = vector.broadcast %parallel_loop3A_620 : i32 to vector<16xi32>
      %parallel_loop3A_622 = arith.addi %parallel_loop3A_616, %parallel_loop3A_621 : vector<16xi32>
      %parallel_loop3A_623 = arith.select %parallel_loop3A_619, %parallel_loop3A_622, %parallel_loop3A_616 : vector<16xi1>, vector<16xi32>
      %parallel_loop3A_624 = vector.shape_cast %parallel_loop3A_623 : vector<16xi32> to vector<16x1xi32>
      %parallel_loop3A_625 = vector.shape_cast %parallel_loop3A_624 : vector<16x1xi32> to vector<16xi32>
      %parallel_loop3A_626 = tpu.dynamic_gather %parallel_loop3A_613[%parallel_loop3A_625] in [0] : vector<16xf32>, vector<16xi32> -> vector<16xf32>
      %parallel_loop3A_627 = arith.addf %parallel_loop3A_613, %parallel_loop3A_626 : vector<16xf32>
      %parallel_loop3A_628 = arith.constant 2 : i32
      %parallel_loop3A_629 = vector.broadcast %parallel_loop3A_628 : i32 to vector<16xi32>
      %parallel_loop3A_630 = arith.xori %iota3A, %parallel_loop3A_629 : vector<16xi32>
      %parallel_loop3A_631 = arith.constant 0 : i32
      %parallel_loop3A_632 = vector.broadcast %parallel_loop3A_631 : i32 to vector<16xi32>
      %parallel_loop3A_633 = arith.cmpi slt, %parallel_loop3A_630, %parallel_loop3A_632 : vector<16xi32>
      %parallel_loop3A_634 = arith.constant 16 : i32
      %parallel_loop3A_635 = vector.broadcast %parallel_loop3A_634 : i32 to vector<16xi32>
      %parallel_loop3A_636 = arith.addi %parallel_loop3A_630, %parallel_loop3A_635 : vector<16xi32>
      %parallel_loop3A_637 = arith.select %parallel_loop3A_633, %parallel_loop3A_636, %parallel_loop3A_630 : vector<16xi1>, vector<16xi32>
      %parallel_loop3A_638 = vector.shape_cast %parallel_loop3A_637 : vector<16xi32> to vector<16x1xi32>
      %parallel_loop3A_639 = vector.shape_cast %parallel_loop3A_638 : vector<16x1xi32> to vector<16xi32>
      %parallel_loop3A_640 = tpu.dynamic_gather %parallel_loop3A_627[%parallel_loop3A_639] in [0] : vector<16xf32>, vector<16xi32> -> vector<16xf32>
      %parallel_loop3A_641 = arith.addf %parallel_loop3A_627, %parallel_loop3A_640 : vector<16xf32>
      %parallel_loop3A_642 = arith.constant 4 : i32
      %parallel_loop3A_643 = vector.broadcast %parallel_loop3A_642 : i32 to vector<16xi32>
      %parallel_loop3A_644 = arith.xori %iota3A, %parallel_loop3A_643 : vector<16xi32>
      %parallel_loop3A_645 = arith.constant 0 : i32
      %parallel_loop3A_646 = vector.broadcast %parallel_loop3A_645 : i32 to vector<16xi32>
      %parallel_loop3A_647 = arith.cmpi slt, %parallel_loop3A_644, %parallel_loop3A_646 : vector<16xi32>
      %parallel_loop3A_648 = arith.constant 16 : i32
      %parallel_loop3A_649 = vector.broadcast %parallel_loop3A_648 : i32 to vector<16xi32>
      %parallel_loop3A_650 = arith.addi %parallel_loop3A_644, %parallel_loop3A_649 : vector<16xi32>
      %parallel_loop3A_651 = arith.select %parallel_loop3A_647, %parallel_loop3A_650, %parallel_loop3A_644 : vector<16xi1>, vector<16xi32>
      %parallel_loop3A_652 = vector.shape_cast %parallel_loop3A_651 : vector<16xi32> to vector<16x1xi32>
      %parallel_loop3A_653 = vector.shape_cast %parallel_loop3A_652 : vector<16x1xi32> to vector<16xi32>
      %parallel_loop3A_654 = tpu.dynamic_gather %parallel_loop3A_641[%parallel_loop3A_653] in [0] : vector<16xf32>, vector<16xi32> -> vector<16xf32>
      %parallel_loop3A_655 = arith.addf %parallel_loop3A_641, %parallel_loop3A_654 : vector<16xf32>
      %parallel_loop3A_656 = arith.constant 8 : i32
      %parallel_loop3A_657 = vector.broadcast %parallel_loop3A_656 : i32 to vector<16xi32>
      %parallel_loop3A_658 = arith.xori %iota3A, %parallel_loop3A_657 : vector<16xi32>
      %parallel_loop3A_659 = arith.constant 0 : i32
      %parallel_loop3A_660 = vector.broadcast %parallel_loop3A_659 : i32 to vector<16xi32>
      %parallel_loop3A_661 = arith.cmpi slt, %parallel_loop3A_658, %parallel_loop3A_660 : vector<16xi32>
      %parallel_loop3A_662 = arith.constant 16 : i32
      %parallel_loop3A_663 = vector.broadcast %parallel_loop3A_662 : i32 to vector<16xi32>
      %parallel_loop3A_664 = arith.addi %parallel_loop3A_658, %parallel_loop3A_663 : vector<16xi32>
      %parallel_loop3A_665 = arith.select %parallel_loop3A_661, %parallel_loop3A_664, %parallel_loop3A_658 : vector<16xi1>, vector<16xi32>
      %parallel_loop3A_666 = vector.shape_cast %parallel_loop3A_665 : vector<16xi32> to vector<16x1xi32>
      %parallel_loop3A_667 = vector.shape_cast %parallel_loop3A_666 : vector<16x1xi32> to vector<16xi32>
      %parallel_loop3A_668 = tpu.dynamic_gather %parallel_loop3A_655[%parallel_loop3A_667] in [0] : vector<16xf32>, vector<16xi32> -> vector<16xf32>
      %parallel_loop3A_669 = arith.addf %parallel_loop3A_655, %parallel_loop3A_668 : vector<16xf32>
      %parallel_loop3A_670 = arith.constant 384 : i32
      %parallel_loop3A_671 = vector.broadcast %parallel_loop3A_670 : i32 to vector<16xi32>
      %parallel_loop3A_672 = vector.broadcast %parallel_loop3A_518 : i32 to vector<16xi32>
      %parallel_loop3A_673 = arith.addi %parallel_loop3A_671, %parallel_loop3A_672 : vector<16xi32>
      %parallel_loop3A_674 = arith.constant 0 : i32
      %parallel_loop3A_675 = vector.broadcast %parallel_loop3A_674 : i32 to vector<16xi32>
      %parallel_loop3A_676 = arith.cmpi eq, %iota3A, %parallel_loop3A_675 : vector<16xi32>
      tpu.vector_store_idx %arg9[%parallel_loop3A_673], %parallel_loop3A_669 masked %parallel_loop3A_676 : memref<512xf32, #tpu.memory_space<vmem>>[vector<16xi32>], vector<16xf32>, vector<16xi1>
    } {sc.loop_unroll_factor = 2 : i64, sc.parallel_access}
    %dma_wait3A_484 = arith.constant 3 : i32
    %dma_wait3A_485 = arith.constant 3 : i32
    %dma_wait3A_486 = arith.constant 0 : i32
    %dma_wait3A_487 = arith.constant 0 : i32
    %dma_wait3A_488 = tpu.memref_slice %arg7[%dma_wait3A_484, %dma_wait3A_486, %dma_wait3A_487] : memref<4x64x128xf32, #tpu.memory_space<vmem>> -> memref<1x64x128xf32, #tpu.memory_space<vmem>>
    %dma_wait3A_489 = tpu.memref_squeeze %dma_wait3A_488 : memref<1x64x128xf32, #tpu.memory_space<vmem>> -> memref<64x128xf32, #tpu.memory_space<vmem>>
    %dma_wait3A_490 = arith.constant 448 : i32
    %dma_wait3A_491 = tpu.memref_slice %arg6[%dma_wait3A_490] : memref<512xi32, #tpu.memory_space<vmem>> -> memref<64xi32, #tpu.memory_space<vmem>>
    %dma_wait3A_492 = arith.constant 0 : i32
    %dma_wait3A_493 = arith.constant 0 : i32
    %dma_wait3A_494 = tpu.memref_slice %arg4[%dma_wait3A_492, %dma_wait3A_493] : memref<100000x128xf32, #tpu.memory_space<hbm>> -> memref<100000x128xf32, #tpu.memory_space<hbm>>
    %dma_wait3A_495 = tpu.memref_slice %arg10[%dma_wait3A_485] : memref<4x!tpu.dma_semaphore, #tpu.memory_space<semaphore_mem>> -> memref<1x!tpu.dma_semaphore, #tpu.memory_space<semaphore_mem>>
    %dma_wait3A_496 = tpu.memref_squeeze %dma_wait3A_495 : memref<1x!tpu.dma_semaphore, #tpu.memory_space<semaphore_mem>> -> memref<!tpu.dma_semaphore, #tpu.memory_space<semaphore_mem>>
    tpu.wait_indirect_dma semaphore(%dma_wait3A_496 : memref<!tpu.dma_semaphore, #tpu.memory_space<semaphore_mem>>) src(%dma_wait3A_494 : memref<100000x128xf32, #tpu.memory_space<hbm>>) dst(%dma_wait3A_489 : memref<64x128xf32, #tpu.memory_space<vmem>>)
    %add3A_497 = arith.constant 448 : i32
    %add3A_498 = arith.addi %mul3A_2, %add3A_497 : i32
    %dma_wait3A_499 = arith.constant 3 : i32
    %dma_wait3A_500 = arith.constant 3 : i32
    %dma_wait3A_501 = arith.constant 0 : i32
    %dma_wait3A_502 = arith.constant 0 : i32
    %dma_wait3A_503 = tpu.memref_slice %arg8[%dma_wait3A_499, %dma_wait3A_501, %dma_wait3A_502] : memref<4x64x128xf32, #tpu.memory_space<vmem>> -> memref<1x64x128xf32, #tpu.memory_space<vmem>>
    %dma_wait3A_504 = tpu.memref_squeeze %dma_wait3A_503 : memref<1x64x128xf32, #tpu.memory_space<vmem>> -> memref<64x128xf32, #tpu.memory_space<vmem>>
    %dma_wait3A_505 = arith.constant 0 : i32
    %dma_wait3A_506 = tpu.memref_slice %arg2[%add3A_498, %dma_wait3A_505] : memref<16384x128xf32, #tpu.memory_space<hbm>> -> memref<64x128xf32, #tpu.memory_space<hbm>>
    %dma_wait3A_507 = tpu.memref_slice %arg11[%dma_wait3A_500] : memref<4x!tpu.dma_semaphore, #tpu.memory_space<semaphore_mem>> -> memref<1x!tpu.dma_semaphore, #tpu.memory_space<semaphore_mem>>
    %dma_wait3A_508 = tpu.memref_squeeze %dma_wait3A_507 : memref<1x!tpu.dma_semaphore, #tpu.memory_space<semaphore_mem>> -> memref<!tpu.dma_semaphore, #tpu.memory_space<semaphore_mem>>
    %dma_wait3A_509 = arith.constant 0 : i32
    %dma_wait3A_510 = arith.constant 0 : i32
    %dma_wait3A_511 = tpu.memref_slice %arg8[%dma_wait3A_499, %dma_wait3A_509, %dma_wait3A_510] : memref<4x64x128xf32, #tpu.memory_space<vmem>> -> memref<1x64x128xf32, #tpu.memory_space<vmem>>
    %dma_wait3A_512 = tpu.memref_squeeze %dma_wait3A_511 : memref<1x64x128xf32, #tpu.memory_space<vmem>> -> memref<64x128xf32, #tpu.memory_space<vmem>>
    %dma_wait3A_513 = arith.constant 0 : i32
    %dma_wait3A_514 = tpu.memref_slice %arg2[%add3A_498, %dma_wait3A_513] : memref<16384x128xf32, #tpu.memory_space<hbm>> -> memref<64x128xf32, #tpu.memory_space<hbm>>
    tpu.wait_dma2 semaphore(%dma_wait3A_508 : memref<!tpu.dma_semaphore, #tpu.memory_space<semaphore_mem>>) src(%dma_wait3A_514 : memref<64x128xf32, #tpu.memory_space<hbm>>) dst(%dma_wait3A_512 : memref<64x128xf32, #tpu.memory_space<vmem>>)
    %parallel_loop3A_515 = arith.constant 0 : i32
    %parallel_loop3A_516 = arith.constant 64 : i32
    %parallel_loop3A_517 = arith.constant 1 : i32
    scf.for %parallel_loop3A_518 = %parallel_loop3A_515 to %parallel_loop3A_516 step %parallel_loop3A_517  : i32 {
      %parallel_loop3A_519 = arith.constant 3 : i32
      %parallel_loop3A_520 = arith.index_cast %parallel_loop3A_519 : i32 to index
      %parallel_loop3A_521 = arith.index_cast %parallel_loop3A_518 : i32 to index
      %parallel_loop3A_522 = arith.constant 0 : index
      %parallel_loop3A_523 = tpu.vector_load %arg7[%parallel_loop3A_520, %parallel_loop3A_521, %parallel_loop3A_522] {strides = array<i32>} : memref<4x64x128xf32, #tpu.memory_space<vmem>>, vector<16xf32>,
      %parallel_loop3A_524 = arith.constant 3 : i32
      %parallel_loop3A_525 = arith.index_cast %parallel_loop3A_524 : i32 to index
      %parallel_loop3A_526 = arith.index_cast %parallel_loop3A_518 : i32 to index
      %parallel_loop3A_527 = arith.constant 0 : index
      %parallel_loop3A_528 = tpu.vector_load %arg8[%parallel_loop3A_525, %parallel_loop3A_526, %parallel_loop3A_527] {strides = array<i32>} : memref<4x64x128xf32, #tpu.memory_space<vmem>>, vector<16xf32>,
      %parallel_loop3A_529 = arith.mulf %parallel_loop3A_523, %parallel_loop3A_528 : vector<16xf32>
      %parallel_loop3A_530 = arith.constant 3 : i32
      %parallel_loop3A_531 = arith.index_cast %parallel_loop3A_530 : i32 to index
      %parallel_loop3A_532 = arith.index_cast %parallel_loop3A_518 : i32 to index
      %parallel_loop3A_533 = arith.constant 16 : index
      %parallel_loop3A_534 = tpu.vector_load %arg7[%parallel_loop3A_531, %parallel_loop3A_532, %parallel_loop3A_533] {strides = array<i32>} : memref<4x64x128xf32, #tpu.memory_space<vmem>>, vector<16xf32>,
      %parallel_loop3A_535 = arith.constant 3 : i32
      %parallel_loop3A_536 = arith.index_cast %parallel_loop3A_535 : i32 to index
      %parallel_loop3A_537 = arith.index_cast %parallel_loop3A_518 : i32 to index
      %parallel_loop3A_538 = arith.constant 16 : index
      %parallel_loop3A_539 = tpu.vector_load %arg8[%parallel_loop3A_536, %parallel_loop3A_537, %parallel_loop3A_538] {strides = array<i32>} : memref<4x64x128xf32, #tpu.memory_space<vmem>>, vector<16xf32>,
      %parallel_loop3A_540 = arith.mulf %parallel_loop3A_534, %parallel_loop3A_539 : vector<16xf32>
      %parallel_loop3A_541 = arith.constant 3 : i32
      %parallel_loop3A_542 = arith.index_cast %parallel_loop3A_541 : i32 to index
      %parallel_loop3A_543 = arith.index_cast %parallel_loop3A_518 : i32 to index
      %parallel_loop3A_544 = arith.constant 32 : index
      %parallel_loop3A_545 = tpu.vector_load %arg7[%parallel_loop3A_542, %parallel_loop3A_543, %parallel_loop3A_544] {strides = array<i32>} : memref<4x64x128xf32, #tpu.memory_space<vmem>>, vector<16xf32>,
      %parallel_loop3A_546 = arith.constant 3 : i32
      %parallel_loop3A_547 = arith.index_cast %parallel_loop3A_546 : i32 to index
      %parallel_loop3A_548 = arith.index_cast %parallel_loop3A_518 : i32 to index
      %parallel_loop3A_549 = arith.constant 32 : index
      %parallel_loop3A_550 = tpu.vector_load %arg8[%parallel_loop3A_547, %parallel_loop3A_548, %parallel_loop3A_549] {strides = array<i32>} : memref<4x64x128xf32, #tpu.memory_space<vmem>>, vector<16xf32>,
      %parallel_loop3A_551 = arith.mulf %parallel_loop3A_545, %parallel_loop3A_550 : vector<16xf32>
      %parallel_loop3A_552 = arith.constant 3 : i32
      %parallel_loop3A_553 = arith.index_cast %parallel_loop3A_552 : i32 to index
      %parallel_loop3A_554 = arith.index_cast %parallel_loop3A_518 : i32 to index
      %parallel_loop3A_555 = arith.constant 48 : index
      %parallel_loop3A_556 = tpu.vector_load %arg7[%parallel_loop3A_553, %parallel_loop3A_554, %parallel_loop3A_555] {strides = array<i32>} : memref<4x64x128xf32, #tpu.memory_space<vmem>>, vector<16xf32>,
      %parallel_loop3A_557 = arith.constant 3 : i32
      %parallel_loop3A_558 = arith.index_cast %parallel_loop3A_557 : i32 to index
      %parallel_loop3A_559 = arith.index_cast %parallel_loop3A_518 : i32 to index
      %parallel_loop3A_560 = arith.constant 48 : index
      %parallel_loop3A_561 = tpu.vector_load %arg8[%parallel_loop3A_558, %parallel_loop3A_559, %parallel_loop3A_560] {strides = array<i32>} : memref<4x64x128xf32, #tpu.memory_space<vmem>>, vector<16xf32>,
      %parallel_loop3A_562 = arith.mulf %parallel_loop3A_556, %parallel_loop3A_561 : vector<16xf32>
      %parallel_loop3A_563 = arith.constant 3 : i32
      %parallel_loop3A_564 = arith.index_cast %parallel_loop3A_563 : i32 to index
      %parallel_loop3A_565 = arith.index_cast %parallel_loop3A_518 : i32 to index
      %parallel_loop3A_566 = arith.constant 64 : index
      %parallel_loop3A_567 = tpu.vector_load %arg7[%parallel_loop3A_564, %parallel_loop3A_565, %parallel_loop3A_566] {strides = array<i32>} : memref<4x64x128xf32, #tpu.memory_space<vmem>>, vector<16xf32>,
      %parallel_loop3A_568 = arith.constant 3 : i32
      %parallel_loop3A_569 = arith.index_cast %parallel_loop3A_568 : i32 to index
      %parallel_loop3A_570 = arith.index_cast %parallel_loop3A_518 : i32 to index
      %parallel_loop3A_571 = arith.constant 64 : index
      %parallel_loop3A_572 = tpu.vector_load %arg8[%parallel_loop3A_569, %parallel_loop3A_570, %parallel_loop3A_571] {strides = array<i32>} : memref<4x64x128xf32, #tpu.memory_space<vmem>>, vector<16xf32>,
      %parallel_loop3A_573 = arith.mulf %parallel_loop3A_567, %parallel_loop3A_572 : vector<16xf32>
      %parallel_loop3A_574 = arith.constant 3 : i32
      %parallel_loop3A_575 = arith.index_cast %parallel_loop3A_574 : i32 to index
      %parallel_loop3A_576 = arith.index_cast %parallel_loop3A_518 : i32 to index
      %parallel_loop3A_577 = arith.constant 80 : index
      %parallel_loop3A_578 = tpu.vector_load %arg7[%parallel_loop3A_575, %parallel_loop3A_576, %parallel_loop3A_577] {strides = array<i32>} : memref<4x64x128xf32, #tpu.memory_space<vmem>>, vector<16xf32>,
      %parallel_loop3A_579 = arith.constant 3 : i32
      %parallel_loop3A_580 = arith.index_cast %parallel_loop3A_579 : i32 to index
      %parallel_loop3A_581 = arith.index_cast %parallel_loop3A_518 : i32 to index
      %parallel_loop3A_582 = arith.constant 80 : index
      %parallel_loop3A_583 = tpu.vector_load %arg8[%parallel_loop3A_580, %parallel_loop3A_581, %parallel_loop3A_582] {strides = array<i32>} : memref<4x64x128xf32, #tpu.memory_space<vmem>>, vector<16xf32>,
      %parallel_loop3A_584 = arith.mulf %parallel_loop3A_578, %parallel_loop3A_583 : vector<16xf32>
      %parallel_loop3A_585 = arith.constant 3 : i32
      %parallel_loop3A_586 = arith.index_cast %parallel_loop3A_585 : i32 to index
      %parallel_loop3A_587 = arith.index_cast %parallel_loop3A_518 : i32 to index
      %parallel_loop3A_588 = arith.constant 96 : index
      %parallel_loop3A_589 = tpu.vector_load %arg7[%parallel_loop3A_586, %parallel_loop3A_587, %parallel_loop3A_588] {strides = array<i32>} : memref<4x64x128xf32, #tpu.memory_space<vmem>>, vector<16xf32>,
      %parallel_loop3A_590 = arith.constant 3 : i32
      %parallel_loop3A_591 = arith.index_cast %parallel_loop3A_590 : i32 to index
      %parallel_loop3A_592 = arith.index_cast %parallel_loop3A_518 : i32 to index
      %parallel_loop3A_593 = arith.constant 96 : index
      %parallel_loop3A_594 = tpu.vector_load %arg8[%parallel_loop3A_591, %parallel_loop3A_592, %parallel_loop3A_593] {strides = array<i32>} : memref<4x64x128xf32, #tpu.memory_space<vmem>>, vector<16xf32>,
      %parallel_loop3A_595 = arith.mulf %parallel_loop3A_589, %parallel_loop3A_594 : vector<16xf32>
      %parallel_loop3A_596 = arith.constant 3 : i32
      %parallel_loop3A_597 = arith.index_cast %parallel_loop3A_596 : i32 to index
      %parallel_loop3A_598 = arith.index_cast %parallel_loop3A_518 : i32 to index
      %parallel_loop3A_599 = arith.constant 112 : index
      %parallel_loop3A_600 = tpu.vector_load %arg7[%parallel_loop3A_597, %parallel_loop3A_598, %parallel_loop3A_599] {strides = array<i32>} : memref<4x64x128xf32, #tpu.memory_space<vmem>>, vector<16xf32>,
      %parallel_loop3A_601 = arith.constant 3 : i32
      %parallel_loop3A_602 = arith.index_cast %parallel_loop3A_601 : i32 to index
      %parallel_loop3A_603 = arith.index_cast %parallel_loop3A_518 : i32 to index
      %parallel_loop3A_604 = arith.constant 112 : index
      %parallel_loop3A_605 = tpu.vector_load %arg8[%parallel_loop3A_602, %parallel_loop3A_603, %parallel_loop3A_604] {strides = array<i32>} : memref<4x64x128xf32, #tpu.memory_space<vmem>>, vector<16xf32>,
      %parallel_loop3A_606 = arith.mulf %parallel_loop3A_600, %parallel_loop3A_605 : vector<16xf32>
      %parallel_loop3A_607 = arith.addf %parallel_loop3A_529, %parallel_loop3A_540 : vector<16xf32>
      %parallel_loop3A_608 = arith.addf %parallel_loop3A_551, %parallel_loop3A_562 : vector<16xf32>
      %parallel_loop3A_609 = arith.addf %parallel_loop3A_573, %parallel_loop3A_584 : vector<16xf32>
      %parallel_loop3A_610 = arith.addf %parallel_loop3A_595, %parallel_loop3A_606 : vector<16xf32>
      %parallel_loop3A_611 = arith.addf %parallel_loop3A_607, %parallel_loop3A_608 : vector<16xf32>
      %parallel_loop3A_612 = arith.addf %parallel_loop3A_609, %parallel_loop3A_610 : vector<16xf32>
      %parallel_loop3A_613 = arith.addf %parallel_loop3A_611, %parallel_loop3A_612 : vector<16xf32>
      %parallel_loop3A_614 = arith.constant 1 : i32
      %parallel_loop3A_615 = vector.broadcast %parallel_loop3A_614 : i32 to vector<16xi32>
      %parallel_loop3A_616 = arith.xori %iota3A, %parallel_loop3A_615 : vector<16xi32>
      %parallel_loop3A_617 = arith.constant 0 : i32
      %parallel_loop3A_618 = vector.broadcast %parallel_loop3A_617 : i32 to vector<16xi32>
      %parallel_loop3A_619 = arith.cmpi slt, %parallel_loop3A_616, %parallel_loop3A_618 : vector<16xi32>
      %parallel_loop3A_620 = arith.constant 16 : i32
      %parallel_loop3A_621 = vector.broadcast %parallel_loop3A_620 : i32 to vector<16xi32>
      %parallel_loop3A_622 = arith.addi %parallel_loop3A_616, %parallel_loop3A_621 : vector<16xi32>
      %parallel_loop3A_623 = arith.select %parallel_loop3A_619, %parallel_loop3A_622, %parallel_loop3A_616 : vector<16xi1>, vector<16xi32>
      %parallel_loop3A_624 = vector.shape_cast %parallel_loop3A_623 : vector<16xi32> to vector<16x1xi32>
      %parallel_loop3A_625 = vector.shape_cast %parallel_loop3A_624 : vector<16x1xi32> to vector<16xi32>
      %parallel_loop3A_626 = tpu.dynamic_gather %parallel_loop3A_613[%parallel_loop3A_625] in [0] : vector<16xf32>, vector<16xi32> -> vector<16xf32>
      %parallel_loop3A_627 = arith.addf %parallel_loop3A_613, %parallel_loop3A_626 : vector<16xf32>
      %parallel_loop3A_628 = arith.constant 2 : i32
      %parallel_loop3A_629 = vector.broadcast %parallel_loop3A_628 : i32 to vector<16xi32>
      %parallel_loop3A_630 = arith.xori %iota3A, %parallel_loop3A_629 : vector<16xi32>
      %parallel_loop3A_631 = arith.constant 0 : i32
      %parallel_loop3A_632 = vector.broadcast %parallel_loop3A_631 : i32 to vector<16xi32>
      %parallel_loop3A_633 = arith.cmpi slt, %parallel_loop3A_630, %parallel_loop3A_632 : vector<16xi32>
      %parallel_loop3A_634 = arith.constant 16 : i32
      %parallel_loop3A_635 = vector.broadcast %parallel_loop3A_634 : i32 to vector<16xi32>
      %parallel_loop3A_636 = arith.addi %parallel_loop3A_630, %parallel_loop3A_635 : vector<16xi32>
      %parallel_loop3A_637 = arith.select %parallel_loop3A_633, %parallel_loop3A_636, %parallel_loop3A_630 : vector<16xi1>, vector<16xi32>
      %parallel_loop3A_638 = vector.shape_cast %parallel_loop3A_637 : vector<16xi32> to vector<16x1xi32>
      %parallel_loop3A_639 = vector.shape_cast %parallel_loop3A_638 : vector<16x1xi32> to vector<16xi32>
      %parallel_loop3A_640 = tpu.dynamic_gather %parallel_loop3A_627[%parallel_loop3A_639] in [0] : vector<16xf32>, vector<16xi32> -> vector<16xf32>
      %parallel_loop3A_641 = arith.addf %parallel_loop3A_627, %parallel_loop3A_640 : vector<16xf32>
      %parallel_loop3A_642 = arith.constant 4 : i32
      %parallel_loop3A_643 = vector.broadcast %parallel_loop3A_642 : i32 to vector<16xi32>
      %parallel_loop3A_644 = arith.xori %iota3A, %parallel_loop3A_643 : vector<16xi32>
      %parallel_loop3A_645 = arith.constant 0 : i32
      %parallel_loop3A_646 = vector.broadcast %parallel_loop3A_645 : i32 to vector<16xi32>
      %parallel_loop3A_647 = arith.cmpi slt, %parallel_loop3A_644, %parallel_loop3A_646 : vector<16xi32>
      %parallel_loop3A_648 = arith.constant 16 : i32
      %parallel_loop3A_649 = vector.broadcast %parallel_loop3A_648 : i32 to vector<16xi32>
      %parallel_loop3A_650 = arith.addi %parallel_loop3A_644, %parallel_loop3A_649 : vector<16xi32>
      %parallel_loop3A_651 = arith.select %parallel_loop3A_647, %parallel_loop3A_650, %parallel_loop3A_644 : vector<16xi1>, vector<16xi32>
      %parallel_loop3A_652 = vector.shape_cast %parallel_loop3A_651 : vector<16xi32> to vector<16x1xi32>
      %parallel_loop3A_653 = vector.shape_cast %parallel_loop3A_652 : vector<16x1xi32> to vector<16xi32>
      %parallel_loop3A_654 = tpu.dynamic_gather %parallel_loop3A_641[%parallel_loop3A_653] in [0] : vector<16xf32>, vector<16xi32> -> vector<16xf32>
      %parallel_loop3A_655 = arith.addf %parallel_loop3A_641, %parallel_loop3A_654 : vector<16xf32>
      %parallel_loop3A_656 = arith.constant 8 : i32
      %parallel_loop3A_657 = vector.broadcast %parallel_loop3A_656 : i32 to vector<16xi32>
      %parallel_loop3A_658 = arith.xori %iota3A, %parallel_loop3A_657 : vector<16xi32>
      %parallel_loop3A_659 = arith.constant 0 : i32
      %parallel_loop3A_660 = vector.broadcast %parallel_loop3A_659 : i32 to vector<16xi32>
      %parallel_loop3A_661 = arith.cmpi slt, %parallel_loop3A_658, %parallel_loop3A_660 : vector<16xi32>
      %parallel_loop3A_662 = arith.constant 16 : i32
      %parallel_loop3A_663 = vector.broadcast %parallel_loop3A_662 : i32 to vector<16xi32>
      %parallel_loop3A_664 = arith.addi %parallel_loop3A_658, %parallel_loop3A_663 : vector<16xi32>
      %parallel_loop3A_665 = arith.select %parallel_loop3A_661, %parallel_loop3A_664, %parallel_loop3A_658 : vector<16xi1>, vector<16xi32>
      %parallel_loop3A_666 = vector.shape_cast %parallel_loop3A_665 : vector<16xi32> to vector<16x1xi32>
      %parallel_loop3A_667 = vector.shape_cast %parallel_loop3A_666 : vector<16x1xi32> to vector<16xi32>
      %parallel_loop3A_668 = tpu.dynamic_gather %parallel_loop3A_655[%parallel_loop3A_667] in [0] : vector<16xf32>, vector<16xi32> -> vector<16xf32>
      %parallel_loop3A_669 = arith.addf %parallel_loop3A_655, %parallel_loop3A_668 : vector<16xf32>
      %parallel_loop3A_670 = arith.constant 448 : i32
      %parallel_loop3A_671 = vector.broadcast %parallel_loop3A_670 : i32 to vector<16xi32>
      %parallel_loop3A_672 = vector.broadcast %parallel_loop3A_518 : i32 to vector<16xi32>
      %parallel_loop3A_673 = arith.addi %parallel_loop3A_671, %parallel_loop3A_672 : vector<16xi32>
      %parallel_loop3A_674 = arith.constant 0 : i32
      %parallel_loop3A_675 = vector.broadcast %parallel_loop3A_674 : i32 to vector<16xi32>
      %parallel_loop3A_676 = arith.cmpi eq, %iota3A, %parallel_loop3A_675 : vector<16xi32>
      tpu.vector_store_idx %arg9[%parallel_loop3A_673], %parallel_loop3A_669 masked %parallel_loop3A_676 : memref<512xf32, #tpu.memory_space<vmem>>[vector<16xi32>], vector<16xf32>, vector<16xi1>
    } {sc.loop_unroll_factor = 2 : i64, sc.parallel_access}
    "tpu.region"() ({
      %run_scoped3A = tpu.sem_alloc : memref<!tpu.dma_semaphore, #tpu.memory_space<semaphore_mem>>
      %dma_start3A_518 = tpu.memref_slice %arg5[%mul3A_2] : memref<16384xf32, #tpu.memory_space<hbm>> -> memref<512xf32, #tpu.memory_space<hbm>>
      %dma_start3A_519 = tpu.memref_slice %arg5[%mul3A_2] : memref<16384xf32, #tpu.memory_space<hbm>> -> memref<512xf32, #tpu.memory_space<hbm>>
      tpu.enqueue_dma source(%arg9 : memref<512xf32, #tpu.memory_space<vmem>>) target(%dma_start3A_519 : memref<512xf32, #tpu.memory_space<hbm>>) target_semaphore(%run_scoped3A : memref<!tpu.dma_semaphore, #tpu.memory_space<semaphore_mem>>)
      %dma_wait3A_520 = tpu.memref_slice %arg5[%mul3A_2] : memref<16384xf32, #tpu.memory_space<hbm>> -> memref<512xf32, #tpu.memory_space<hbm>>
      %dma_wait3A_521 = tpu.memref_slice %arg5[%mul3A_2] : memref<16384xf32, #tpu.memory_space<hbm>> -> memref<512xf32, #tpu.memory_space<hbm>>
      tpu.wait_dma2 semaphore(%run_scoped3A : memref<!tpu.dma_semaphore, #tpu.memory_space<semaphore_mem>>) src(%arg9 : memref<512xf32, #tpu.memory_space<vmem>>) dst(%dma_wait3A_521 : memref<512xf32, #tpu.memory_space<hbm>>)
      tpu.yield
    }) : () -> ()
    return
  }
}

</mosaic_0001>

<sc_bundles>
// kernel: kernel.3.cloned.1.call-start
scs
__scs_entry_jumppad:
0x0: {  	(pc) =	sbr.rel $0x88, $3  }
0x1: {  	(tag) =	ssettag $0x0;
	lr =	simm.s32 $0x1  }
0x2: {  	[smem:$0x3F9E] =	sst lr;
	_ =	strace $0xD0000000  }
0x3: {  	_ = 	snop  }
0x4: {  	_ = 	snop  }
0x5: {  	_ = 	snop  }
0x6: {  	_ = 	snop  }
0x7: {  	_ = 	snop  }
__scs_overlays_trampoline_lowered:
0x8: {  	[smem:$0x3FAD] =	sst s0  }
0x9: {  	[smem:$0x3FAE] =	sst s1  }
0xa: {  	[smem:$0x3FAF] =	sst s2  }
0xb: {  	[smem:$0x3FB0] =	sst s3  }
0xc: {  	[smem:$0x3FB1] =	sst s4  }
0xd: {  	[smem:$0x3FB2] =	sst s5  }
0xe: {  	[smem:$0x3FB3] =	sst s6  }
0xf: {  	[smem:$0x3FB4] =	sst s7  }
0x10: {  	[smem:$0x3FB5] =	sst s8  }
0x11: {  	[smem:$0x3FB6] =	sst s9;
	s0 =	simm.s32 @!p0 $0x0  }
0x12: {  	s1 =	sld [smem:$0x3F9C];
	s0 =	simm.s32 @p0 $0x1  }
0x13: {  	[smem:$0x3FB7] =	sst s0;
	s0 =	simm.s32 @!p1 $0x0  }
0x14: {  	s2 =	sld [smem:$0x3F9B];
	s0 =	simm.s32 @p1 $0x1  }
0x15: {  	[smem:$0x3FB8] =	sst s0;
	s0 =	simm.s32 @!p2 $0x0  }
0x16: {  	s3 =	sld [smem:$0x3FDB];
	s0 =	simm.s32 @p2 $0x1  }
0x17: {  	s4 =	simm.s32 $0x1BF5;
	[smem:$0x3FBA] =	sst s0  }
0x18: {  	s0 =	sld [smem:$0x3F9D];
	_ =	swait.ge [sflag:s4], $0x0  }
0x19: {  	s7 =	sld [smem:$0x3F9E]  }
0x1a: {  	s8 =	sadd.s32 $0xFFFFE003, lr  }
0x1b: {  	s9 =	sadd.s32 $0xFFFFFEF7, lr;
	s5 =	simm.s32 $0xFFFFFFFF;
	p2 =	slt.u32 s8, $0xFFFFF086  }
0x1c: {  	p1 =	slt.u32 s9, $0xF7A;
	s5 =	simm.s32 @!p2 $0x0  }
0x1d: {  	s5 =	simm.s32 @p1 $0x1;
	p0 =	seq.s32 s7, s2  }
0x1e: {  	s7 =	smul.u32 @!p0 $0xF7A, s2;
	p2 =	seq.s32 @!p0 s5, $0x0  }
0x1f: {  	s9 =	smul.u32 $0xF7A, s1;
	s8 =	simm.s32 @!p0 $0x1BF5;
	p2 =	por !p2, p0  }
0x20: {  	[sflag:s8] =	ssyncset.s32 @!p0 $0xFFFFF086;
	s6 =	sadd.s32 @!p0 s3, s7;
	s7 =	simm.s32 @!p0 $0x108  }
0x21: {  	s3 =	sadd.s32 s3, s9;
	s6 =	sadd.s32 @!p0 $0x88, s6;
	s7 =	simm.s32 @p2 $0x1082  }
0x22: {  	[simem:s7], [sflag:s8] =	dma.local @!p0 [hbm:s6], $0xF7A  }
0x23: {  	s9 =	sor.u32 $0xD0000000, s2;
	s6 =	simm.s32 $0x108;
	_ =	swait.ge @!p0 [sflag:s8], $0x0  }
0x24: {  	s3 =	sadd.s32 $0x88, s3;
	s6 =	simm.s32 @!p1 $0x1082;
	[sflag:s4] =	ssyncset.s32 $0xFFFFF086  }
0x25: {  	[simem:s6], [sflag:s4] =	dma.local [hbm:s3], $0xF7A  }
0x26: {  	[smem:$0x3F9E] =	sst s1;
	(tag) =	ssettag s2;
	_ =	strace s9  }
0x27: {  	s1 =	sld [smem:$0x3FAE]  }
0x28: {  	s2 =	sld [smem:$0x3FAF]  }
0x29: {  	s4 =	sld [smem:$0x3FB1]  }
0x2a: {  	p0 =	seq.s32 s5, $0x0;
	s5 =	sld [smem:$0x3FB2]  }
0x2b: {  	s6 =	sld [smem:$0x3FB3]  }
0x2c: {  	s7 =	sld [smem:$0x3FB4]  }
0x2d: {  	s3 =	simm.s32 $0x108;
	s8 =	sld [smem:$0x3FB5]  }
0x2e: {  	s3 =	simm.s32 @!p0 $0x1082;
	s9 =	sld [smem:$0x3FB6]  }
0x2f: {  	lr =	sadd.s32 s0, s3;
	s0 =	sld [smem:$0x3FAD]  }
0x30: {  	s3 =	sld [smem:$0x3FB0]  }
0x31: {  	[smem:$0x3FB9] =	sst s10  }
0x32: {  	s10 =	sld [smem:$0x3FB7];
	_ =	sdelay $0x3  }
0x33: {  	p0 =	seq.s32 s10, $0x1;
	s10 =	sld [smem:$0x3FB9];
	_ =	sdelay $0x3  }
0x34: {  	[smem:$0x3FB9] =	sst s10  }
0x35: {  	s10 =	sld [smem:$0x3FB8];
	_ =	sdelay $0x3  }
0x36: {  	p1 =	seq.s32 s10, $0x1;
	s10 =	sld [smem:$0x3FB9];
	_ =	sdelay $0x3  }
0x37: {  	[smem:$0x3FB9] =	sst s10  }
0x38: {  	s10 =	sld [smem:$0x3FBA]  }
0x39: {  	_ = 	snop;
	(pc) =	sbr.ind lr, $3  }
0x3a: {  	_ = 	snop  }
0x3b: {  	_ = 	snop  }
0x3c: {  	p2 =	seq.s32 s10, $0x1;
	s10 =	sld [smem:$0x3FB9]  }
0x3d: {  	_ =	shalt  }
0x3e: {  	_ =	shalt  }
0x3f: {  	_ =	shalt  }
0x40: {  	_ =	shalt  }
0x41: {  	_ =	shalt  }
0x42: {  	_ =	shalt  }
0x43: {  	_ =	shalt  }
0x44: {  	_ =	shalt  }
0x45: {  	_ =	shalt  }
0x46: {  	_ =	shalt  }
0x47: {  	_ =	shalt  }
0x48: {  	_ =	shalt  }
0x49: {  	_ =	shalt  }
0x4a: {  	_ =	shalt  }
0x4b: {  	_ =	shalt  }
0x4c: {  	_ =	shalt  }
0x4d: {  	_ =	shalt  }
0x4e: {  	_ =	shalt  }
0x4f: {  	_ =	shalt  }
0x50: {  	_ =	shalt  }
0x51: {  	_ =	shalt  }
0x52: {  	_ =	shalt  }
0x53: {  	_ =	shalt  }
0x54: {  	_ =	shalt  }
0x55: {  	_ =	shalt  }
0x56: {  	_ =	shalt  }
0x57: {  	_ =	shalt  }
0x58: {  	_ =	shalt  }
0x59: {  	_ =	shalt  }
0x5a: {  	_ =	shalt  }
0x5b: {  	_ =	shalt  }
0x5c: {  	_ =	shalt  }
0x5d: {  	_ =	shalt  }
0x5e: {  	_ =	shalt  }
0x5f: {  	_ =	shalt  }
0x60: {  	_ =	shalt  }
0x61: {  	_ =	shalt  }
0x62: {  	_ =	shalt  }
0x63: {  	_ =	shalt  }
0x64: {  	_ =	shalt  }
0x65: {  	_ =	shalt  }
0x66: {  	_ =	shalt  }
0x67: {  	_ =	shalt  }
0x68: {  	_ =	shalt  }
0x69: {  	_ =	shalt  }
0x6a: {  	_ =	shalt  }
0x6b: {  	_ =	shalt  }
0x6c: {  	_ =	shalt  }
0x6d: {  	_ =	shalt  }
0x6e: {  	_ =	shalt  }
0x6f: {  	_ =	shalt  }
0x70: {  	_ =	shalt  }
0x71: {  	_ =	shalt  }
0x72: {  	_ =	shalt  }
0x73: {  	_ =	shalt  }
0x74: {  	_ =	shalt  }
0x75: {  	_ =	shalt  }
0x76: {  	_ =	shalt  }
0x77: {  	_ =	shalt  }
0x78: {  	_ =	shalt  }
0x79: {  	_ =	shalt  }
0x7a: {  	_ =	shalt  }
0x7b: {  	_ =	shalt  }
0x7c: {  	_ =	shalt  }
0x7d: {  	_ =	shalt  }
0x7e: {  	_ =	shalt  }
0x7f: {  	_ =	shalt  }
0x80: {  	_ =	shalt  }
0x81: {  	_ =	shalt  }
0x82: {  	_ =	shalt  }
0x83: {  	_ =	shalt  }
0x84: {  	_ =	shalt  }
0x85: {  	_ =	shalt  }
0x86: {  	_ =	shalt  }
0x87: {  	_ =	shalt  }
.Lfunc_end0:
.L_simem_size_0:
called_computation_lowered:
.L_overlay_start_0:
0x88: {  	s2 =	sld [smem:$0x3FD9]  }
0x89: {  	s3 =	sld [smem:$0x3FFE];
	_ =	sdelay $0x1  }
0x8a: {  	s1 =	srdreg.scid  }
0x8b: {  	s0 =	sand.u32 $0x1, s1  }
0x8c: {  	s18 =	sshll.u32 s0, $0xA;
	s2 =	sadd.s32 s3, s2  }
0x8d: {  	s2 =	sadd.s32 s2, s18  }
0x8e: {  	[smem:$0x3FC5] =	sst s2  }
0x8f: {  	_ = 	snop  }
0x90: {  	s2 =	sld [smem:$0x3FC9]  }
0x91: {  	s19 =	sld [smem:$0x3FC8]  }
0x92: {  	s4 =	sld [smem:$0x3FC7]  }
0x93: {  	s5 =	sld [smem:$0x3FD0];
	(tm) =	ssettm $0x1  }
0x94: {  	s6 =	sld [smem:$0x3FFB];
	_ =	sdelay $0x3  }
0x95: {  	_ =	strace s6  }
0x96: {  	s6 =	sld [smem:$0x3FFC];
	_ =	sdelay $0x3  }
0x97: {  	_ =	strace s6  }
0x98: {  	s6 =	sld [smem:$0x3FFD];
	_ =	sdelay $0x3  }
0x99: {  	_ =	strace s6  }
0x9a: {  	_ =	strace $0x8FFFFFFF  }
0x9b: {  	s20 =	sld [smem:$0x3FDB];
	_ =	sdelay $0x1  }
0x9c: {  	s7 =	simm.s32 $_scs_section_size  }
0x9d: {  	s8 =	simm.s32 $_size__tile_overlayer_lowered;
	s9 =	simm.s32 $_tile_overlayer_lowered  }
0x9e: {  	s23 =	simm.s32 $0x1BFF;
	s22 =	sshll.u32 s9, $0x1;
	s6 =	sadd.s32 s7, s20  }
0x9f: {  	s10 =	simm.s32 $0x0;
	s21 =	sshll.u32 s8, $0x1;
	s8 =	sadd.s32 s22, s6  }
0xa0: {  	[timem:s10], [sflag:s23] =	dma.local [hbm:s8], s21  }
0xa1: {  	_ =	swait.ge [sflag:s23], s21  }
0xa2: {  	s7 =	ssub.s32 $0x0, s21;
	[sflag:s23] =	ssyncset.done $0x0  }
0xa3: {  	[sflag:s23] =	ssyncadd.s32 s7;
	_ =	sdelay $0x1  }
0xa4: {  	s24 =	simm.s32 $0x1B8B  }
0xa5: {  	_ =	swait.ge [sflag:s24], $0x1  }
0xa6: {  	[sflag:s24] =	ssyncset.done $0x0  }
0xa7: {  	s25 =	simm.s32 $0x1B8E;
	[sflag:s24] =	ssyncadd.s32 $0xFFFFFFFF  }
0xa8: {  	s26 =	simm.s32 $execute0_lowered;
	[smem:$0x3FD2] =	sst s25  }
0xa9: {  	s7 =	sshll.u32 s26, $0x1;
	_ =	strace $0x80000046;
	[dreg:$0x1] =	wrdreg $0xFFFFFFFF  }
0xaa: {  	s28 =	simm.s32 $_size_execute0_lowered;
	s6 =	sadd.s32 s6, s7;
	[dreg:$0x0] =	wrdreg $0x0  }
0xab: {  	s7 =	sshll.u32 s28, $0x1;
	[dreg:$0x2] =	wrdreg s6  }
0xac: {  	[dreg:$0x3] =	wrdreg s7  }
0xad: {  	[dreg:$0x4] =	wrdreg $0xC0  }
0xae: {  	_ =	task [dreg:s10], $0x5FFFF  }
0xaf: {  	[dreg:$0x1] =	wrdreg $0xFFFFFFFF  }
0xb0: {  	[dreg:$0x0] =	wrdreg $0x60  }
0xb1: {  	[dreg:$0x2] =	wrdreg s2  }
0xb2: {  	[dreg:$0x3] =	wrdreg s19  }
0xb3: {  	[dreg:$0x4] =	wrdreg s4  }
0xb4: {  	[dreg:$0x5] =	wrdreg s5  }
0xb5: {  	[dreg:$0x6] =	wrdreg $0x9  }
0xb6: {  	_ =	task.clear_ibuf [dreg:s10], $0x7FFFF;
	_ =	strace $0x90000046  }
0xb7: {  	s29 =	simm.s32 $0x9;
	_ =	strace $0x80000048  }
0xb8: {  	_ =	swait.ge [sflag:s29], $0x1  }
0xb9: {  	[sflag:s29] =	ssyncadd.s32 $0xFFFFFFFF  }
0xba: {  	_ =	strace $0x90000048  }
0xbb: {  	_ =	sfence  }
0xbc: {  	s30 =	sld [smem:$0x0];
	_ =	sdelay $0x2  }
0xbd: {  	s31 =	sshll.u32 s1, $0xD;
	s1 =	sshrl.u32 s1, $0x2  }
0xbe: {  	s3 =	sand.u32 $0x4000, s31;
	s1 =	sadd.s32 s1, s30  }
0xbf: {  	s0 =	sor.u32 s3, s0;
	s1 =	sshll.u32 s1, $0x11  }
0xc0: {  	s0 =	sor.u32 s1, s0  }
0xc1: {  	s0 =	sadd.s32 $0x8F2B, s0  }
0xc2: {  	[sflag:s0] =	ssyncadd.remote.s32 $0x1  }
0xc3: {  	_ =	sfence.sel $0xFFFF  }
0xc4: {  	[dreg:$0x0] =	wrdreg $0xFFFFFFFF;
	(pc) =	sbr.abs _section_cstart, $3  }
0xc5: {  	[dreg:$0x1] =	wrdreg $0xFFFFFFFF  }
0xc6: {  	_ =	task.clear_ibuf [dreg:s10], $0x2FFFF;
	_ =	strace $0x9FFFFFFF  }
0xc7: {  	(tm) =	ssettm $0x7FFFFFFF  }
tec
execute0_lowered:
.L_overlay_start_1:
0x0: {  	(tag) =	ssettag $0x1  }
0x1: {  	s0 =	rddreg [dreg:$0x0]  }
0x2: {  	s1 =	rddreg [dreg:$0x1]  }
0x3: {  	s2 =	rddreg [dreg:$0x2]  }
0x4: {  	s5 =	rddreg [dreg:$0x3]  }
0x5: {  	s3 =	srdreg.scid;
	s6 =	stileid.u32  }
0x6: {  	s16 =	simm.s32 $0x9;
	s17 =	simm.s32 $0x40;
	s21 =	simm.s32 $0x1  }
0x7: {  	v0 =	vimm.s32 $0xEFCDAB89;
	v1 =	vimm.s32 $0x67452301;
	s22 =	simm.s32 $0x5;
	s23 =	simm.s32 $0x10200;
	s28 =	simm.s32 $0x2  }
0x8: {  	v2 =	vimm.s32 $0xDCFE98BA;
	v3 =	vimm.s32 $0x54761032;
	s29 =	simm.s32 $0x6;
	s31 =	simm.s32 $0x6200;
	s30 =	simm.s32 $0x4  }
0x9: {  	v4 =	vimm.s32 $0xBA98FEDC;
	v5 =	vimm.s32 $0x32107654;
	v6 =	vimm.s32 $0xFEDCBA98;
	s15 =	simm.s32 $0x8;
	s18 =	simm.s32 $0x0;
	s4 =	sand.u32 $0x1, s3  }
0xa: {  	v7 =	vimm.s32 $0x76543210;
	s3 =	simm.s32 $0x0;
	s6 =	sshll.u32 s6, $0xA;
	v0 =	vunpack.c.l.s4.s8 v0;
	v1 =	vunpack.c.l.s4.s8 v1;
	s7 =	sshll.u32 s4, $0x9  }
0xb: {  	v2 =	vunpack.c.l.s4.s8 v2;
	v3 =	vunpack.c.l.s4.s8 v3;
	v4 =	vunpack.c.l.s4.s8 v4;
	[smem:$0x7FF] =	sst s3;
	s4 =	ssub.s32 $0x2, s4;
	s6 =	sor.u32 s7, s6  }
0xc: {  	v5 =	vunpack.c.l.s4.s8 v5;
	v6 =	vunpack.c.l.s4.s8 v6;
	v7 =	vunpack.c.l.s4.s8 v7;
	_ =	strace $0x80000047;
	s24 =	sshrl.u32 s4, $0x1;
	s8 =	sshll.u32 s6, $0x4  }
0xd: {  	v0 =	vunpack.c.0.s8.s32 v0;
	v1 =	vunpack.c.0.s8.s32 v1;
	v2 =	vunpack.c.0.s8.s32 v2;
	s14 =	ssub.s32 s4, s24;
	s25 =	sshrl.u32 s6, $0x3;
	s24 =	simm.s32 $0x7  }
0xe: {  	v3 =	vunpack.c.0.s8.s32 v3;
	v4 =	vunpack.c.0.s8.s32 v4;
	v5 =	vunpack.c.0.s8.s32 v5;
	s4 =	sadd.s32 s0, s8;
	s1 =	sadd.s32 s1, s25;
	s13 =	sadd.s32 s5, s25  }
0xf: {  	s14 =	smax.u32 s14, $0x1;
	v0 =	vcombine.low v1, v0;
	v1 =	vunpack.c.0.s8.s32 v6;
	s0 =	simm.s32 $0xE200;
	[dreg:$0x5] =	wrdreg s1  }
0x10: {  	v2 =	vcombine.low v3, v2;
	v3 =	vcombine.low v5, v4;
	v4 =	vunpack.c.0.s8.s32 v7;
	s26 =	sadd.s32 $0x400, s4;
	s7 =	sadd.s32 $0x800, s4;
	s8 =	sadd.s32 $0xC00, s4  }
0x11: {  	s9 =	sadd.s32 $0x1000, s4;
	s10 =	sadd.s32 $0x1400, s4;
	s11 =	sadd.s32 $0x1800, s4;
	v0 =	vand.u32 $0xF, v0;
	v5 =	vand.u32 $0xF, v1  }
0x12: {  	s12 =	sadd.s32 $0x1C00, s4;
	s1 =	simm.s32 $0x3;
	[dreg:$0x6] =	wrdreg s26;
	v1 =	vand.u32 $0xF, v2;
	v2 =	vand.u32 $0xF, v3;
	v3 =	vcombine.low v5, v4  }
.LBB2_1:
0x13: {  	s5 =	simm.s32 $0x8200  }
0x14: {  	[tilespmem:s5], [sflag:$0x5] =	stream.linear.gather [hbm4b:s4+s3], $0x2000, $0x38;
	[tilespmem:$0x10400] =	vst v63  }
0x15: {  	s25 =	rddreg [dreg:$0x5]  }
0x16: {  	[tilespmem:s3], [sflag:$0x9] =	stream.linear.gather [hbm4b:s25+s3], $0x200, $0x38;
	[tilespmem:$0x10400] =	vst v63  }
0x17: {  	_ =	swait.ge [sflag:s16], $0x200  }
0x18: {  	[sflag:s16] =	ssyncset.done $0x0  }
0x19: {  	s26 =	simm.s32 $0x200;
	[sflag:s16] =	ssyncadd.s32 $0xFFFFFE00  }
0x1a: {  	[tilespmem:s26], [sflag:$0x1] =	stream.indirect.gather [hbm4b:s2+s17], $0x80, s3, s17, $0xb8;
	[tilespmem:$0x10400] =	vst v63  }
0x1b: {  	s6 =	simm.s32 $0x2200  }
0x1c: {  	[tilespmem:s6], [sflag:$0x2] =	stream.indirect.gather [hbm4b:s2+s17], $0x80, s17, s17, $0xb8;
	[tilespmem:$0x10400] =	vst v63  }
0x1d: {  	s19 =	rddreg [dreg:$0x6];
	s6 =	simm.s32 $0xA200  }
0x1e: {  	[tilespmem:s6], [sflag:$0x6] =	stream.linear.gather [hbm4b:s19+s3], $0x2000, $0x38;
	[tilespmem:$0x10400] =	vst v63  }
0x1f: {  	_ =	swait.ge [sflag:s21], $0x2000  }
0x20: {  	[sflag:s21] =	ssyncset.done $0x0  }
0x21: {  	[sflag:s21] =	ssyncadd.s32 $0xFFFFE000  }
0x22: {  	_ =	swait.ge [sflag:s22], $0x2000  }
0x23: {  	[sflag:s22] =	ssyncset.done $0x0  }
0x24: {  	s20 =	simm.s32 $0x280;
	[sflag:s22] =	ssyncadd.s32 $0xFFFFE000  }
0x25: {  	s25 =	simm.s32 $0x8280;
	v4 =	vld [tilespmem:s20+$0x0]  }
0x26: {  	v5 =	vld [tilespmem:s25+$0x0]  }
0x27: {  	v6 =	vld [tilespmem:s20+$0x10]  }
0x28: {  	v7 =	vld [tilespmem:s25+$0x10]  }
0x29: {  	v8 =	vld [tilespmem:s20+$0x20]  }
0x2a: {  	v9 =	vld [tilespmem:s25+$0x20]  }
0x2b: {  	v10 =	vld [tilespmem:s20+$0x30]  }
0x2c: {  	v11 =	vld [tilespmem:s25+$0x30]  }
0x2d: {  	v12 =	vld [tilespmem:s20+$0x40]  }
0x2e: {  	v13 =	vld [tilespmem:s25+$0x40]  }
0x2f: {  	v14 =	vld [tilespmem:s20+$0x50]  }
0x30: {  	v15 =	vld [tilespmem:s25+$0x50]  }
0x31: {  	v16 =	vld [tilespmem:s20+$0x60]  }
0x32: {  	v17 =	vld [tilespmem:s25+$0x60]  }
0x33: {  	v18 =	vld [tilespmem:s20+$0x70]  }
0x34: {  	v19 =	vld [tilespmem:s25+$0x70]  }
0x35: {  	v20 =	vld [tilespmem:s25+$0xFFFFFF80]  }
0x36: {  	v21 =	vld [tilespmem:s20+$0xFFFFFF90]  }
0x37: {  	v22 =	vld [tilespmem:s25+$0xFFFFFF90]  }
0x38: {  	v4 =	vmul.f32 v5, v4;
	v5 =	vmul.f32 v7, v6;
	v6 =	vld [tilespmem:s20+$0xFFFFFFA0]  }
0x39: {  	v7 =	vmul.f32 v9, v8;
	v9 =	vld [tilespmem:s25+$0xFFFFFFA0]  }
0x3a: {  	v8 =	vmul.f32 v11, v10;
	v10 =	vmul.f32 v13, v12;
	v12 =	vld [tilespmem:s20+$0xFFFFFFB0]  }
0x3b: {  	v11 =	vmul.f32 v15, v14;
	v15 =	vld [tilespmem:s25+$0xFFFFFFB0]  }
0x3c: {  	v13 =	vmul.f32 v17, v16;
	v14 =	vmul.f32 v19, v18;
	v16 =	vld [tilespmem:s20+$0xFFFFFFF0]  }
0x3d: {  	v17 =	vld [tilespmem:s25+$0xFFFFFFF0];
	v4 =	vadd.f32 v5, v4;
	v5 =	vadd.f32 v8, v7  }
0x3e: {  	v7 =	vld [tilespmem:s20+$0xFFFFFFC0];
	v8 =	vadd.f32 v11, v10;
	v10 =	vadd.f32 v14, v13  }
0x3f: {  	v11 =	vld [tilespmem:s25+$0xFFFFFFC0]  }
0x40: {  	v13 =	vld [tilespmem:s20+$0xFFFFFFD0];
	v4 =	vadd.f32 v5, v4;
	v5 =	vadd.f32 v10, v8  }
0x41: {  	v14 =	vld [tilespmem:s25+$0xFFFFFFE0]  }
0x42: {  	v8 =	vld [tilespmem:s25+$0xFFFFFFD0];
	v4 =	vadd.f32 v5, v4  }
0x43: {  	v10 =	vld [tilespmem:s20+$0xFFFFFFE0]  }
0x44: {  	v18 =	vld [tilespmem:s20+$0xFFFFFF80];
	s20 =	simm.s32 $0x380;
	v5 =	vperm.xlane v4, v0  }
0x45: {  	s5 =	simm.s32 $0x8380;
	v21 =	vmul.f32 v22, v21;
	v22 =	vmul.f32 v9, v6;
	v6 =	vld [tilespmem:s20+$0x10]  }
0x46: {  	v11 =	vmul.f32 v11, v7;
	v7 =	vld [tilespmem:s5+$0x10];
	v19 =	vadd.f32 v4, v5  }
0x47: {  	v12 =	vmul.f32 v15, v12;
	v13 =	vmul.f32 v8, v13;
	v8 =	vld [tilespmem:s20+$0x20]  }
0x48: {  	v14 =	vmul.f32 v14, v10;
	v10 =	vld [tilespmem:s20+$0x30];
	v9 =	vperm.xlane v19, v1  }
0x49: {  	v16 =	vmul.f32 v17, v16;
	v17 =	vmul.f32 v20, v18;
	v18 =	vadd.f32 v12, v22;
	v4 =	vld [tilespmem:s20+$0x0]  }
0x4a: {  	v5 =	vld [tilespmem:s5+$0x0];
	v13 =	vadd.f32 v13, v11;
	v15 =	vadd.f32 v19, v9  }
0x4b: {  	v14 =	vadd.f32 v16, v14;
	v16 =	vadd.f32 v21, v17;
	v11 =	vld [tilespmem:s5+$0x30]  }
0x4c: {  	v17 =	vld [tilespmem:s5+$0x50];
	v12 =	vperm.xlane v15, v2  }
0x4d: {  	v13 =	vadd.f32 v14, v13;
	v16 =	vadd.f32 v18, v16;
	v14 =	vld [tilespmem:s5+$0x40]  }
0x4e: {  	s26 =	simm.s32 $0x1;
	v9 =	vld [tilespmem:s5+$0x20];
	v19 =	vadd.f32 v15, v12  }
0x4f: {  	v20 =	vmov s26;
	v13 =	vadd.f32 v13, v16;
	v16 =	vld [tilespmem:s20+$0x60]  }
0x50: {  	v12 =	vld [tilespmem:s20+$0x40];
	v18 =	vperm.xlane v19, v3  }
0x51: {  	v22 =	vperm.xlane v13, v0;
	v15 =	vld [tilespmem:s20+$0x50]  }
0x52: {  	v21 =	vadd.f32 v19, v18;
	v18 =	vld [tilespmem:s5+$0x60]  }
0x53: {  	v13 =	vadd.f32 v13, v22;
	v19 =	vld [tilespmem:s20+$0x70]  }
0x54: {  	s19 =	simm.s32 $0x2;
	s6 =	simm.s32 $0x4;
	s25 =	simm.s32 $0x0;
	[tilespmem:v20+s23+$0x0] =	vst.idx.msk $0x1, v21;
	v20 =	vld [tilespmem:s5+$0x70]  }
.LBB2_2:
0x55: {  	p0 =	slt.u32 s6, $0x3E;
	v21 =	vld [tilespmem:s5+$0xFFFFFF80];
	v22 =	vperm.xlane v13, v1  }
0x56: {  	v4 =	vmul.f32 v5, v4;
	v5 =	vmul.f32 v7, v6;
	v23 =	vld [tilespmem:s20+$0xFFFFFF90]  }
0x57: {  	v7 =	vmul.f32 v9, v8;
	v8 =	vmul.f32 v11, v10;
	v6 =	vld [tilespmem:s5+$0xFFFFFF90];
	v9 =	vadd.f32 v13, v22  }
0x58: {  	v11 =	vmul.f32 v14, v12;
	v12 =	vmul.f32 v17, v15;
	v10 =	vld [tilespmem:s20+$0xFFFFFFA0]  }
0x59: {  	v14 =	vmul.f32 v18, v16;
	v16 =	vmov s25;
	s25 =	smov.u32 s19;
	s19 =	smov.u32 s6;
	v13 =	vld [tilespmem:s5+$0xFFFFFFA0];
	v15 =	vmul.f32 v20, v19  }
0x5a: {  	v4 =	vadd.f32 v5, v4;
	v5 =	vadd.f32 v8, v7;
	v7 =	vperm.xlane v9, v2;
	v17 =	vld [tilespmem:s20+$0xFFFFFFB0]  }
0x5b: {  	v11 =	vadd.f32 v12, v11;
	v8 =	vld [tilespmem:s5+$0xFFFFFFB0];
	v12 =	vadd.f32 v15, v14;
	v14 =	vand.u32 $0xFFFFFFFE, v16  }
0x5c: {  	v7 =	vadd.f32 v9, v7;
	v15 =	vmul.f32 v6, v23;
	v6 =	vld [tilespmem:s20+$0xFFFFFFC0];
	v9 =	vbroadcast v14, $0x0  }
0x5d: {  	v4 =	vadd.f32 v5, v4;
	v14 =	vld [tilespmem:s5+$0xFFFFFFC0];
	v5 =	vadd.f32 v12, v11  }
0x5e: {  	v12 =	vperm.xlane v7, v3;
	v10 =	vmul.f32 v13, v10;
	v11 =	vld [tilespmem:s20+$0xFFFFFFD0]  }
0x5f: {  	v13 =	vld [tilespmem:s5+$0xFFFFFFD0];
	v4 =	vadd.f32 v5, v4  }
0x60: {  	v7 =	vadd.f32 v7, v12;
	v5 =	vmul.f32 v8, v17;
	v8 =	vld [tilespmem:s20+$0xFFFFFFE0]  }
0x61: {  	v12 =	vld [tilespmem:s5+$0xFFFFFFE0];
	v16 =	vperm.xlane v4, v0  }
0x62: {  	v6 =	vmul.f32 v14, v6;
	v14 =	vld [tilespmem:s20+$0xFFFFFFF0];
	v17 =	vadd.f32 v5, v10;
	[tilespmem:v9+s23+$0x0] =	vst.idx.msk $0x1, v7  }
0x63: {  	v9 =	vld [tilespmem:s5+$0xFFFFFFF0];
	v7 =	vadd.f32 v4, v16  }
0x64: {  	v10 =	vld [tilespmem:s20+$0xFFFFFF80];
	v11 =	vmul.f32 v13, v11;
	s20 =	sadd.s32 $0x100, s20  }
0x65: {  	s5 =	sadd.s32 $0x100, s5;
	v4 =	vld [tilespmem:s20+$0x0];
	v13 =	vperm.xlane v7, v1  }
0x66: {  	v5 =	vld [tilespmem:s5+$0x0];
	v12 =	vmul.f32 v12, v8;
	v16 =	vadd.f32 v11, v6  }
0x67: {  	v6 =	vld [tilespmem:s20+$0x10];
	v11 =	vadd.f32 v7, v13  }
0x68: {  	v7 =	vld [tilespmem:s5+$0x10];
	v13 =	vmul.f32 v9, v14  }
0x69: {  	v8 =	vld [tilespmem:s20+$0x20];
	v14 =	vmul.f32 v21, v10;
	v18 =	vperm.xlane v11, v2  }
0x6a: {  	v9 =	vld [tilespmem:s5+$0x20];
	v12 =	vadd.f32 v13, v12  }
0x6b: {  	s26 =	sadd.s32 $0x1, s25;
	v10 =	vld [tilespmem:s20+$0x30];
	v13 =	vadd.f32 v15, v14;
	v18 =	vadd.f32 v11, v18  }
0x6c: {  	v19 =	vmov s26;
	v11 =	vld [tilespmem:s5+$0x30];
	v16 =	vadd.f32 v12, v16  }
0x6d: {  	v12 =	vld [tilespmem:s20+$0x40];
	v13 =	vadd.f32 v17, v13;
	v17 =	vperm.xlane v18, v3  }
0x6e: {  	v14 =	vld [tilespmem:s5+$0x40]  }
0x6f: {  	v15 =	vld [tilespmem:s20+$0x50];
	v13 =	vadd.f32 v16, v13;
	v18 =	vadd.f32 v18, v17  }
.Ltmp0:
0x70: {  	v17 =	vld [tilespmem:s5+$0x50];
	(pc) =	sbr.rel @p0 .LBB2_2-.Ltmp0, $4  }
0x71: {  	v16 =	vld [tilespmem:s20+$0x60];
	v20 =	vperm.xlane v13, v0;
	[tilespmem:v19+s23+$0x0] =	vst.idx.msk $0x1, v18  }
0x72: {  	v18 =	vld [tilespmem:s5+$0x60]  }
0x73: {  	v19 =	vld [tilespmem:s20+$0x70];
	v13 =	vadd.f32 v13, v20  }
0x74: {  	s6 =	sadd.s32 $0x2, s6;
	v20 =	vld [tilespmem:s5+$0x70]  }
0x75: {  	v21 =	vld [tilespmem:s5+$0xFFFFFF80]  }
0x76: {  	v22 =	vld [tilespmem:s20+$0xFFFFFF90]  }
0x77: {  	v23 =	vld [tilespmem:s5+$0xFFFFFF90]  }
0x78: {  	v24 =	vld [tilespmem:s20+$0xFFFFFFA0]  }
0x79: {  	v25 =	vld [tilespmem:s5+$0xFFFFFFA0]  }
0x7a: {  	v26 =	vld [tilespmem:s20+$0xFFFFFFB0]  }
0x7b: {  	v27 =	vld [tilespmem:s5+$0xFFFFFFB0]  }
0x7c: {  	v28 =	vld [tilespmem:s20+$0xFFFFFFC0]  }
0x7d: {  	v29 =	vld [tilespmem:s5+$0xFFFFFFC0]  }
0x7e: {  	v30 =	vld [tilespmem:s20+$0xFFFFFFD0]  }
0x7f: {  	v31 =	vld [tilespmem:s5+$0xFFFFFFD0]  }
0x80: {  	v32 =	vld [tilespmem:s20+$0xFFFFFFE0]  }
0x81: {  	v33 =	vld [tilespmem:s5+$0xFFFFFFE0]  }
0x82: {  	v4 =	vmul.f32 v5, v4;
	v5 =	vmul.f32 v7, v6;
	v6 =	vld [tilespmem:s20+$0xFFFFFFF0]  }
0x83: {  	v7 =	vmul.f32 v9, v8;
	v8 =	vmul.f32 v11, v10;
	v9 =	vld [tilespmem:s5+$0xFFFFFFF0]  }
0x84: {  	v10 =	vmul.f32 v14, v12;
	v11 =	vmul.f32 v17, v15;
	v12 =	vld [tilespmem:s20+$0xFFFFFF80]  }
0x85: {  	v14 =	vmul.f32 v18, v16;
	v15 =	vmul.f32 v20, v19  }
0x86: {  	v4 =	vadd.f32 v5, v4;
	v5 =	vmul.f32 v23, v22;
	v16 =	vmul.f32 v25, v24  }
0x87: {  	v7 =	vadd.f32 v8, v7;
	v8 =	vmul.f32 v27, v26;
	v17 =	vmul.f32 v29, v28  }
0x88: {  	v10 =	vadd.f32 v11, v10;
	v11 =	vmul.f32 v31, v30;
	v18 =	vmul.f32 v33, v32  }
0x89: {  	v6 =	vmul.f32 v9, v6;
	v9 =	vmul.f32 v21, v12;
	v14 =	vadd.f32 v15, v14  }
0x8a: {  	v8 =	vadd.f32 v8, v16;
	v11 =	vadd.f32 v11, v17  }
0x8b: {  	v6 =	vadd.f32 v6, v18;
	v5 =	vadd.f32 v5, v9  }
0x8c: {  	v4 =	vadd.f32 v7, v4;
	v7 =	vadd.f32 v14, v10  }
0x8d: {  	v6 =	vadd.f32 v6, v11;
	v5 =	vadd.f32 v8, v5  }
0x8e: {  	v4 =	vadd.f32 v7, v4  }
0x8f: {  	v5 =	vadd.f32 v6, v5  }
0x90: {  	v6 =	vperm.xlane v4, v0  }
0x91: {  	v7 =	vperm.xlane v5, v0  }
0x92: {  	v8 =	vperm.xlane v13, v1;
	v4 =	vadd.f32 v4, v6  }
0x93: {  	v5 =	vadd.f32 v5, v7  }
0x94: {  	v6 =	vadd.f32 v13, v8;
	v7 =	vperm.xlane v4, v1  }
0x95: {  	v8 =	vperm.xlane v5, v1  }
0x96: {  	v9 =	vperm.xlane v6, v2;
	v4 =	vadd.f32 v4, v7  }
0x97: {  	v7 =	vmov s25;
	v5 =	vadd.f32 v5, v8  }
0x98: {  	v6 =	vadd.f32 v6, v9;
	v7 =	vand.u32 $0xFFFFFFFE, v7;
	v8 =	vperm.xlane v4, v2  }
0x99: {  	v9 =	vmov s19;
	v7 =	vbroadcast v7, $0x0;
	v10 =	vperm.xlane v5, v2  }
0x9a: {  	s25 =	sadd.s32 $0x1, s19;
	v11 =	vperm.xlane v6, v3;
	v4 =	vadd.f32 v4, v8;
	v8 =	vand.u32 $0xFFFFFFFE, v9  }
0x9b: {  	v9 =	vmov s25;
	v5 =	vadd.f32 v5, v10;
	v8 =	vbroadcast v8, $0x0  }
0x9c: {  	v10 =	vperm.xlane v4, v3  }
0x9d: {  	v6 =	vadd.f32 v6, v11;
	v11 =	vperm.xlane v5, v3  }
0x9e: {  	v4 =	vadd.f32 v4, v10  }
0x9f: {  	[tilespmem:v7+s23+$0x0] =	vst.idx.msk $0x1, v6;
	v5 =	vadd.f32 v5, v11  }
0xa0: {  	[tilespmem:v9+s23+$0x0] =	vst.idx.msk $0x1, v4  }
0xa1: {  	s26 =	simm.s32 $0x80;
	s6 =	simm.s32 $0x4200;
	[tilespmem:v8+s23+$0x0] =	vst.idx.msk $0x1, v5  }
0xa2: {  	[tilespmem:s6], [sflag:$0x3] =	stream.indirect.gather [hbm4b:s2+s17], $0x80, s26, s17, $0xb8;
	[tilespmem:$0x10400] =	vst v63  }
0xa3: {  	s19 =	simm.s32 $0x0;
	s6 =	simm.s32 $0xC200  }
0xa4: {  	[tilespmem:s6], [sflag:$0x7] =	stream.linear.gather [hbm4b:s7+s19], $0x2000, $0x38;
	[tilespmem:$0x10400] =	vst v63  }
0xa5: {  	_ =	swait.ge [sflag:s28], $0x2000  }
0xa6: {  	[sflag:s28] =	ssyncset.done $0x0  }
0xa7: {  	[sflag:s28] =	ssyncadd.s32 $0xFFFFE000  }
0xa8: {  	_ =	swait.ge [sflag:s29], $0x2000  }
0xa9: {  	[sflag:s29] =	ssyncset.done $0x0  }
0xaa: {  	s20 =	simm.s32 $0x22F0;
	[sflag:s29] =	ssyncadd.s32 $0xFFFFE000  }
0xab: {  	s25 =	simm.s32 $0xA2F0;
	v4 =	vld [tilespmem:s20+$0xFFFFFF90]  }
0xac: {  	v5 =	vld [tilespmem:s25+$0xFFFFFF90]  }
0xad: {  	v6 =	vld [tilespmem:s20+$0xFFFFFFA0]  }
0xae: {  	v7 =	vld [tilespmem:s25+$0xFFFFFFA0]  }
0xaf: {  	v8 =	vld [tilespmem:s20+$0xFFFFFFB0]  }
0xb0: {  	v9 =	vld [tilespmem:s25+$0xFFFFFFB0]  }
0xb1: {  	v10 =	vld [tilespmem:s20+$0xFFFFFFC0]  }
0xb2: {  	v11 =	vld [tilespmem:s25+$0xFFFFFFC0]  }
0xb3: {  	v12 =	vld [tilespmem:s20+$0xFFFFFFD0]  }
0xb4: {  	v13 =	vld [tilespmem:s25+$0xFFFFFFD0]  }
0xb5: {  	v14 =	vld [tilespmem:s20+$0xFFFFFFE0]  }
0xb6: {  	v15 =	vld [tilespmem:s25+$0xFFFFFFE0]  }
0xb7: {  	v16 =	vld [tilespmem:s20+$0xFFFFFFF0]  }
0xb8: {  	v17 =	vld [tilespmem:s25+$0xFFFFFFF0]  }
0xb9: {  	v18 =	vld [tilespmem:s20+$0x0]  }
0xba: {  	v19 =	vld [tilespmem:s25+$0x0]  }
0xbb: {  	v20 =	vld [tilespmem:s25+$0xFFFFFF10]  }
0xbc: {  	v21 =	vld [tilespmem:s20+$0xFFFFFF20]  }
0xbd: {  	v22 =	vld [tilespmem:s25+$0xFFFFFF20]  }
0xbe: {  	v4 =	vmul.f32 v5, v4;
	v5 =	vmul.f32 v7, v6;
	v6 =	vld [tilespmem:s20+$0xFFFFFF30]  }
0xbf: {  	v7 =	vmul.f32 v9, v8;
	v9 =	vld [tilespmem:s25+$0xFFFFFF30]  }
0xc0: {  	v8 =	vmul.f32 v11, v10;
	v10 =	vmul.f32 v13, v12;
	v12 =	vld [tilespmem:s20+$0xFFFFFF40]  }
0xc1: {  	v11 =	vmul.f32 v15, v14;
	v15 =	vld [tilespmem:s25+$0xFFFFFF40]  }
0xc2: {  	v13 =	vmul.f32 v17, v16;
	v16 =	vld [tilespmem:s20+$0xFFFFFF80]  }
0xc3: {  	v14 =	vmul.f32 v19, v18;
	v17 =	vld [tilespmem:s25+$0xFFFFFF80]  }
0xc4: {  	v4 =	vadd.f32 v5, v4;
	v5 =	vadd.f32 v8, v7;
	v7 =	vld [tilespmem:s20+$0xFFFFFF50]  }
0xc5: {  	v8 =	vadd.f32 v11, v10;
	v10 =	vadd.f32 v14, v13;
	v11 =	vld [tilespmem:s25+$0xFFFFFF50]  }
0xc6: {  	v13 =	vld [tilespmem:s20+$0xFFFFFF60]  }
0xc7: {  	v14 =	vld [tilespmem:s25+$0xFFFFFF70];
	v4 =	vadd.f32 v5, v4;
	v5 =	vadd.f32 v10, v8  }
0xc8: {  	v8 =	vld [tilespmem:s25+$0xFFFFFF60]  }
0xc9: {  	v10 =	vld [tilespmem:s20+$0xFFFFFF70];
	v4 =	vadd.f32 v5, v4  }
0xca: {  	v18 =	vld [tilespmem:s20+$0xFFFFFF10]  }
0xcb: {  	v21 =	vmul.f32 v22, v21;
	s20 =	simm.s32 $0x23F0;
	v5 =	vperm.xlane v4, v0  }
0xcc: {  	s5 =	simm.s32 $0xA3F0;
	v22 =	vmul.f32 v9, v6;
	v6 =	vld [tilespmem:s20+$0xFFFFFFA0];
	v12 =	vmul.f32 v15, v12  }
0xcd: {  	v16 =	vmul.f32 v17, v16;
	v11 =	vmul.f32 v11, v7;
	v7 =	vld [tilespmem:s5+$0xFFFFFFA0];
	v19 =	vadd.f32 v4, v5  }
0xce: {  	v13 =	vmul.f32 v8, v13;
	v14 =	vmul.f32 v14, v10;
	v8 =	vld [tilespmem:s20+$0xFFFFFFB0]  }
0xcf: {  	v17 =	vmul.f32 v20, v18;
	v18 =	vadd.f32 v12, v22;
	v10 =	vld [tilespmem:s20+$0xFFFFFFC0];
	v9 =	vperm.xlane v19, v1  }
0xd0: {  	v4 =	vld [tilespmem:s20+$0xFFFFFF90];
	v13 =	vadd.f32 v13, v11;
	v14 =	vadd.f32 v16, v14  }
0xd1: {  	v5 =	vld [tilespmem:s5+$0xFFFFFF90];
	v16 =	vadd.f32 v21, v17;
	v15 =	vadd.f32 v19, v9  }
0xd2: {  	s26 =	simm.s32 $0x1;
	v11 =	vld [tilespmem:s5+$0xFFFFFFC0];
	v13 =	vadd.f32 v14, v13  }
0xd3: {  	v16 =	vadd.f32 v18, v16;
	v14 =	vld [tilespmem:s5+$0xFFFFFFD0];
	v19 =	vmov s26;
	v12 =	vperm.xlane v15, v2  }
0xd4: {  	v9 =	vld [tilespmem:s5+$0xFFFFFFB0];
	v17 =	vadd.s32 $0x40, v19  }
0xd5: {  	v13 =	vadd.f32 v13, v16;
	v16 =	vld [tilespmem:s20+$0xFFFFFFF0];
	v20 =	vbroadcast v17, $0x0;
	v19 =	vadd.f32 v15, v12  }
0xd6: {  	v17 =	vld [tilespmem:s5+$0xFFFFFFE0]  }
0xd7: {  	v12 =	vld [tilespmem:s20+$0xFFFFFFD0];
	v18 =	vperm.xlane v19, v3  }
0xd8: {  	v22 =	vperm.xlane v13, v0;
	v15 =	vld [tilespmem:s20+$0xFFFFFFE0]  }
0xd9: {  	v21 =	vadd.f32 v19, v18;
	v18 =	vld [tilespmem:s5+$0xFFFFFFF0]  }
0xda: {  	v13 =	vadd.f32 v13, v22;
	v19 =	vld [tilespmem:s20+$0x0]  }
0xdb: {  	s6 =	simm.s32 $0x4;
	s25 =	simm.s32 $0x2;
	[tilespmem:v20+s23+$0x0] =	vst.idx.msk $0x1, v21;
	v20 =	vld [tilespmem:s5+$0x0]  }
.LBB2_4:
0xdc: {  	p0 =	slt.u32 s6, $0x3E;
	v21 =	vld [tilespmem:s5+$0xFFFFFF10];
	v22 =	vperm.xlane v13, v1  }
0xdd: {  	v4 =	vmul.f32 v5, v4;
	v5 =	vmul.f32 v7, v6;
	v23 =	vld [tilespmem:s20+$0xFFFFFF20]  }
0xde: {  	v7 =	vmul.f32 v9, v8;
	v8 =	vmul.f32 v11, v10;
	v6 =	vld [tilespmem:s5+$0xFFFFFF20];
	v9 =	vadd.f32 v13, v22  }
0xdf: {  	v11 =	vmul.f32 v14, v12;
	v12 =	vmul.f32 v17, v15;
	v13 =	vmov s19;
	s19 =	smov.u32 s25;
	s25 =	smov.u32 s6;
	v10 =	vld [tilespmem:s20+$0xFFFFFF30]  }
0xe0: {  	v15 =	vmul.f32 v18, v16;
	v13 =	vadd.s32 $0x40, v13;
	v14 =	vld [tilespmem:s5+$0xFFFFFF30];
	v16 =	vmul.f32 v20, v19  }
0xe1: {  	v4 =	vadd.f32 v5, v4;
	v5 =	vadd.f32 v8, v7;
	v7 =	vperm.xlane v9, v2;
	v17 =	vld [tilespmem:s20+$0xFFFFFF40]  }
0xe2: {  	v11 =	vadd.f32 v12, v11;
	v13 =	vand.u32 $0xFFFFFFFE, v13;
	v8 =	vld [tilespmem:s5+$0xFFFFFF40];
	v12 =	vadd.f32 v16, v15  }
0xe3: {  	v7 =	vadd.f32 v9, v7;
	v9 =	vbroadcast v13, $0x0;
	v15 =	vmul.f32 v6, v23;
	v6 =	vld [tilespmem:s20+$0xFFFFFF50]  }
0xe4: {  	v4 =	vadd.f32 v5, v4;
	v13 =	vld [tilespmem:s5+$0xFFFFFF50];
	v5 =	vadd.f32 v12, v11  }
0xe5: {  	v12 =	vperm.xlane v7, v3;
	v10 =	vmul.f32 v14, v10;
	v11 =	vld [tilespmem:s20+$0xFFFFFF60]  }
0xe6: {  	v14 =	vld [tilespmem:s5+$0xFFFFFF60];
	v4 =	vadd.f32 v5, v4  }
0xe7: {  	v7 =	vadd.f32 v7, v12;
	v5 =	vmul.f32 v8, v17;
	v8 =	vld [tilespmem:s20+$0xFFFFFF70]  }
0xe8: {  	v12 =	vld [tilespmem:s5+$0xFFFFFF70];
	v16 =	vperm.xlane v4, v0  }
0xe9: {  	v6 =	vmul.f32 v13, v6;
	v13 =	vld [tilespmem:s20+$0xFFFFFF80];
	v17 =	vadd.f32 v5, v10;
	[tilespmem:v9+s23+$0x0] =	vst.idx.msk $0x1, v7  }
0xea: {  	v9 =	vld [tilespmem:s5+$0xFFFFFF80];
	v7 =	vadd.f32 v4, v16  }
0xeb: {  	v10 =	vld [tilespmem:s20+$0xFFFFFF10];
	v11 =	vmul.f32 v14, v11;
	s20 =	sadd.s32 $0x100, s20  }
0xec: {  	s5 =	sadd.s32 $0x100, s5;
	v4 =	vld [tilespmem:s20+$0xFFFFFF90];
	v14 =	vperm.xlane v7, v1  }
0xed: {  	v5 =	vld [tilespmem:s5+$0xFFFFFF90];
	v12 =	vmul.f32 v12, v8;
	v16 =	vadd.f32 v11, v6  }
0xee: {  	v6 =	vld [tilespmem:s20+$0xFFFFFFA0];
	v11 =	vadd.f32 v7, v14  }
0xef: {  	s26 =	sadd.s32 $0x1, s19;
	v7 =	vld [tilespmem:s5+$0xFFFFFFA0];
	v13 =	vmul.f32 v9, v13  }
0xf0: {  	v8 =	vld [tilespmem:s20+$0xFFFFFFB0];
	v14 =	vmul.f32 v21, v10;
	v18 =	vperm.xlane v11, v2;
	v10 =	vmov s26  }
0xf1: {  	v9 =	vld [tilespmem:s5+$0xFFFFFFB0];
	v12 =	vadd.f32 v13, v12;
	v13 =	vadd.s32 $0x40, v10  }
0xf2: {  	v10 =	vld [tilespmem:s20+$0xFFFFFFC0];
	v14 =	vadd.f32 v15, v14;
	v18 =	vadd.f32 v11, v18;
	v13 =	vbroadcast v13, $0x0  }
0xf3: {  	v11 =	vld [tilespmem:s5+$0xFFFFFFC0];
	v16 =	vadd.f32 v12, v16  }
0xf4: {  	v12 =	vld [tilespmem:s20+$0xFFFFFFD0];
	v17 =	vadd.f32 v17, v14;
	v19 =	vperm.xlane v18, v3  }
0xf5: {  	v14 =	vld [tilespmem:s5+$0xFFFFFFD0]  }
0xf6: {  	v15 =	vld [tilespmem:s20+$0xFFFFFFE0];
	v20 =	vadd.f32 v16, v17;
	v18 =	vadd.f32 v18, v19  }
.Ltmp1:
0xf7: {  	v17 =	vld [tilespmem:s5+$0xFFFFFFE0];
	(pc) =	sbr.rel @p0 .LBB2_4-.Ltmp1, $4  }
0xf8: {  	v16 =	vld [tilespmem:s20+$0xFFFFFFF0];
	v21 =	vperm.xlane v20, v0;
	[tilespmem:v13+s23+$0x0] =	vst.idx.msk $0x1, v18  }
0xf9: {  	v18 =	vld [tilespmem:s5+$0xFFFFFFF0]  }
0xfa: {  	v19 =	vld [tilespmem:s20+$0x0];
	v13 =	vadd.f32 v20, v21  }
0xfb: {  	s6 =	sadd.s32 $0x2, s6;
	v20 =	vld [tilespmem:s5+$0x0]  }
0xfc: {  	v21 =	vld [tilespmem:s5+$0xFFFFFF10]  }
0xfd: {  	v22 =	vld [tilespmem:s20+$0xFFFFFF20]  }
0xfe: {  	v23 =	vld [tilespmem:s5+$0xFFFFFF20]  }
0xff: {  	v24 =	vld [tilespmem:s20+$0xFFFFFF30]  }
0x100: {  	v25 =	vld [tilespmem:s5+$0xFFFFFF30]  }
0x101: {  	v26 =	vld [tilespmem:s20+$0xFFFFFF40]  }
0x102: {  	v27 =	vld [tilespmem:s5+$0xFFFFFF40]  }
0x103: {  	v28 =	vld [tilespmem:s20+$0xFFFFFF50]  }
0x104: {  	v29 =	vld [tilespmem:s5+$0xFFFFFF50]  }
0x105: {  	v30 =	vld [tilespmem:s20+$0xFFFFFF60]  }
0x106: {  	v31 =	vld [tilespmem:s5+$0xFFFFFF60]  }
0x107: {  	v32 =	vld [tilespmem:s20+$0xFFFFFF70]  }
0x108: {  	v33 =	vld [tilespmem:s5+$0xFFFFFF70]  }
0x109: {  	v4 =	vmul.f32 v5, v4;
	v5 =	vmul.f32 v7, v6;
	v6 =	vld [tilespmem:s20+$0xFFFFFF80]  }
0x10a: {  	v7 =	vmul.f32 v9, v8;
	v8 =	vmul.f32 v11, v10;
	v9 =	vld [tilespmem:s5+$0xFFFFFF80]  }
0x10b: {  	v10 =	vmul.f32 v14, v12;
	v11 =	vmul.f32 v17, v15;
	v12 =	vld [tilespmem:s20+$0xFFFFFF10]  }
0x10c: {  	v14 =	vmul.f32 v18, v16;
	v15 =	vmul.f32 v20, v19  }
0x10d: {  	v4 =	vadd.f32 v5, v4;
	v5 =	vmul.f32 v23, v22;
	v16 =	vmul.f32 v25, v24  }
0x10e: {  	v7 =	vadd.f32 v8, v7;
	v8 =	vmul.f32 v27, v26;
	v17 =	vmul.f32 v29, v28  }
0x10f: {  	v10 =	vadd.f32 v11, v10;
	v11 =	vmul.f32 v31, v30;
	v18 =	vmul.f32 v33, v32  }
0x110: {  	v6 =	vmul.f32 v9, v6;
	v9 =	vmul.f32 v21, v12;
	v14 =	vadd.f32 v15, v14  }
0x111: {  	v8 =	vadd.f32 v8, v16;
	v11 =	vadd.f32 v11, v17  }
0x112: {  	v6 =	vadd.f32 v6, v18;
	v5 =	vadd.f32 v5, v9  }
0x113: {  	v4 =	vadd.f32 v7, v4;
	v7 =	vadd.f32 v14, v10  }
0x114: {  	v6 =	vadd.f32 v6, v11;
	v5 =	vadd.f32 v8, v5  }
0x115: {  	v4 =	vadd.f32 v7, v4  }
0x116: {  	v5 =	vadd.f32 v6, v5  }
0x117: {  	v6 =	vperm.xlane v4, v0  }
0x118: {  	v7 =	vperm.xlane v13, v1;
	v8 =	vperm.xlane v5, v0  }
0x119: {  	v4 =	vadd.f32 v4, v6  }
0x11a: {  	v6 =	vadd.f32 v13, v7;
	v5 =	vadd.f32 v5, v8  }
0x11b: {  	v7 =	vmov s19;
	v8 =	vperm.xlane v4, v1  }
0x11c: {  	v7 =	vadd.s32 $0x40, v7;
	v9 =	vperm.xlane v6, v2;
	v10 =	vperm.xlane v5, v1  }
0x11d: {  	v7 =	vand.u32 $0xFFFFFFFE, v7;
	v4 =	vadd.f32 v4, v8  }
0x11e: {  	s6 =	sadd.s32 $0x1, s25;
	v7 =	vbroadcast v7, $0x0;
	v6 =	vadd.f32 v6, v9;
	v5 =	vadd.f32 v5, v10  }
0x11f: {  	v9 =	vmov s6;
	v10 =	vmov s25;
	v8 =	vperm.xlane v4, v2  }
0x120: {  	v9 =	vadd.s32 $0x40, v9;
	v10 =	vadd.s32 $0x40, v10;
	v11 =	vperm.xlane v5, v2  }
0x121: {  	v4 =	vadd.f32 v4, v8;
	v8 =	vbroadcast v9, $0x0;
	v9 =	vand.u32 $0xFFFFFFFE, v10  }
0x122: {  	v10 =	vperm.xlane v6, v3;
	v5 =	vadd.f32 v5, v11;
	v9 =	vbroadcast v9, $0x0  }
0x123: {  	v11 =	vperm.xlane v4, v3  }
0x124: {  	v6 =	vadd.f32 v6, v10;
	v10 =	vperm.xlane v5, v3  }
0x125: {  	v4 =	vadd.f32 v4, v11  }
0x126: {  	[tilespmem:v7+s23+$0x0] =	vst.idx.msk $0x1, v6;
	v5 =	vadd.f32 v5, v10  }
0x127: {  	[tilespmem:v8+s23+$0x0] =	vst.idx.msk $0x1, v4  }
0x128: {  	s19 =	simm.s32 $0xC0;
	[tilespmem:v9+s23+$0x0] =	vst.idx.msk $0x1, v5  }
0x129: {  	[tilespmem:s31], [sflag:$0x4] =	stream.indirect.gather [hbm4b:s2+s17], $0x80, s19, s17, $0xb8;
	[tilespmem:$0x10400] =	vst v63  }
0x12a: {  	s19 =	simm.s32 $0x0  }
0x12b: {  	[tilespmem:s0], [sflag:$0x8] =	stream.linear.gather [hbm4b:s8+s19], $0x2000, $0x38;
	[tilespmem:$0x10400] =	vst v63  }
0x12c: {  	_ =	swait.ge [sflag:s1], $0x2000  }
0x12d: {  	[sflag:s1] =	ssyncset.done $0x0  }
0x12e: {  	[sflag:s1] =	ssyncadd.s32 $0xFFFFE000  }
0x12f: {  	_ =	swait.ge [sflag:s24], $0x2000  }
0x130: {  	[sflag:s24] =	ssyncset.done $0x0  }
0x131: {  	s20 =	simm.s32 $0x0;
	[sflag:s24] =	ssyncadd.s32 $0xFFFFE000  }
0x132: {  	v4 =	vld [tilespmem:s20+$0x4280]  }
0x133: {  	v5 =	vld [tilespmem:s20+$0xC280]  }
0x134: {  	v6 =	vld [tilespmem:s20+$0x4290]  }
0x135: {  	v7 =	vld [tilespmem:s20+$0xC290]  }
0x136: {  	v8 =	vld [tilespmem:s20+$0x42A0]  }
0x137: {  	v9 =	vld [tilespmem:s20+$0xC2A0]  }
0x138: {  	v10 =	vld [tilespmem:s20+$0x42B0]  }
0x139: {  	v11 =	vld [tilespmem:s20+$0xC2B0]  }
0x13a: {  	v12 =	vld [tilespmem:s20+$0x42C0]  }
0x13b: {  	v13 =	vld [tilespmem:s20+$0xC2C0]  }
0x13c: {  	v14 =	vld [tilespmem:s20+$0x42D0]  }
0x13d: {  	v15 =	vld [tilespmem:s20+$0xC2D0]  }
0x13e: {  	v16 =	vld [tilespmem:s20+$0x42E0]  }
0x13f: {  	v17 =	vld [tilespmem:s20+$0xC2E0]  }
0x140: {  	v18 =	vld [tilespmem:s20+$0x42F0]  }
0x141: {  	v19 =	vld [tilespmem:s20+$0xC2F0]  }
0x142: {  	v20 =	vld [tilespmem:s20+$0x4200]  }
0x143: {  	v60 =	vld [tilespmem:s20+$0xC200]  }
0x144: {  	v61 =	vld [tilespmem:s20+$0x4210]  }
0x145: {  	v4 =	vmul.f32 v5, v4;
	v5 =	vmul.f32 v7, v6;
	v6 =	vld [tilespmem:s20+$0xC210]  }
0x146: {  	v7 =	vmul.f32 v9, v8;
	v9 =	vld [tilespmem:s20+$0x4220]  }
0x147: {  	v8 =	vmul.f32 v11, v10;
	v10 =	vmul.f32 v13, v12;
	v12 =	vld [tilespmem:s20+$0xC220]  }
0x148: {  	v11 =	vmul.f32 v15, v14;
	v15 =	vld [tilespmem:s20+$0x4230]  }
0x149: {  	v13 =	vmul.f32 v17, v16;
	v14 =	vmul.f32 v19, v18;
	v16 =	vld [tilespmem:s20+$0xC260]  }
0x14a: {  	v17 =	vld [tilespmem:s20+$0x4270];
	v4 =	vadd.f32 v5, v4;
	v5 =	vadd.f32 v8, v7  }
0x14b: {  	v18 =	vld [tilespmem:s20+$0xC270];
	v8 =	vadd.f32 v11, v10;
	v10 =	vadd.f32 v14, v13  }
0x14c: {  	v7 =	vld [tilespmem:s20+$0xC230]  }
0x14d: {  	v11 =	vld [tilespmem:s20+$0x4240];
	v4 =	vadd.f32 v5, v4;
	v5 =	vadd.f32 v10, v8  }
0x14e: {  	v8 =	vld [tilespmem:s20+$0x4250]  }
0x14f: {  	v10 =	vld [tilespmem:s20+$0xC250];
	v4 =	vadd.f32 v5, v4  }
0x150: {  	v13 =	vld [tilespmem:s20+$0xC240]  }
0x151: {  	v14 =	vld [tilespmem:s20+$0x4260];
	v5 =	vperm.xlane v4, v0  }
0x152: {  	s25 =	simm.s32 $0x100;
	v19 =	vmul.f32 v60, v20;
	v62 =	vmul.f32 v6, v61  }
0x153: {  	v9 =	vmul.f32 v12, v9;
	v6 =	vld [tilespmem:s25+$0x4290];
	v12 =	vmul.f32 v7, v15;
	v20 =	vadd.f32 v4, v5  }
0x154: {  	v10 =	vmul.f32 v10, v8;
	v8 =	vld [tilespmem:s25+$0xC290]  }
0x155: {  	v11 =	vmul.f32 v13, v11;
	v12 =	vadd.f32 v12, v9;
	v9 =	vld [tilespmem:s25+$0xC2A0];
	v7 =	vperm.xlane v20, v1  }
0x156: {  	v13 =	vmul.f32 v16, v14;
	v16 =	vmul.f32 v18, v17;
	v4 =	vld [tilespmem:s25+$0x4280]  }
0x157: {  	s26 =	simm.s32 $0x1;
	v15 =	vadd.f32 v62, v19;
	v5 =	vld [tilespmem:s25+$0xC280];
	v14 =	vadd.f32 v20, v7  }
0x158: {  	v18 =	vmov s26;
	v13 =	vadd.f32 v16, v13;
	v17 =	vadd.f32 v10, v11;
	v10 =	vld [tilespmem:s25+$0x42B0]  }
0x159: {  	v16 =	vadd.f32 v12, v15;
	v15 =	vadd.s32 $0x80, v18;
	v12 =	vld [tilespmem:s25+$0xC2B0];
	v11 =	vperm.xlane v14, v2  }
0x15a: {  	v19 =	vbroadcast v15, $0x0;
	v15 =	vld [tilespmem:s25+$0x42D0]  }
0x15b: {  	v17 =	vadd.f32 v13, v17;
	v13 =	vld [tilespmem:s25+$0xC2C0];
	v14 =	vadd.f32 v14, v11  }
0x15c: {  	v7 =	vld [tilespmem:s25+$0x42A0]  }
0x15d: {  	v20 =	vadd.f32 v17, v16;
	v17 =	vld [tilespmem:s25+$0xC2D0];
	v18 =	vperm.xlane v14, v3  }
0x15e: {  	v16 =	vld [tilespmem:s25+$0x42E0]  }
0x15f: {  	v63 =	vperm.xlane v20, v0;
	v11 =	vld [tilespmem:s25+$0x42C0];
	v14 =	vadd.f32 v14, v18  }
0x160: {  	v18 =	vld [tilespmem:s25+$0xC2E0]  }
0x161: {  	s5 =	simm.s32 $0x400;
	s6 =	simm.s32 $0x4;
	s20 =	simm.s32 $0x2;
	[tilespmem:v19+s23+$0x0] =	vst.idx.msk $0x1, v14;
	v19 =	vld [tilespmem:s25+$0x42F0];
	v14 =	vadd.f32 v20, v63  }
.LBB2_6:
0x162: {  	p0 =	slt.u32 s6, $0x3E;
	v20 =	vld [tilespmem:s25+$0xC2F0]  }
0x163: {  	v21 =	vld [tilespmem:s25+$0x4200];
	v22 =	vperm.xlane v14, v1  }
0x164: {  	v4 =	vmul.f32 v5, v4;
	v5 =	vmul.f32 v8, v6;
	v6 =	vmov s19;
	s19 =	smov.u32 s20;
	s20 =	smov.u32 s6;
	v23 =	vld [tilespmem:s25+$0xC200]  }
0x165: {  	v7 =	vmul.f32 v9, v7;
	v9 =	vmul.f32 v12, v10;
	v8 =	vld [tilespmem:s25+$0x4210];
	v10 =	vadd.f32 v14, v22  }
0x166: {  	v11 =	vmul.f32 v13, v11;
	v13 =	vmul.f32 v17, v15;
	v6 =	vadd.s32 $0x80, v6;
	v12 =	vld [tilespmem:s25+$0xC210]  }
0x167: {  	v6 =	vand.u32 $0xFFFFFFFE, v6;
	v15 =	vmul.f32 v18, v16;
	v14 =	vld [tilespmem:s25+$0x4220];
	v16 =	vmul.f32 v20, v19  }
0x168: {  	v4 =	vadd.f32 v5, v4;
	v5 =	vadd.f32 v9, v7;
	v7 =	vperm.xlane v10, v2;
	v17 =	vld [tilespmem:s25+$0xC220]  }
0x169: {  	v11 =	vadd.f32 v13, v11;
	v9 =	vmul.f32 v23, v21;
	v18 =	vld [tilespmem:s25+$0x4230];
	v13 =	vadd.f32 v16, v15  }
0x16a: {  	v6 =	vbroadcast v6, $0x0;
	v7 =	vadd.f32 v10, v7;
	v15 =	vld [tilespmem:s25+$0xC230]  }
0x16b: {  	v4 =	vadd.f32 v5, v4;
	v8 =	vmul.f32 v12, v8;
	v10 =	vld [tilespmem:s25+$0x4240];
	v5 =	vadd.f32 v13, v11  }
0x16c: {  	v12 =	vperm.xlane v7, v3;
	v11 =	vld [tilespmem:s25+$0xC240]  }
0x16d: {  	v13 =	vmul.f32 v17, v14;
	v14 =	vld [tilespmem:s25+$0x4250];
	v8 =	vadd.f32 v8, v9;
	v4 =	vadd.f32 v5, v4  }
0x16e: {  	v7 =	vadd.f32 v7, v12;
	v5 =	vld [tilespmem:s25+$0xC250]  }
0x16f: {  	v9 =	vmul.f32 v15, v18;
	v12 =	vld [tilespmem:s25+$0x4260];
	v15 =	vperm.xlane v4, v0  }
0x170: {  	v16 =	vld [tilespmem:s25+$0xC260];
	[tilespmem:v6+s23+$0x0] =	vst.idx.msk $0x1, v7  }
0x171: {  	s5 =	sadd.s32 $0x400, s5;
	v7 =	vmul.f32 v11, v10;
	v10 =	vld [tilespmem:s25+$0x4270];
	v6 =	vadd.f32 v9, v13;
	v9 =	vadd.f32 v4, v15  }
0x172: {  	v11 =	vld [tilespmem:s25+$0xC270];
	s25 =	sshra.s32 s5, $0x2  }
0x173: {  	v4 =	vld [tilespmem:s25+$0x4280];
	v13 =	vmul.f32 v5, v14;
	v14 =	vadd.f32 v6, v8;
	v8 =	vperm.xlane v9, v1  }
0x174: {  	v5 =	vld [tilespmem:s25+$0xC280]  }
0x175: {  	v6 =	vld [tilespmem:s25+$0x4290];
	v12 =	vmul.f32 v16, v12;
	v13 =	vadd.f32 v13, v7;
	v15 =	vadd.f32 v9, v8  }
0x176: {  	s26 =	sadd.s32 $0x1, s19;
	v8 =	vld [tilespmem:s25+$0xC290]  }
0x177: {  	v7 =	vld [tilespmem:s25+$0x42A0];
	v11 =	vmul.f32 v11, v10;
	v16 =	vperm.xlane v15, v2;
	v10 =	vmov s26  }
0x178: {  	v9 =	vld [tilespmem:s25+$0xC2A0];
	v17 =	vadd.s32 $0x80, v10  }
0x179: {  	v10 =	vld [tilespmem:s25+$0x42B0];
	v18 =	vadd.f32 v11, v12;
	v16 =	vadd.f32 v15, v16;
	v19 =	vbroadcast v17, $0x0  }
0x17a: {  	v12 =	vld [tilespmem:s25+$0xC2B0]  }
0x17b: {  	v11 =	vld [tilespmem:s25+$0x42C0];
	v17 =	vadd.f32 v18, v13;
	v18 =	vperm.xlane v16, v3  }
0x17c: {  	v13 =	vld [tilespmem:s25+$0xC2C0]  }
.Ltmp2:
0x17d: {  	v15 =	vld [tilespmem:s25+$0x42D0];
	v14 =	vadd.f32 v17, v14;
	v18 =	vadd.f32 v16, v18;
	(pc) =	sbr.rel @p0 .LBB2_6-.Ltmp2, $4  }
0x17e: {  	v17 =	vld [tilespmem:s25+$0xC2D0]  }
0x17f: {  	v16 =	vld [tilespmem:s25+$0x42E0];
	v20 =	vperm.xlane v14, v0;
	[tilespmem:v19+s23+$0x0] =	vst.idx.msk $0x1, v18  }
0x180: {  	v18 =	vld [tilespmem:s25+$0xC2E0]  }
0x181: {  	s6 =	sadd.s32 $0x2, s6;
	v19 =	vld [tilespmem:s25+$0x42F0];
	v14 =	vadd.f32 v14, v20  }
0x182: {  	v20 =	vld [tilespmem:s25+$0xC2F0]  }
0x183: {  	v21 =	vld [tilespmem:s25+$0x4200]  }
0x184: {  	v22 =	vld [tilespmem:s25+$0xC200]  }
0x185: {  	v23 =	vld [tilespmem:s25+$0x4210]  }
0x186: {  	v24 =	vld [tilespmem:s25+$0xC210]  }
0x187: {  	v25 =	vld [tilespmem:s25+$0x4220]  }
0x188: {  	v26 =	vld [tilespmem:s25+$0xC220]  }
0x189: {  	v27 =	vld [tilespmem:s25+$0x4230]  }
0x18a: {  	v28 =	vld [tilespmem:s25+$0xC230]  }
0x18b: {  	v29 =	vld [tilespmem:s25+$0x4240]  }
0x18c: {  	v30 =	vld [tilespmem:s25+$0xC240]  }
0x18d: {  	v31 =	vld [tilespmem:s25+$0x4250]  }
0x18e: {  	v32 =	vld [tilespmem:s25+$0xC250]  }
0x18f: {  	v33 =	vld [tilespmem:s25+$0x4260]  }
0x190: {  	v4 =	vmul.f32 v5, v4;
	v5 =	vmul.f32 v8, v6;
	v6 =	vld [tilespmem:s25+$0xC260]  }
0x191: {  	v7 =	vmul.f32 v9, v7;
	v8 =	vmul.f32 v12, v10;
	v9 =	vld [tilespmem:s25+$0x4270]  }
0x192: {  	v10 =	vmul.f32 v13, v11;
	v12 =	vld [tilespmem:s25+$0xC270];
	v11 =	vmul.f32 v17, v15  }
0x193: {  	v13 =	vmul.f32 v18, v16;
	v15 =	vmul.f32 v20, v19  }
0x194: {  	v4 =	vadd.f32 v5, v4;
	v5 =	vmul.f32 v22, v21;
	v16 =	vmul.f32 v24, v23  }
0x195: {  	v7 =	vadd.f32 v8, v7;
	v8 =	vmul.f32 v26, v25;
	v17 =	vmul.f32 v28, v27  }
0x196: {  	v10 =	vadd.f32 v11, v10;
	v11 =	vmul.f32 v30, v29;
	v18 =	vmul.f32 v32, v31  }
0x197: {  	v6 =	vmul.f32 v6, v33;
	v9 =	vmul.f32 v12, v9;
	v13 =	vadd.f32 v15, v13  }
0x198: {  	v5 =	vadd.f32 v16, v5;
	v8 =	vadd.f32 v17, v8  }
0x199: {  	v11 =	vadd.f32 v18, v11;
	v6 =	vadd.f32 v9, v6  }
0x19a: {  	v4 =	vadd.f32 v7, v4;
	v7 =	vadd.f32 v13, v10  }
0x19b: {  	v5 =	vadd.f32 v8, v5;
	v6 =	vadd.f32 v6, v11  }
0x19c: {  	v4 =	vadd.f32 v7, v4  }
0x19d: {  	v5 =	vadd.f32 v6, v5  }
0x19e: {  	v6 =	vperm.xlane v4, v0  }
0x19f: {  	v7 =	vperm.xlane v14, v1;
	v8 =	vperm.xlane v5, v0  }
0x1a0: {  	v4 =	vadd.f32 v4, v6  }
0x1a1: {  	v6 =	vadd.f32 v14, v7;
	v5 =	vadd.f32 v5, v8  }
0x1a2: {  	v7 =	vmov s19;
	v8 =	vperm.xlane v4, v1  }
0x1a3: {  	v7 =	vadd.s32 $0x80, v7;
	v9 =	vperm.xlane v6, v2;
	v10 =	vperm.xlane v5, v1  }
0x1a4: {  	v7 =	vand.u32 $0xFFFFFFFE, v7;
	v4 =	vadd.f32 v4, v8  }
0x1a5: {  	s5 =	sadd.s32 $0x1, s20;
	v7 =	vbroadcast v7, $0x0;
	v6 =	vadd.f32 v6, v9;
	v5 =	vadd.f32 v5, v10  }
0x1a6: {  	v9 =	vmov s5;
	v10 =	vmov s20;
	v8 =	vperm.xlane v4, v2  }
0x1a7: {  	v9 =	vadd.s32 $0x80, v9;
	v10 =	vadd.s32 $0x80, v10;
	v11 =	vperm.xlane v5, v2  }
0x1a8: {  	v4 =	vadd.f32 v4, v8;
	v8 =	vbroadcast v9, $0x0;
	v9 =	vand.u32 $0xFFFFFFFE, v10  }
0x1a9: {  	v10 =	vperm.xlane v6, v3;
	v5 =	vadd.f32 v5, v11;
	v9 =	vbroadcast v9, $0x0  }
0x1aa: {  	v11 =	vperm.xlane v4, v3  }
0x1ab: {  	v6 =	vadd.f32 v6, v10;
	v10 =	vperm.xlane v5, v3  }
0x1ac: {  	v4 =	vadd.f32 v4, v11  }
0x1ad: {  	[tilespmem:v7+s23+$0x0] =	vst.idx.msk $0x1, v6;
	v5 =	vadd.f32 v5, v10  }
0x1ae: {  	[tilespmem:v8+s23+$0x0] =	vst.idx.msk $0x1, v4  }
0x1af: {  	s26 =	simm.s32 $0x200;
	s6 =	simm.s32 $0x100;
	[tilespmem:v9+s23+$0x0] =	vst.idx.msk $0x1, v5  }
0x1b0: {  	[tilespmem:s26], [sflag:$0x1] =	stream.indirect.gather [hbm4b:s2+s17], $0x80, s6, s17, $0xb8;
	[tilespmem:$0x10400] =	vst v63  }
0x1b1: {  	s19 =	simm.s32 $0x0;
	s6 =	simm.s32 $0x8200  }
0x1b2: {  	[tilespmem:s6], [sflag:$0x5] =	stream.linear.gather [hbm4b:s9+s19], $0x2000, $0x38;
	[tilespmem:$0x10400] =	vst v63  }
0x1b3: {  	_ =	swait.ge [sflag:s30], $0x2000  }
0x1b4: {  	[sflag:s30] =	ssyncset.done $0x0  }
0x1b5: {  	[sflag:s30] =	ssyncadd.s32 $0xFFFFE000  }
0x1b6: {  	_ =	swait.ge [sflag:s15], $0x2000  }
0x1b7: {  	[sflag:s15] =	ssyncset.done $0x0  }
0x1b8: {  	s20 =	simm.s32 $0x0;
	[sflag:s15] =	ssyncadd.s32 $0xFFFFE000  }
0x1b9: {  	v4 =	vld [tilespmem:s20+$0x6280]  }
0x1ba: {  	v5 =	vld [tilespmem:s20+$0xE280]  }
0x1bb: {  	v6 =	vld [tilespmem:s20+$0x6290]  }
0x1bc: {  	v7 =	vld [tilespmem:s20+$0xE290]  }
0x1bd: {  	v8 =	vld [tilespmem:s20+$0x62A0]  }
0x1be: {  	v9 =	vld [tilespmem:s20+$0xE2A0]  }
0x1bf: {  	v10 =	vld [tilespmem:s20+$0x62B0]  }
0x1c0: {  	v11 =	vld [tilespmem:s20+$0xE2B0]  }
0x1c1: {  	v12 =	vld [tilespmem:s20+$0x62C0]  }
0x1c2: {  	v13 =	vld [tilespmem:s20+$0xE2C0]  }
0x1c3: {  	v14 =	vld [tilespmem:s20+$0x62D0]  }
0x1c4: {  	v15 =	vld [tilespmem:s20+$0xE2D0]  }
0x1c5: {  	v16 =	vld [tilespmem:s20+$0x62E0]  }
0x1c6: {  	v17 =	vld [tilespmem:s20+$0xE2E0]  }
0x1c7: {  	v18 =	vld [tilespmem:s20+$0x62F0]  }
0x1c8: {  	v19 =	vld [tilespmem:s20+$0xE2F0]  }
0x1c9: {  	v20 =	vld [tilespmem:s20+$0x6200]  }
0x1ca: {  	v60 =	vld [tilespmem:s20+$0xE200]  }
0x1cb: {  	v61 =	vld [tilespmem:s20+$0x6210]  }
0x1cc: {  	v4 =	vmul.f32 v5, v4;
	v5 =	vmul.f32 v7, v6;
	v6 =	vld [tilespmem:s20+$0xE210]  }
0x1cd: {  	v7 =	vmul.f32 v9, v8;
	v9 =	vld [tilespmem:s20+$0x6220]  }
0x1ce: {  	v8 =	vmul.f32 v11, v10;
	v10 =	vmul.f32 v13, v12;
	v12 =	vld [tilespmem:s20+$0xE220]  }
0x1cf: {  	v11 =	vmul.f32 v15, v14;
	v15 =	vld [tilespmem:s20+$0x6230]  }
0x1d0: {  	v13 =	vmul.f32 v17, v16;
	v14 =	vmul.f32 v19, v18;
	v16 =	vld [tilespmem:s20+$0xE260]  }
0x1d1: {  	v17 =	vld [tilespmem:s20+$0x6270];
	v4 =	vadd.f32 v5, v4;
	v5 =	vadd.f32 v8, v7  }
0x1d2: {  	v18 =	vld [tilespmem:s20+$0xE270];
	v8 =	vadd.f32 v11, v10;
	v10 =	vadd.f32 v14, v13  }
0x1d3: {  	v7 =	vld [tilespmem:s20+$0xE230]  }
0x1d4: {  	v11 =	vld [tilespmem:s20+$0x6240];
	v4 =	vadd.f32 v5, v4;
	v5 =	vadd.f32 v10, v8  }
0x1d5: {  	v8 =	vld [tilespmem:s20+$0x6250]  }
0x1d6: {  	v10 =	vld [tilespmem:s20+$0xE250];
	v4 =	vadd.f32 v5, v4  }
0x1d7: {  	v13 =	vld [tilespmem:s20+$0xE240]  }
0x1d8: {  	v14 =	vld [tilespmem:s20+$0x6260];
	v5 =	vperm.xlane v4, v0  }
0x1d9: {  	s25 =	simm.s32 $0x100;
	v19 =	vmul.f32 v60, v20;
	v62 =	vmul.f32 v6, v61  }
0x1da: {  	v9 =	vmul.f32 v12, v9;
	v6 =	vld [tilespmem:s25+$0x6290];
	v12 =	vmul.f32 v7, v15;
	v20 =	vadd.f32 v4, v5  }
0x1db: {  	v10 =	vmul.f32 v10, v8;
	v8 =	vld [tilespmem:s25+$0xE290]  }
0x1dc: {  	v11 =	vmul.f32 v13, v11;
	v12 =	vadd.f32 v12, v9;
	v9 =	vld [tilespmem:s25+$0xE2A0];
	v7 =	vperm.xlane v20, v1  }
0x1dd: {  	v13 =	vmul.f32 v16, v14;
	v16 =	vmul.f32 v18, v17;
	v4 =	vld [tilespmem:s25+$0x6280]  }
0x1de: {  	s26 =	simm.s32 $0x1;
	v15 =	vadd.f32 v62, v19;
	v5 =	vld [tilespmem:s25+$0xE280];
	v14 =	vadd.f32 v20, v7  }
0x1df: {  	v18 =	vmov s26;
	v13 =	vadd.f32 v16, v13;
	v17 =	vadd.f32 v10, v11;
	v10 =	vld [tilespmem:s25+$0x62B0]  }
0x1e0: {  	v16 =	vadd.f32 v12, v15;
	v15 =	vadd.s32 $0xC0, v18;
	v12 =	vld [tilespmem:s25+$0xE2B0];
	v11 =	vperm.xlane v14, v2  }
0x1e1: {  	v19 =	vbroadcast v15, $0x0;
	v15 =	vld [tilespmem:s25+$0x62D0]  }
0x1e2: {  	v17 =	vadd.f32 v13, v17;
	v13 =	vld [tilespmem:s25+$0xE2C0];
	v14 =	vadd.f32 v14, v11  }
0x1e3: {  	v7 =	vld [tilespmem:s25+$0x62A0]  }
0x1e4: {  	v20 =	vadd.f32 v17, v16;
	v17 =	vld [tilespmem:s25+$0xE2D0];
	v18 =	vperm.xlane v14, v3  }
0x1e5: {  	v16 =	vld [tilespmem:s25+$0x62E0]  }
0x1e6: {  	v63 =	vperm.xlane v20, v0;
	v11 =	vld [tilespmem:s25+$0x62C0];
	v14 =	vadd.f32 v14, v18  }
0x1e7: {  	v18 =	vld [tilespmem:s25+$0xE2E0]  }
0x1e8: {  	s5 =	simm.s32 $0x400;
	s6 =	simm.s32 $0x4;
	s20 =	simm.s32 $0x2;
	[tilespmem:v19+s23+$0x0] =	vst.idx.msk $0x1, v14;
	v19 =	vld [tilespmem:s25+$0x62F0];
	v14 =	vadd.f32 v20, v63  }
.LBB2_8:
0x1e9: {  	p0 =	slt.u32 s6, $0x3E;
	v20 =	vld [tilespmem:s25+$0xE2F0]  }
0x1ea: {  	v21 =	vld [tilespmem:s25+$0x6200];
	v22 =	vperm.xlane v14, v1  }
0x1eb: {  	v4 =	vmul.f32 v5, v4;
	v5 =	vmul.f32 v8, v6;
	v6 =	vmov s19;
	s19 =	smov.u32 s20;
	s20 =	smov.u32 s6;
	v23 =	vld [tilespmem:s25+$0xE200]  }
0x1ec: {  	v7 =	vmul.f32 v9, v7;
	v9 =	vmul.f32 v12, v10;
	v8 =	vld [tilespmem:s25+$0x6210];
	v10 =	vadd.f32 v14, v22  }
0x1ed: {  	v11 =	vmul.f32 v13, v11;
	v13 =	vmul.f32 v17, v15;
	v6 =	vadd.s32 $0xC0, v6;
	v12 =	vld [tilespmem:s25+$0xE210]  }
0x1ee: {  	v6 =	vand.u32 $0xFFFFFFFE, v6;
	v15 =	vmul.f32 v18, v16;
	v14 =	vld [tilespmem:s25+$0x6220];
	v16 =	vmul.f32 v20, v19  }
0x1ef: {  	v4 =	vadd.f32 v5, v4;
	v5 =	vadd.f32 v9, v7;
	v7 =	vperm.xlane v10, v2;
	v17 =	vld [tilespmem:s25+$0xE220]  }
0x1f0: {  	v11 =	vadd.f32 v13, v11;
	v9 =	vmul.f32 v23, v21;
	v18 =	vld [tilespmem:s25+$0x6230];
	v13 =	vadd.f32 v16, v15  }
0x1f1: {  	v6 =	vbroadcast v6, $0x0;
	v7 =	vadd.f32 v10, v7;
	v15 =	vld [tilespmem:s25+$0xE230]  }
0x1f2: {  	v4 =	vadd.f32 v5, v4;
	v8 =	vmul.f32 v12, v8;
	v10 =	vld [tilespmem:s25+$0x6240];
	v5 =	vadd.f32 v13, v11  }
0x1f3: {  	v12 =	vperm.xlane v7, v3;
	v11 =	vld [tilespmem:s25+$0xE240]  }
0x1f4: {  	v13 =	vmul.f32 v17, v14;
	v14 =	vld [tilespmem:s25+$0x6250];
	v8 =	vadd.f32 v8, v9;
	v4 =	vadd.f32 v5, v4  }
0x1f5: {  	v7 =	vadd.f32 v7, v12;
	v5 =	vld [tilespmem:s25+$0xE250]  }
0x1f6: {  	v9 =	vmul.f32 v15, v18;
	v12 =	vld [tilespmem:s25+$0x6260];
	v15 =	vperm.xlane v4, v0  }
0x1f7: {  	v16 =	vld [tilespmem:s25+$0xE260];
	[tilespmem:v6+s23+$0x0] =	vst.idx.msk $0x1, v7  }
0x1f8: {  	s5 =	sadd.s32 $0x400, s5;
	v7 =	vmul.f32 v11, v10;
	v10 =	vld [tilespmem:s25+$0x6270];
	v6 =	vadd.f32 v9, v13;
	v9 =	vadd.f32 v4, v15  }
0x1f9: {  	v11 =	vld [tilespmem:s25+$0xE270];
	s25 =	sshra.s32 s5, $0x2  }
0x1fa: {  	v4 =	vld [tilespmem:s25+$0x6280];
	v13 =	vmul.f32 v5, v14;
	v14 =	vadd.f32 v6, v8;
	v8 =	vperm.xlane v9, v1  }
0x1fb: {  	v5 =	vld [tilespmem:s25+$0xE280]  }
0x1fc: {  	v6 =	vld [tilespmem:s25+$0x6290];
	v12 =	vmul.f32 v16, v12;
	v13 =	vadd.f32 v13, v7;
	v15 =	vadd.f32 v9, v8  }
0x1fd: {  	s26 =	sadd.s32 $0x1, s19;
	v8 =	vld [tilespmem:s25+$0xE290]  }
0x1fe: {  	v7 =	vld [tilespmem:s25+$0x62A0];
	v11 =	vmul.f32 v11, v10;
	v16 =	vperm.xlane v15, v2;
	v10 =	vmov s26  }
0x1ff: {  	v9 =	vld [tilespmem:s25+$0xE2A0];
	v17 =	vadd.s32 $0xC0, v10  }
0x200: {  	v10 =	vld [tilespmem:s25+$0x62B0];
	v18 =	vadd.f32 v11, v12;
	v16 =	vadd.f32 v15, v16;
	v19 =	vbroadcast v17, $0x0  }
0x201: {  	v12 =	vld [tilespmem:s25+$0xE2B0]  }
0x202: {  	v11 =	vld [tilespmem:s25+$0x62C0];
	v17 =	vadd.f32 v18, v13;
	v18 =	vperm.xlane v16, v3  }
0x203: {  	v13 =	vld [tilespmem:s25+$0xE2C0]  }
.Ltmp3:
0x204: {  	v15 =	vld [tilespmem:s25+$0x62D0];
	v14 =	vadd.f32 v17, v14;
	v18 =	vadd.f32 v16, v18;
	(pc) =	sbr.rel @p0 .LBB2_8-.Ltmp3, $4  }
0x205: {  	v17 =	vld [tilespmem:s25+$0xE2D0]  }
0x206: {  	v16 =	vld [tilespmem:s25+$0x62E0];
	v20 =	vperm.xlane v14, v0;
	[tilespmem:v19+s23+$0x0] =	vst.idx.msk $0x1, v18  }
0x207: {  	v18 =	vld [tilespmem:s25+$0xE2E0]  }
0x208: {  	s6 =	sadd.s32 $0x2, s6;
	v19 =	vld [tilespmem:s25+$0x62F0];
	v14 =	vadd.f32 v14, v20  }
0x209: {  	v20 =	vld [tilespmem:s25+$0xE2F0]  }
0x20a: {  	v21 =	vld [tilespmem:s25+$0x6200]  }
0x20b: {  	v22 =	vld [tilespmem:s25+$0xE200]  }
0x20c: {  	v23 =	vld [tilespmem:s25+$0x6210]  }
0x20d: {  	v24 =	vld [tilespmem:s25+$0xE210]  }
0x20e: {  	v25 =	vld [tilespmem:s25+$0x6220]  }
0x20f: {  	v26 =	vld [tilespmem:s25+$0xE220]  }
0x210: {  	v27 =	vld [tilespmem:s25+$0x6230]  }
0x211: {  	v28 =	vld [tilespmem:s25+$0xE230]  }
0x212: {  	v29 =	vld [tilespmem:s25+$0x6240]  }
0x213: {  	v30 =	vld [tilespmem:s25+$0xE240]  }
0x214: {  	v31 =	vld [tilespmem:s25+$0x6250]  }
0x215: {  	v32 =	vld [tilespmem:s25+$0xE250]  }
0x216: {  	v33 =	vld [tilespmem:s25+$0x6260]  }
0x217: {  	v4 =	vmul.f32 v5, v4;
	v5 =	vmul.f32 v8, v6;
	v6 =	vld [tilespmem:s25+$0xE260]  }
0x218: {  	v7 =	vmul.f32 v9, v7;
	v8 =	vmul.f32 v12, v10;
	v9 =	vld [tilespmem:s25+$0x6270]  }
0x219: {  	v10 =	vmul.f32 v13, v11;
	v12 =	vld [tilespmem:s25+$0xE270];
	v11 =	vmul.f32 v17, v15  }
0x21a: {  	v13 =	vmul.f32 v18, v16;
	v15 =	vmul.f32 v20, v19  }
0x21b: {  	v4 =	vadd.f32 v5, v4;
	v5 =	vmul.f32 v22, v21;
	v16 =	vmul.f32 v24, v23  }
0x21c: {  	v7 =	vadd.f32 v8, v7;
	v8 =	vmul.f32 v26, v25;
	v17 =	vmul.f32 v28, v27  }
0x21d: {  	v10 =	vadd.f32 v11, v10;
	v11 =	vmul.f32 v30, v29;
	v18 =	vmul.f32 v32, v31  }
0x21e: {  	v6 =	vmul.f32 v6, v33;
	v9 =	vmul.f32 v12, v9;
	v13 =	vadd.f32 v15, v13  }
0x21f: {  	v5 =	vadd.f32 v16, v5;
	v8 =	vadd.f32 v17, v8  }
0x220: {  	v11 =	vadd.f32 v18, v11;
	v6 =	vadd.f32 v9, v6  }
0x221: {  	v4 =	vadd.f32 v7, v4;
	v7 =	vadd.f32 v13, v10  }
0x222: {  	v5 =	vadd.f32 v8, v5;
	v6 =	vadd.f32 v6, v11  }
0x223: {  	v4 =	vadd.f32 v7, v4  }
0x224: {  	v5 =	vadd.f32 v6, v5  }
0x225: {  	v6 =	vperm.xlane v4, v0  }
0x226: {  	v7 =	vperm.xlane v14, v1;
	v8 =	vperm.xlane v5, v0  }
0x227: {  	v4 =	vadd.f32 v4, v6  }
0x228: {  	v6 =	vadd.f32 v14, v7;
	v5 =	vadd.f32 v5, v8  }
0x229: {  	v7 =	vmov s19;
	v8 =	vperm.xlane v4, v1  }
0x22a: {  	v7 =	vadd.s32 $0xC0, v7;
	v9 =	vperm.xlane v6, v2;
	v10 =	vperm.xlane v5, v1  }
0x22b: {  	v7 =	vand.u32 $0xFFFFFFFE, v7;
	v4 =	vadd.f32 v4, v8  }
0x22c: {  	s5 =	sadd.s32 $0x1, s20;
	v7 =	vbroadcast v7, $0x0;
	v6 =	vadd.f32 v6, v9;
	v5 =	vadd.f32 v5, v10  }
0x22d: {  	v9 =	vmov s5;
	v10 =	vmov s20;
	v8 =	vperm.xlane v4, v2  }
0x22e: {  	v9 =	vadd.s32 $0xC0, v9;
	v10 =	vadd.s32 $0xC0, v10;
	v11 =	vperm.xlane v5, v2  }
0x22f: {  	v4 =	vadd.f32 v4, v8;
	v8 =	vbroadcast v9, $0x0;
	v9 =	vand.u32 $0xFFFFFFFE, v10  }
0x230: {  	v10 =	vperm.xlane v6, v3;
	v5 =	vadd.f32 v5, v11;
	v9 =	vbroadcast v9, $0x0  }
0x231: {  	v11 =	vperm.xlane v4, v3  }
0x232: {  	v6 =	vadd.f32 v6, v10;
	v10 =	vperm.xlane v5, v3  }
0x233: {  	v4 =	vadd.f32 v4, v11  }
0x234: {  	[tilespmem:v7+s23+$0x0] =	vst.idx.msk $0x1, v6;
	v5 =	vadd.f32 v5, v10  }
0x235: {  	[tilespmem:v8+s23+$0x0] =	vst.idx.msk $0x1, v4  }
0x236: {  	s26 =	simm.s32 $0x2200;
	s6 =	simm.s32 $0x140;
	[tilespmem:v9+s23+$0x0] =	vst.idx.msk $0x1, v5  }
0x237: {  	[tilespmem:s26], [sflag:$0x2] =	stream.indirect.gather [hbm4b:s2+s17], $0x80, s6, s17, $0xb8;
	[tilespmem:$0x10400] =	vst v63  }
0x238: {  	s19 =	simm.s32 $0x0;
	s6 =	simm.s32 $0xA200  }
0x239: {  	[tilespmem:s6], [sflag:$0x6] =	stream.linear.gather [hbm4b:s10+s19], $0x2000, $0x38;
	[tilespmem:$0x10400] =	vst v63  }
0x23a: {  	_ =	swait.ge [sflag:s21], $0x2000  }
0x23b: {  	[sflag:s21] =	ssyncset.done $0x0  }
0x23c: {  	[sflag:s21] =	ssyncadd.s32 $0xFFFFE000  }
0x23d: {  	_ =	swait.ge [sflag:s22], $0x2000  }
0x23e: {  	[sflag:s22] =	ssyncset.done $0x0  }
0x23f: {  	s20 =	simm.s32 $0x280;
	[sflag:s22] =	ssyncadd.s32 $0xFFFFE000  }
0x240: {  	s25 =	simm.s32 $0x8280;
	v4 =	vld [tilespmem:s20+$0x0]  }
0x241: {  	v5 =	vld [tilespmem:s25+$0x0]  }
0x242: {  	v6 =	vld [tilespmem:s20+$0x10]  }
0x243: {  	v7 =	vld [tilespmem:s25+$0x10]  }
0x244: {  	v8 =	vld [tilespmem:s20+$0x20]  }
0x245: {  	v9 =	vld [tilespmem:s25+$0x20]  }
0x246: {  	v10 =	vld [tilespmem:s20+$0x30]  }
0x247: {  	v11 =	vld [tilespmem:s25+$0x30]  }
0x248: {  	v12 =	vld [tilespmem:s20+$0x40]  }
0x249: {  	v13 =	vld [tilespmem:s25+$0x40]  }
0x24a: {  	v14 =	vld [tilespmem:s20+$0x50]  }
0x24b: {  	v15 =	vld [tilespmem:s25+$0x50]  }
0x24c: {  	v16 =	vld [tilespmem:s20+$0x60]  }
0x24d: {  	v17 =	vld [tilespmem:s25+$0x60]  }
0x24e: {  	v18 =	vld [tilespmem:s20+$0x70]  }
0x24f: {  	v19 =	vld [tilespmem:s25+$0x70]  }
0x250: {  	v20 =	vld [tilespmem:s25+$0xFFFFFF80]  }
0x251: {  	v21 =	vld [tilespmem:s20+$0xFFFFFF90]  }
0x252: {  	v22 =	vld [tilespmem:s25+$0xFFFFFF90]  }
0x253: {  	v4 =	vmul.f32 v5, v4;
	v5 =	vmul.f32 v7, v6;
	v6 =	vld [tilespmem:s20+$0xFFFFFFA0]  }
0x254: {  	v7 =	vmul.f32 v9, v8;
	v9 =	vld [tilespmem:s25+$0xFFFFFFA0]  }
0x255: {  	v8 =	vmul.f32 v11, v10;
	v10 =	vmul.f32 v13, v12;
	v12 =	vld [tilespmem:s20+$0xFFFFFFB0]  }
0x256: {  	v11 =	vmul.f32 v15, v14;
	v15 =	vld [tilespmem:s25+$0xFFFFFFB0]  }
0x257: {  	v13 =	vmul.f32 v17, v16;
	v16 =	vld [tilespmem:s20+$0xFFFFFFF0]  }
0x258: {  	v14 =	vmul.f32 v19, v18;
	v17 =	vld [tilespmem:s25+$0xFFFFFFF0]  }
0x259: {  	v4 =	vadd.f32 v5, v4;
	v5 =	vadd.f32 v8, v7;
	v7 =	vld [tilespmem:s20+$0xFFFFFFC0]  }
0x25a: {  	v8 =	vadd.f32 v11, v10;
	v10 =	vadd.f32 v14, v13;
	v11 =	vld [tilespmem:s25+$0xFFFFFFC0]  }
0x25b: {  	v13 =	vld [tilespmem:s20+$0xFFFFFFD0]  }
0x25c: {  	v14 =	vld [tilespmem:s25+$0xFFFFFFE0];
	v4 =	vadd.f32 v5, v4;
	v5 =	vadd.f32 v10, v8  }
0x25d: {  	v8 =	vld [tilespmem:s25+$0xFFFFFFD0]  }
0x25e: {  	v10 =	vld [tilespmem:s20+$0xFFFFFFE0];
	v4 =	vadd.f32 v5, v4  }
0x25f: {  	v18 =	vld [tilespmem:s20+$0xFFFFFF80]  }
0x260: {  	v21 =	vmul.f32 v22, v21;
	s20 =	simm.s32 $0x380;
	v5 =	vperm.xlane v4, v0  }
0x261: {  	s5 =	simm.s32 $0x8380;
	v22 =	vmul.f32 v9, v6;
	v6 =	vld [tilespmem:s20+$0x10];
	v12 =	vmul.f32 v15, v12  }
0x262: {  	v16 =	vmul.f32 v17, v16;
	v11 =	vmul.f32 v11, v7;
	v7 =	vld [tilespmem:s5+$0x10];
	v19 =	vadd.f32 v4, v5  }
0x263: {  	v13 =	vmul.f32 v8, v13;
	v14 =	vmul.f32 v14, v10;
	v8 =	vld [tilespmem:s20+$0x20]  }
0x264: {  	v17 =	vmul.f32 v20, v18;
	v18 =	vadd.f32 v12, v22;
	v10 =	vld [tilespmem:s20+$0x30];
	v9 =	vperm.xlane v19, v1  }
0x265: {  	v4 =	vld [tilespmem:s20+$0x0];
	v13 =	vadd.f32 v13, v11;
	v14 =	vadd.f32 v16, v14  }
0x266: {  	v5 =	vld [tilespmem:s5+$0x0];
	v16 =	vadd.f32 v21, v17;
	v15 =	vadd.f32 v19, v9  }
0x267: {  	s26 =	simm.s32 $0x1;
	v11 =	vld [tilespmem:s5+$0x30];
	v13 =	vadd.f32 v14, v13  }
0x268: {  	v16 =	vadd.f32 v18, v16;
	v14 =	vld [tilespmem:s5+$0x40];
	v19 =	vmov s26;
	v12 =	vperm.xlane v15, v2  }
0x269: {  	v9 =	vld [tilespmem:s5+$0x20];
	v17 =	vadd.s32 $0x100, v19  }
0x26a: {  	v13 =	vadd.f32 v13, v16;
	v16 =	vld [tilespmem:s20+$0x60];
	v20 =	vbroadcast v17, $0x0;
	v19 =	vadd.f32 v15, v12  }
0x26b: {  	v17 =	vld [tilespmem:s5+$0x50]  }
0x26c: {  	v12 =	vld [tilespmem:s20+$0x40];
	v18 =	vperm.xlane v19, v3  }
0x26d: {  	v22 =	vperm.xlane v13, v0;
	v15 =	vld [tilespmem:s20+$0x50]  }
0x26e: {  	v21 =	vadd.f32 v19, v18;
	v18 =	vld [tilespmem:s5+$0x60]  }
0x26f: {  	v13 =	vadd.f32 v13, v22;
	v19 =	vld [tilespmem:s20+$0x70]  }
0x270: {  	s6 =	simm.s32 $0x4;
	s25 =	simm.s32 $0x2;
	[tilespmem:v20+s23+$0x0] =	vst.idx.msk $0x1, v21;
	v20 =	vld [tilespmem:s5+$0x70]  }
.LBB2_10:
0x271: {  	p0 =	slt.u32 s6, $0x3E;
	v21 =	vld [tilespmem:s5+$0xFFFFFF80];
	v22 =	vperm.xlane v13, v1  }
0x272: {  	v4 =	vmul.f32 v5, v4;
	v5 =	vmul.f32 v7, v6;
	v23 =	vld [tilespmem:s20+$0xFFFFFF90]  }
0x273: {  	v7 =	vmul.f32 v9, v8;
	v8 =	vmul.f32 v11, v10;
	v6 =	vld [tilespmem:s5+$0xFFFFFF90];
	v9 =	vadd.f32 v13, v22  }
0x274: {  	v11 =	vmul.f32 v14, v12;
	v12 =	vmul.f32 v17, v15;
	v13 =	vmov s19;
	s19 =	smov.u32 s25;
	s25 =	smov.u32 s6;
	v10 =	vld [tilespmem:s20+$0xFFFFFFA0]  }
0x275: {  	v15 =	vmul.f32 v18, v16;
	v13 =	vadd.s32 $0x100, v13;
	v14 =	vld [tilespmem:s5+$0xFFFFFFA0];
	v16 =	vmul.f32 v20, v19  }
0x276: {  	v4 =	vadd.f32 v5, v4;
	v5 =	vadd.f32 v8, v7;
	v7 =	vperm.xlane v9, v2;
	v17 =	vld [tilespmem:s20+$0xFFFFFFB0]  }
0x277: {  	v11 =	vadd.f32 v12, v11;
	v13 =	vand.u32 $0xFFFFFFFE, v13;
	v8 =	vld [tilespmem:s5+$0xFFFFFFB0];
	v12 =	vadd.f32 v16, v15  }
0x278: {  	v7 =	vadd.f32 v9, v7;
	v9 =	vbroadcast v13, $0x0;
	v15 =	vmul.f32 v6, v23;
	v6 =	vld [tilespmem:s20+$0xFFFFFFC0]  }
0x279: {  	v4 =	vadd.f32 v5, v4;
	v13 =	vld [tilespmem:s5+$0xFFFFFFC0];
	v5 =	vadd.f32 v12, v11  }
0x27a: {  	v12 =	vperm.xlane v7, v3;
	v10 =	vmul.f32 v14, v10;
	v11 =	vld [tilespmem:s20+$0xFFFFFFD0]  }
0x27b: {  	v14 =	vld [tilespmem:s5+$0xFFFFFFD0];
	v4 =	vadd.f32 v5, v4  }
0x27c: {  	v7 =	vadd.f32 v7, v12;
	v5 =	vmul.f32 v8, v17;
	v8 =	vld [tilespmem:s20+$0xFFFFFFE0]  }
0x27d: {  	v12 =	vld [tilespmem:s5+$0xFFFFFFE0];
	v16 =	vperm.xlane v4, v0  }
0x27e: {  	v6 =	vmul.f32 v13, v6;
	v13 =	vld [tilespmem:s20+$0xFFFFFFF0];
	v17 =	vadd.f32 v5, v10;
	[tilespmem:v9+s23+$0x0] =	vst.idx.msk $0x1, v7  }
0x27f: {  	v9 =	vld [tilespmem:s5+$0xFFFFFFF0];
	v7 =	vadd.f32 v4, v16  }
0x280: {  	v10 =	vld [tilespmem:s20+$0xFFFFFF80];
	v11 =	vmul.f32 v14, v11;
	s20 =	sadd.s32 $0x100, s20  }
0x281: {  	s5 =	sadd.s32 $0x100, s5;
	v4 =	vld [tilespmem:s20+$0x0];
	v14 =	vperm.xlane v7, v1  }
0x282: {  	v5 =	vld [tilespmem:s5+$0x0];
	v12 =	vmul.f32 v12, v8;
	v16 =	vadd.f32 v11, v6  }
0x283: {  	v6 =	vld [tilespmem:s20+$0x10];
	v11 =	vadd.f32 v7, v14  }
0x284: {  	s26 =	sadd.s32 $0x1, s19;
	v7 =	vld [tilespmem:s5+$0x10];
	v13 =	vmul.f32 v9, v13  }
0x285: {  	v8 =	vld [tilespmem:s20+$0x20];
	v14 =	vmul.f32 v21, v10;
	v18 =	vperm.xlane v11, v2;
	v10 =	vmov s26  }
0x286: {  	v9 =	vld [tilespmem:s5+$0x20];
	v12 =	vadd.f32 v13, v12;
	v13 =	vadd.s32 $0x100, v10  }
0x287: {  	v10 =	vld [tilespmem:s20+$0x30];
	v14 =	vadd.f32 v15, v14;
	v18 =	vadd.f32 v11, v18;
	v13 =	vbroadcast v13, $0x0  }
0x288: {  	v11 =	vld [tilespmem:s5+$0x30];
	v16 =	vadd.f32 v12, v16  }
0x289: {  	v12 =	vld [tilespmem:s20+$0x40];
	v17 =	vadd.f32 v17, v14;
	v19 =	vperm.xlane v18, v3  }
0x28a: {  	v14 =	vld [tilespmem:s5+$0x40]  }
0x28b: {  	v15 =	vld [tilespmem:s20+$0x50];
	v20 =	vadd.f32 v16, v17;
	v18 =	vadd.f32 v18, v19  }
.Ltmp4:
0x28c: {  	v17 =	vld [tilespmem:s5+$0x50];
	(pc) =	sbr.rel @p0 .LBB2_10-.Ltmp4, $4  }
0x28d: {  	v16 =	vld [tilespmem:s20+$0x60];
	v21 =	vperm.xlane v20, v0;
	[tilespmem:v13+s23+$0x0] =	vst.idx.msk $0x1, v18  }
0x28e: {  	v18 =	vld [tilespmem:s5+$0x60]  }
0x28f: {  	v19 =	vld [tilespmem:s20+$0x70];
	v13 =	vadd.f32 v20, v21  }
0x290: {  	s6 =	sadd.s32 $0x2, s6;
	v20 =	vld [tilespmem:s5+$0x70]  }
0x291: {  	v21 =	vld [tilespmem:s5+$0xFFFFFF80]  }
0x292: {  	v22 =	vld [tilespmem:s20+$0xFFFFFF90]  }
0x293: {  	v23 =	vld [tilespmem:s5+$0xFFFFFF90]  }
0x294: {  	v24 =	vld [tilespmem:s20+$0xFFFFFFA0]  }
0x295: {  	v25 =	vld [tilespmem:s5+$0xFFFFFFA0]  }
0x296: {  	v26 =	vld [tilespmem:s20+$0xFFFFFFB0]  }
0x297: {  	v27 =	vld [tilespmem:s5+$0xFFFFFFB0]  }
0x298: {  	v28 =	vld [tilespmem:s20+$0xFFFFFFC0]  }
0x299: {  	v29 =	vld [tilespmem:s5+$0xFFFFFFC0]  }
0x29a: {  	v30 =	vld [tilespmem:s20+$0xFFFFFFD0]  }
0x29b: {  	v31 =	vld [tilespmem:s5+$0xFFFFFFD0]  }
0x29c: {  	v32 =	vld [tilespmem:s20+$0xFFFFFFE0]  }
0x29d: {  	v33 =	vld [tilespmem:s5+$0xFFFFFFE0]  }
0x29e: {  	v4 =	vmul.f32 v5, v4;
	v5 =	vmul.f32 v7, v6;
	v6 =	vld [tilespmem:s20+$0xFFFFFFF0]  }
0x29f: {  	v7 =	vmul.f32 v9, v8;
	v8 =	vmul.f32 v11, v10;
	v9 =	vld [tilespmem:s5+$0xFFFFFFF0]  }
0x2a0: {  	v10 =	vmul.f32 v14, v12;
	v11 =	vmul.f32 v17, v15;
	v12 =	vld [tilespmem:s20+$0xFFFFFF80]  }
0x2a1: {  	v14 =	vmul.f32 v18, v16;
	v15 =	vmul.f32 v20, v19  }
0x2a2: {  	v4 =	vadd.f32 v5, v4;
	v5 =	vmul.f32 v23, v22;
	v16 =	vmul.f32 v25, v24  }
0x2a3: {  	v7 =	vadd.f32 v8, v7;
	v8 =	vmul.f32 v27, v26;
	v17 =	vmul.f32 v29, v28  }
0x2a4: {  	v10 =	vadd.f32 v11, v10;
	v11 =	vmul.f32 v31, v30;
	v18 =	vmul.f32 v33, v32  }
0x2a5: {  	v6 =	vmul.f32 v9, v6;
	v9 =	vmul.f32 v21, v12;
	v14 =	vadd.f32 v15, v14  }
0x2a6: {  	v8 =	vadd.f32 v8, v16;
	v11 =	vadd.f32 v11, v17  }
0x2a7: {  	v6 =	vadd.f32 v6, v18;
	v5 =	vadd.f32 v5, v9  }
0x2a8: {  	v4 =	vadd.f32 v7, v4;
	v7 =	vadd.f32 v14, v10  }
0x2a9: {  	v6 =	vadd.f32 v6, v11;
	v5 =	vadd.f32 v8, v5  }
0x2aa: {  	v4 =	vadd.f32 v7, v4  }
0x2ab: {  	v5 =	vadd.f32 v6, v5  }
0x2ac: {  	v6 =	vperm.xlane v4, v0  }
0x2ad: {  	v7 =	vperm.xlane v13, v1;
	v8 =	vperm.xlane v5, v0  }
0x2ae: {  	v4 =	vadd.f32 v4, v6  }
0x2af: {  	v6 =	vadd.f32 v13, v7;
	v5 =	vadd.f32 v5, v8  }
0x2b0: {  	v7 =	vmov s19;
	v8 =	vperm.xlane v4, v1  }
0x2b1: {  	v7 =	vadd.s32 $0x100, v7;
	v9 =	vperm.xlane v6, v2;
	v10 =	vperm.xlane v5, v1  }
0x2b2: {  	v7 =	vand.u32 $0xFFFFFFFE, v7;
	v4 =	vadd.f32 v4, v8  }
0x2b3: {  	s20 =	sadd.s32 $0x1, s25;
	v7 =	vbroadcast v7, $0x0;
	v6 =	vadd.f32 v6, v9;
	v5 =	vadd.f32 v5, v10  }
0x2b4: {  	v9 =	vmov s20;
	v10 =	vmov s25;
	v8 =	vperm.xlane v4, v2  }
0x2b5: {  	v9 =	vadd.s32 $0x100, v9;
	v10 =	vadd.s32 $0x100, v10;
	v11 =	vperm.xlane v5, v2  }
0x2b6: {  	v4 =	vadd.f32 v4, v8;
	v8 =	vbroadcast v9, $0x0;
	v9 =	vand.u32 $0xFFFFFFFE, v10  }
0x2b7: {  	v10 =	vperm.xlane v6, v3;
	v5 =	vadd.f32 v5, v11;
	v9 =	vbroadcast v9, $0x0  }
0x2b8: {  	v11 =	vperm.xlane v4, v3  }
0x2b9: {  	v6 =	vadd.f32 v6, v10;
	v10 =	vperm.xlane v5, v3  }
0x2ba: {  	v4 =	vadd.f32 v4, v11  }
0x2bb: {  	[tilespmem:v7+s23+$0x0] =	vst.idx.msk $0x1, v6;
	v5 =	vadd.f32 v5, v10  }
0x2bc: {  	[tilespmem:v8+s23+$0x0] =	vst.idx.msk $0x1, v4  }
0x2bd: {  	s26 =	simm.s32 $0x4200;
	s6 =	simm.s32 $0x180;
	[tilespmem:v9+s23+$0x0] =	vst.idx.msk $0x1, v5  }
0x2be: {  	[tilespmem:s26], [sflag:$0x3] =	stream.indirect.gather [hbm4b:s2+s17], $0x80, s6, s17, $0xb8;
	[tilespmem:$0x10400] =	vst v63  }
0x2bf: {  	s19 =	simm.s32 $0x0;
	s6 =	simm.s32 $0xC200  }
0x2c0: {  	[tilespmem:s6], [sflag:$0x7] =	stream.linear.gather [hbm4b:s11+s19], $0x2000, $0x38;
	[tilespmem:$0x10400] =	vst v63  }
0x2c1: {  	_ =	swait.ge [sflag:s28], $0x2000  }
0x2c2: {  	[sflag:s28] =	ssyncset.done $0x0  }
0x2c3: {  	[sflag:s28] =	ssyncadd.s32 $0xFFFFE000  }
0x2c4: {  	_ =	swait.ge [sflag:s29], $0x2000  }
0x2c5: {  	[sflag:s29] =	ssyncset.done $0x0  }
0x2c6: {  	s20 =	simm.s32 $0x22F0;
	[sflag:s29] =	ssyncadd.s32 $0xFFFFE000  }
0x2c7: {  	s25 =	simm.s32 $0xA2F0;
	v4 =	vld [tilespmem:s20+$0xFFFFFF90]  }
0x2c8: {  	v5 =	vld [tilespmem:s25+$0xFFFFFF90]  }
0x2c9: {  	v6 =	vld [tilespmem:s20+$0xFFFFFFA0]  }
0x2ca: {  	v7 =	vld [tilespmem:s25+$0xFFFFFFA0]  }
0x2cb: {  	v8 =	vld [tilespmem:s20+$0xFFFFFFB0]  }
0x2cc: {  	v9 =	vld [tilespmem:s25+$0xFFFFFFB0]  }
0x2cd: {  	v10 =	vld [tilespmem:s20+$0xFFFFFFC0]  }
0x2ce: {  	v11 =	vld [tilespmem:s25+$0xFFFFFFC0]  }
0x2cf: {  	v12 =	vld [tilespmem:s20+$0xFFFFFFD0]  }
0x2d0: {  	v13 =	vld [tilespmem:s25+$0xFFFFFFD0]  }
0x2d1: {  	v14 =	vld [tilespmem:s20+$0xFFFFFFE0]  }
0x2d2: {  	v15 =	vld [tilespmem:s25+$0xFFFFFFE0]  }
0x2d3: {  	v16 =	vld [tilespmem:s20+$0xFFFFFFF0]  }
0x2d4: {  	v17 =	vld [tilespmem:s25+$0xFFFFFFF0]  }
0x2d5: {  	v18 =	vld [tilespmem:s20+$0x0]  }
0x2d6: {  	v19 =	vld [tilespmem:s25+$0x0]  }
0x2d7: {  	v20 =	vld [tilespmem:s25+$0xFFFFFF10]  }
0x2d8: {  	v21 =	vld [tilespmem:s20+$0xFFFFFF20]  }
0x2d9: {  	v22 =	vld [tilespmem:s25+$0xFFFFFF20]  }
0x2da: {  	v4 =	vmul.f32 v5, v4;
	v5 =	vmul.f32 v7, v6;
	v6 =	vld [tilespmem:s20+$0xFFFFFF30]  }
0x2db: {  	v7 =	vmul.f32 v9, v8;
	v9 =	vld [tilespmem:s25+$0xFFFFFF30]  }
0x2dc: {  	v8 =	vmul.f32 v11, v10;
	v10 =	vmul.f32 v13, v12;
	v12 =	vld [tilespmem:s20+$0xFFFFFF40]  }
0x2dd: {  	v11 =	vmul.f32 v15, v14;
	v15 =	vld [tilespmem:s25+$0xFFFFFF40]  }
0x2de: {  	v13 =	vmul.f32 v17, v16;
	v16 =	vld [tilespmem:s20+$0xFFFFFF80]  }
0x2df: {  	v14 =	vmul.f32 v19, v18;
	v17 =	vld [tilespmem:s25+$0xFFFFFF80]  }
0x2e0: {  	v4 =	vadd.f32 v5, v4;
	v5 =	vadd.f32 v8, v7;
	v7 =	vld [tilespmem:s20+$0xFFFFFF50]  }
0x2e1: {  	v8 =	vadd.f32 v11, v10;
	v10 =	vadd.f32 v14, v13;
	v11 =	vld [tilespmem:s25+$0xFFFFFF50]  }
0x2e2: {  	v13 =	vld [tilespmem:s20+$0xFFFFFF60]  }
0x2e3: {  	v14 =	vld [tilespmem:s25+$0xFFFFFF70];
	v4 =	vadd.f32 v5, v4;
	v5 =	vadd.f32 v10, v8  }
0x2e4: {  	v8 =	vld [tilespmem:s25+$0xFFFFFF60]  }
0x2e5: {  	v10 =	vld [tilespmem:s20+$0xFFFFFF70];
	v4 =	vadd.f32 v5, v4  }
0x2e6: {  	v18 =	vld [tilespmem:s20+$0xFFFFFF10]  }
0x2e7: {  	v21 =	vmul.f32 v22, v21;
	s20 =	simm.s32 $0x23F0;
	v5 =	vperm.xlane v4, v0  }
0x2e8: {  	s5 =	simm.s32 $0xA3F0;
	v22 =	vmul.f32 v9, v6;
	v6 =	vld [tilespmem:s20+$0xFFFFFFA0];
	v12 =	vmul.f32 v15, v12  }
0x2e9: {  	v16 =	vmul.f32 v17, v16;
	v11 =	vmul.f32 v11, v7;
	v7 =	vld [tilespmem:s5+$0xFFFFFFA0];
	v19 =	vadd.f32 v4, v5  }
0x2ea: {  	v13 =	vmul.f32 v8, v13;
	v14 =	vmul.f32 v14, v10;
	v8 =	vld [tilespmem:s20+$0xFFFFFFB0]  }
0x2eb: {  	v17 =	vmul.f32 v20, v18;
	v18 =	vadd.f32 v12, v22;
	v10 =	vld [tilespmem:s20+$0xFFFFFFC0];
	v9 =	vperm.xlane v19, v1  }
0x2ec: {  	v4 =	vld [tilespmem:s20+$0xFFFFFF90];
	v13 =	vadd.f32 v13, v11;
	v14 =	vadd.f32 v16, v14  }
0x2ed: {  	v5 =	vld [tilespmem:s5+$0xFFFFFF90];
	v16 =	vadd.f32 v21, v17;
	v15 =	vadd.f32 v19, v9  }
0x2ee: {  	s26 =	simm.s32 $0x1;
	v11 =	vld [tilespmem:s5+$0xFFFFFFC0];
	v13 =	vadd.f32 v14, v13  }
0x2ef: {  	v16 =	vadd.f32 v18, v16;
	v14 =	vld [tilespmem:s5+$0xFFFFFFD0];
	v19 =	vmov s26;
	v12 =	vperm.xlane v15, v2  }
0x2f0: {  	v9 =	vld [tilespmem:s5+$0xFFFFFFB0];
	v17 =	vadd.s32 $0x140, v19  }
0x2f1: {  	v13 =	vadd.f32 v13, v16;
	v16 =	vld [tilespmem:s20+$0xFFFFFFF0];
	v20 =	vbroadcast v17, $0x0;
	v19 =	vadd.f32 v15, v12  }
0x2f2: {  	v17 =	vld [tilespmem:s5+$0xFFFFFFE0]  }
0x2f3: {  	v12 =	vld [tilespmem:s20+$0xFFFFFFD0];
	v18 =	vperm.xlane v19, v3  }
0x2f4: {  	v22 =	vperm.xlane v13, v0;
	v15 =	vld [tilespmem:s20+$0xFFFFFFE0]  }
0x2f5: {  	v21 =	vadd.f32 v19, v18;
	v18 =	vld [tilespmem:s5+$0xFFFFFFF0]  }
0x2f6: {  	v13 =	vadd.f32 v13, v22;
	v19 =	vld [tilespmem:s20+$0x0]  }
0x2f7: {  	s6 =	simm.s32 $0x4;
	s25 =	simm.s32 $0x2;
	[tilespmem:v20+s23+$0x0] =	vst.idx.msk $0x1, v21;
	v20 =	vld [tilespmem:s5+$0x0]  }
.LBB2_12:
0x2f8: {  	p0 =	slt.u32 s6, $0x3E;
	v21 =	vld [tilespmem:s5+$0xFFFFFF10];
	v22 =	vperm.xlane v13, v1  }
0x2f9: {  	v4 =	vmul.f32 v5, v4;
	v5 =	vmul.f32 v7, v6;
	v23 =	vld [tilespmem:s20+$0xFFFFFF20]  }
0x2fa: {  	v7 =	vmul.f32 v9, v8;
	v8 =	vmul.f32 v11, v10;
	v6 =	vld [tilespmem:s5+$0xFFFFFF20];
	v9 =	vadd.f32 v13, v22  }
0x2fb: {  	v11 =	vmul.f32 v14, v12;
	v12 =	vmul.f32 v17, v15;
	v13 =	vmov s19;
	s19 =	smov.u32 s25;
	s25 =	smov.u32 s6;
	v10 =	vld [tilespmem:s20+$0xFFFFFF30]  }
0x2fc: {  	v15 =	vmul.f32 v18, v16;
	v13 =	vadd.s32 $0x140, v13;
	v14 =	vld [tilespmem:s5+$0xFFFFFF30];
	v16 =	vmul.f32 v20, v19  }
0x2fd: {  	v4 =	vadd.f32 v5, v4;
	v5 =	vadd.f32 v8, v7;
	v7 =	vperm.xlane v9, v2;
	v17 =	vld [tilespmem:s20+$0xFFFFFF40]  }
0x2fe: {  	v11 =	vadd.f32 v12, v11;
	v13 =	vand.u32 $0xFFFFFFFE, v13;
	v8 =	vld [tilespmem:s5+$0xFFFFFF40];
	v12 =	vadd.f32 v16, v15  }
0x2ff: {  	v7 =	vadd.f32 v9, v7;
	v9 =	vbroadcast v13, $0x0;
	v15 =	vmul.f32 v6, v23;
	v6 =	vld [tilespmem:s20+$0xFFFFFF50]  }
0x300: {  	v4 =	vadd.f32 v5, v4;
	v13 =	vld [tilespmem:s5+$0xFFFFFF50];
	v5 =	vadd.f32 v12, v11  }
0x301: {  	v12 =	vperm.xlane v7, v3;
	v10 =	vmul.f32 v14, v10;
	v11 =	vld [tilespmem:s20+$0xFFFFFF60]  }
0x302: {  	v14 =	vld [tilespmem:s5+$0xFFFFFF60];
	v4 =	vadd.f32 v5, v4  }
0x303: {  	v7 =	vadd.f32 v7, v12;
	v5 =	vmul.f32 v8, v17;
	v8 =	vld [tilespmem:s20+$0xFFFFFF70]  }
0x304: {  	v12 =	vld [tilespmem:s5+$0xFFFFFF70];
	v16 =	vperm.xlane v4, v0  }
0x305: {  	v6 =	vmul.f32 v13, v6;
	v13 =	vld [tilespmem:s20+$0xFFFFFF80];
	v17 =	vadd.f32 v5, v10;
	[tilespmem:v9+s23+$0x0] =	vst.idx.msk $0x1, v7  }
0x306: {  	v9 =	vld [tilespmem:s5+$0xFFFFFF80];
	v7 =	vadd.f32 v4, v16  }
0x307: {  	v10 =	vld [tilespmem:s20+$0xFFFFFF10];
	v11 =	vmul.f32 v14, v11;
	s20 =	sadd.s32 $0x100, s20  }
0x308: {  	s5 =	sadd.s32 $0x100, s5;
	v4 =	vld [tilespmem:s20+$0xFFFFFF90];
	v14 =	vperm.xlane v7, v1  }
0x309: {  	v5 =	vld [tilespmem:s5+$0xFFFFFF90];
	v12 =	vmul.f32 v12, v8;
	v16 =	vadd.f32 v11, v6  }
0x30a: {  	v6 =	vld [tilespmem:s20+$0xFFFFFFA0];
	v11 =	vadd.f32 v7, v14  }
0x30b: {  	s26 =	sadd.s32 $0x1, s19;
	v7 =	vld [tilespmem:s5+$0xFFFFFFA0];
	v13 =	vmul.f32 v9, v13  }
0x30c: {  	v8 =	vld [tilespmem:s20+$0xFFFFFFB0];
	v14 =	vmul.f32 v21, v10;
	v18 =	vperm.xlane v11, v2;
	v10 =	vmov s26  }
0x30d: {  	v9 =	vld [tilespmem:s5+$0xFFFFFFB0];
	v12 =	vadd.f32 v13, v12;
	v13 =	vadd.s32 $0x140, v10  }
0x30e: {  	v10 =	vld [tilespmem:s20+$0xFFFFFFC0];
	v14 =	vadd.f32 v15, v14;
	v18 =	vadd.f32 v11, v18;
	v13 =	vbroadcast v13, $0x0  }
0x30f: {  	v11 =	vld [tilespmem:s5+$0xFFFFFFC0];
	v16 =	vadd.f32 v12, v16  }
0x310: {  	v12 =	vld [tilespmem:s20+$0xFFFFFFD0];
	v17 =	vadd.f32 v17, v14;
	v19 =	vperm.xlane v18, v3  }
0x311: {  	v14 =	vld [tilespmem:s5+$0xFFFFFFD0]  }
0x312: {  	v15 =	vld [tilespmem:s20+$0xFFFFFFE0];
	v20 =	vadd.f32 v16, v17;
	v18 =	vadd.f32 v18, v19  }
.Ltmp5:
0x313: {  	v17 =	vld [tilespmem:s5+$0xFFFFFFE0];
	(pc) =	sbr.rel @p0 .LBB2_12-.Ltmp5, $4  }
0x314: {  	v16 =	vld [tilespmem:s20+$0xFFFFFFF0];
	v21 =	vperm.xlane v20, v0;
	[tilespmem:v13+s23+$0x0] =	vst.idx.msk $0x1, v18  }
0x315: {  	v18 =	vld [tilespmem:s5+$0xFFFFFFF0]  }
0x316: {  	v19 =	vld [tilespmem:s20+$0x0];
	v13 =	vadd.f32 v20, v21  }
0x317: {  	s6 =	sadd.s32 $0x2, s6;
	v20 =	vld [tilespmem:s5+$0x0]  }
0x318: {  	v21 =	vld [tilespmem:s5+$0xFFFFFF10]  }
0x319: {  	v22 =	vld [tilespmem:s20+$0xFFFFFF20]  }
0x31a: {  	v23 =	vld [tilespmem:s5+$0xFFFFFF20]  }
0x31b: {  	v24 =	vld [tilespmem:s20+$0xFFFFFF30]  }
0x31c: {  	v25 =	vld [tilespmem:s5+$0xFFFFFF30]  }
0x31d: {  	v26 =	vld [tilespmem:s20+$0xFFFFFF40]  }
0x31e: {  	v27 =	vld [tilespmem:s5+$0xFFFFFF40]  }
0x31f: {  	v28 =	vld [tilespmem:s20+$0xFFFFFF50]  }
0x320: {  	v29 =	vld [tilespmem:s5+$0xFFFFFF50]  }
0x321: {  	v30 =	vld [tilespmem:s20+$0xFFFFFF60]  }
0x322: {  	v31 =	vld [tilespmem:s5+$0xFFFFFF60]  }
0x323: {  	v32 =	vld [tilespmem:s20+$0xFFFFFF70]  }
0x324: {  	v33 =	vld [tilespmem:s5+$0xFFFFFF70]  }
0x325: {  	v4 =	vmul.f32 v5, v4;
	v5 =	vmul.f32 v7, v6;
	v6 =	vld [tilespmem:s20+$0xFFFFFF80]  }
0x326: {  	v7 =	vmul.f32 v9, v8;
	v8 =	vmul.f32 v11, v10;
	v9 =	vld [tilespmem:s5+$0xFFFFFF80]  }
0x327: {  	v10 =	vmul.f32 v14, v12;
	v11 =	vmul.f32 v17, v15;
	v12 =	vld [tilespmem:s20+$0xFFFFFF10]  }
0x328: {  	v14 =	vmul.f32 v18, v16;
	v15 =	vmul.f32 v20, v19  }
0x329: {  	v4 =	vadd.f32 v5, v4;
	v5 =	vmul.f32 v23, v22;
	v16 =	vmul.f32 v25, v24  }
0x32a: {  	v7 =	vadd.f32 v8, v7;
	v8 =	vmul.f32 v27, v26;
	v17 =	vmul.f32 v29, v28  }
0x32b: {  	v10 =	vadd.f32 v11, v10;
	v11 =	vmul.f32 v31, v30;
	v18 =	vmul.f32 v33, v32  }
0x32c: {  	v6 =	vmul.f32 v9, v6;
	v9 =	vmul.f32 v21, v12;
	v14 =	vadd.f32 v15, v14  }
0x32d: {  	v8 =	vadd.f32 v8, v16;
	v11 =	vadd.f32 v11, v17  }
0x32e: {  	v6 =	vadd.f32 v6, v18;
	v5 =	vadd.f32 v5, v9  }
0x32f: {  	v4 =	vadd.f32 v7, v4;
	v7 =	vadd.f32 v14, v10  }
0x330: {  	v6 =	vadd.f32 v6, v11;
	v5 =	vadd.f32 v8, v5  }
0x331: {  	v4 =	vadd.f32 v7, v4  }
0x332: {  	v5 =	vadd.f32 v6, v5  }
0x333: {  	v6 =	vperm.xlane v4, v0  }
0x334: {  	v7 =	vperm.xlane v13, v1;
	v8 =	vperm.xlane v5, v0  }
0x335: {  	v4 =	vadd.f32 v4, v6  }
0x336: {  	v6 =	vadd.f32 v13, v7;
	v5 =	vadd.f32 v5, v8  }
0x337: {  	v7 =	vmov s19;
	v8 =	vperm.xlane v4, v1  }
0x338: {  	v7 =	vadd.s32 $0x140, v7;
	v9 =	vperm.xlane v6, v2;
	v10 =	vperm.xlane v5, v1  }
0x339: {  	v7 =	vand.u32 $0xFFFFFFFE, v7;
	v4 =	vadd.f32 v4, v8  }
0x33a: {  	s6 =	sadd.s32 $0x1, s25;
	v7 =	vbroadcast v7, $0x0;
	v6 =	vadd.f32 v6, v9;
	v5 =	vadd.f32 v5, v10  }
0x33b: {  	v9 =	vmov s6;
	v10 =	vmov s25;
	v8 =	vperm.xlane v4, v2  }
0x33c: {  	v9 =	vadd.s32 $0x140, v9;
	v10 =	vadd.s32 $0x140, v10;
	v11 =	vperm.xlane v5, v2  }
0x33d: {  	v4 =	vadd.f32 v4, v8;
	v8 =	vbroadcast v9, $0x0;
	v9 =	vand.u32 $0xFFFFFFFE, v10  }
0x33e: {  	v10 =	vperm.xlane v6, v3;
	v5 =	vadd.f32 v5, v11;
	v9 =	vbroadcast v9, $0x0  }
0x33f: {  	v11 =	vperm.xlane v4, v3  }
0x340: {  	v6 =	vadd.f32 v6, v10;
	v10 =	vperm.xlane v5, v3  }
0x341: {  	v4 =	vadd.f32 v4, v11  }
0x342: {  	[tilespmem:v7+s23+$0x0] =	vst.idx.msk $0x1, v6;
	v5 =	vadd.f32 v5, v10  }
0x343: {  	[tilespmem:v8+s23+$0x0] =	vst.idx.msk $0x1, v4  }
0x344: {  	s19 =	simm.s32 $0x1C0;
	[tilespmem:v9+s23+$0x0] =	vst.idx.msk $0x1, v5  }
0x345: {  	[tilespmem:s31], [sflag:$0x4] =	stream.indirect.gather [hbm4b:s2+s17], $0x80, s19, s17, $0xb8;
	[tilespmem:$0x10400] =	vst v63  }
0x346: {  	s19 =	simm.s32 $0x0  }
0x347: {  	[tilespmem:s0], [sflag:$0x8] =	stream.linear.gather [hbm4b:s12+s19], $0x2000, $0x38;
	[tilespmem:$0x10400] =	vst v63  }
0x348: {  	_ =	swait.ge [sflag:s1], $0x2000  }
0x349: {  	[sflag:s1] =	ssyncset.done $0x0  }
0x34a: {  	[sflag:s1] =	ssyncadd.s32 $0xFFFFE000  }
0x34b: {  	_ =	swait.ge [sflag:s24], $0x2000  }
0x34c: {  	[sflag:s24] =	ssyncset.done $0x0  }
0x34d: {  	s20 =	simm.s32 $0x0;
	[sflag:s24] =	ssyncadd.s32 $0xFFFFE000  }
0x34e: {  	v4 =	vld [tilespmem:s20+$0x4280]  }
0x34f: {  	v5 =	vld [tilespmem:s20+$0xC280]  }
0x350: {  	v6 =	vld [tilespmem:s20+$0x4290]  }
0x351: {  	v7 =	vld [tilespmem:s20+$0xC290]  }
0x352: {  	v8 =	vld [tilespmem:s20+$0x42A0]  }
0x353: {  	v9 =	vld [tilespmem:s20+$0xC2A0]  }
0x354: {  	v10 =	vld [tilespmem:s20+$0x42B0]  }
0x355: {  	v11 =	vld [tilespmem:s20+$0xC2B0]  }
0x356: {  	v12 =	vld [tilespmem:s20+$0x42C0]  }
0x357: {  	v13 =	vld [tilespmem:s20+$0xC2C0]  }
0x358: {  	v14 =	vld [tilespmem:s20+$0x42D0]  }
0x359: {  	v15 =	vld [tilespmem:s20+$0xC2D0]  }
0x35a: {  	v16 =	vld [tilespmem:s20+$0x42E0]  }
0x35b: {  	v17 =	vld [tilespmem:s20+$0xC2E0]  }
0x35c: {  	v18 =	vld [tilespmem:s20+$0x42F0]  }
0x35d: {  	v19 =	vld [tilespmem:s20+$0xC2F0]  }
0x35e: {  	v20 =	vld [tilespmem:s20+$0x4200]  }
0x35f: {  	v60 =	vld [tilespmem:s20+$0xC200]  }
0x360: {  	v61 =	vld [tilespmem:s20+$0x4210]  }
0x361: {  	v4 =	vmul.f32 v5, v4;
	v5 =	vmul.f32 v7, v6;
	v6 =	vld [tilespmem:s20+$0xC210]  }
0x362: {  	v7 =	vmul.f32 v9, v8;
	v9 =	vld [tilespmem:s20+$0x4220]  }
0x363: {  	v8 =	vmul.f32 v11, v10;
	v10 =	vmul.f32 v13, v12;
	v12 =	vld [tilespmem:s20+$0xC220]  }
0x364: {  	v11 =	vmul.f32 v15, v14;
	v15 =	vld [tilespmem:s20+$0x4230]  }
0x365: {  	v13 =	vmul.f32 v17, v16;
	v14 =	vmul.f32 v19, v18;
	v16 =	vld [tilespmem:s20+$0xC260]  }
0x366: {  	v17 =	vld [tilespmem:s20+$0x4270];
	v4 =	vadd.f32 v5, v4;
	v5 =	vadd.f32 v8, v7  }
0x367: {  	v18 =	vld [tilespmem:s20+$0xC270];
	v8 =	vadd.f32 v11, v10;
	v10 =	vadd.f32 v14, v13  }
0x368: {  	v7 =	vld [tilespmem:s20+$0xC230]  }
0x369: {  	v11 =	vld [tilespmem:s20+$0x4240];
	v4 =	vadd.f32 v5, v4;
	v5 =	vadd.f32 v10, v8  }
0x36a: {  	v8 =	vld [tilespmem:s20+$0x4250]  }
0x36b: {  	v10 =	vld [tilespmem:s20+$0xC250];
	v4 =	vadd.f32 v5, v4  }
0x36c: {  	v13 =	vld [tilespmem:s20+$0xC240]  }
0x36d: {  	v14 =	vld [tilespmem:s20+$0x4260];
	v5 =	vperm.xlane v4, v0  }
0x36e: {  	s25 =	simm.s32 $0x100;
	v19 =	vmul.f32 v60, v20;
	v62 =	vmul.f32 v6, v61  }
0x36f: {  	v9 =	vmul.f32 v12, v9;
	v6 =	vld [tilespmem:s25+$0x4290];
	v12 =	vmul.f32 v7, v15;
	v20 =	vadd.f32 v4, v5  }
0x370: {  	v10 =	vmul.f32 v10, v8;
	v8 =	vld [tilespmem:s25+$0xC290]  }
0x371: {  	v11 =	vmul.f32 v13, v11;
	v12 =	vadd.f32 v12, v9;
	v9 =	vld [tilespmem:s25+$0xC2A0];
	v7 =	vperm.xlane v20, v1  }
0x372: {  	v13 =	vmul.f32 v16, v14;
	v16 =	vmul.f32 v18, v17;
	v4 =	vld [tilespmem:s25+$0x4280]  }
0x373: {  	s26 =	simm.s32 $0x1;
	v15 =	vadd.f32 v62, v19;
	v5 =	vld [tilespmem:s25+$0xC280];
	v14 =	vadd.f32 v20, v7  }
0x374: {  	v18 =	vmov s26;
	v13 =	vadd.f32 v16, v13;
	v17 =	vadd.f32 v10, v11;
	v10 =	vld [tilespmem:s25+$0x42B0]  }
0x375: {  	v16 =	vadd.f32 v12, v15;
	v15 =	vadd.s32 $0x180, v18;
	v12 =	vld [tilespmem:s25+$0xC2B0];
	v11 =	vperm.xlane v14, v2  }
0x376: {  	v19 =	vbroadcast v15, $0x0;
	v15 =	vld [tilespmem:s25+$0x42D0]  }
0x377: {  	v17 =	vadd.f32 v13, v17;
	v13 =	vld [tilespmem:s25+$0xC2C0];
	v14 =	vadd.f32 v14, v11  }
0x378: {  	v7 =	vld [tilespmem:s25+$0x42A0]  }
0x379: {  	v20 =	vadd.f32 v17, v16;
	v17 =	vld [tilespmem:s25+$0xC2D0];
	v18 =	vperm.xlane v14, v3  }
0x37a: {  	v16 =	vld [tilespmem:s25+$0x42E0]  }
0x37b: {  	v63 =	vperm.xlane v20, v0;
	v11 =	vld [tilespmem:s25+$0x42C0];
	v14 =	vadd.f32 v14, v18  }
0x37c: {  	v18 =	vld [tilespmem:s25+$0xC2E0]  }
0x37d: {  	s5 =	simm.s32 $0x400;
	s6 =	simm.s32 $0x4;
	s20 =	simm.s32 $0x2;
	[tilespmem:v19+s23+$0x0] =	vst.idx.msk $0x1, v14;
	v19 =	vld [tilespmem:s25+$0x42F0];
	v14 =	vadd.f32 v20, v63  }
.LBB2_14:
0x37e: {  	p0 =	slt.u32 s6, $0x3E;
	v20 =	vld [tilespmem:s25+$0xC2F0]  }
0x37f: {  	v21 =	vld [tilespmem:s25+$0x4200];
	v22 =	vperm.xlane v14, v1  }
0x380: {  	v4 =	vmul.f32 v5, v4;
	v5 =	vmul.f32 v8, v6;
	v6 =	vmov s19;
	s19 =	smov.u32 s20;
	s20 =	smov.u32 s6;
	v23 =	vld [tilespmem:s25+$0xC200]  }
0x381: {  	v7 =	vmul.f32 v9, v7;
	v9 =	vmul.f32 v12, v10;
	v8 =	vld [tilespmem:s25+$0x4210];
	v10 =	vadd.f32 v14, v22  }
0x382: {  	v11 =	vmul.f32 v13, v11;
	v13 =	vmul.f32 v17, v15;
	v6 =	vadd.s32 $0x180, v6;
	v12 =	vld [tilespmem:s25+$0xC210]  }
0x383: {  	v6 =	vand.u32 $0xFFFFFFFE, v6;
	v15 =	vmul.f32 v18, v16;
	v14 =	vld [tilespmem:s25+$0x4220];
	v16 =	vmul.f32 v20, v19  }
0x384: {  	v4 =	vadd.f32 v5, v4;
	v5 =	vadd.f32 v9, v7;
	v7 =	vperm.xlane v10, v2;
	v17 =	vld [tilespmem:s25+$0xC220]  }
0x385: {  	v11 =	vadd.f32 v13, v11;
	v9 =	vmul.f32 v23, v21;
	v18 =	vld [tilespmem:s25+$0x4230];
	v13 =	vadd.f32 v16, v15  }
0x386: {  	v6 =	vbroadcast v6, $0x0;
	v7 =	vadd.f32 v10, v7;
	v15 =	vld [tilespmem:s25+$0xC230]  }
0x387: {  	v4 =	vadd.f32 v5, v4;
	v8 =	vmul.f32 v12, v8;
	v10 =	vld [tilespmem:s25+$0x4240];
	v5 =	vadd.f32 v13, v11  }
0x388: {  	v12 =	vperm.xlane v7, v3;
	v11 =	vld [tilespmem:s25+$0xC240]  }
0x389: {  	v13 =	vmul.f32 v17, v14;
	v14 =	vld [tilespmem:s25+$0x4250];
	v8 =	vadd.f32 v8, v9;
	v4 =	vadd.f32 v5, v4  }
0x38a: {  	v7 =	vadd.f32 v7, v12;
	v5 =	vld [tilespmem:s25+$0xC250]  }
0x38b: {  	v9 =	vmul.f32 v15, v18;
	v12 =	vld [tilespmem:s25+$0x4260];
	v15 =	vperm.xlane v4, v0  }
0x38c: {  	v16 =	vld [tilespmem:s25+$0xC260];
	[tilespmem:v6+s23+$0x0] =	vst.idx.msk $0x1, v7  }
0x38d: {  	s5 =	sadd.s32 $0x400, s5;
	v7 =	vmul.f32 v11, v10;
	v10 =	vld [tilespmem:s25+$0x4270];
	v6 =	vadd.f32 v9, v13;
	v9 =	vadd.f32 v4, v15  }
0x38e: {  	v11 =	vld [tilespmem:s25+$0xC270];
	s25 =	sshra.s32 s5, $0x2  }
0x38f: {  	v4 =	vld [tilespmem:s25+$0x4280];
	v13 =	vmul.f32 v5, v14;
	v14 =	vadd.f32 v6, v8;
	v8 =	vperm.xlane v9, v1  }
0x390: {  	v5 =	vld [tilespmem:s25+$0xC280]  }
0x391: {  	v6 =	vld [tilespmem:s25+$0x4290];
	v12 =	vmul.f32 v16, v12;
	v13 =	vadd.f32 v13, v7;
	v15 =	vadd.f32 v9, v8  }
0x392: {  	s26 =	sadd.s32 $0x1, s19;
	v8 =	vld [tilespmem:s25+$0xC290]  }
0x393: {  	v7 =	vld [tilespmem:s25+$0x42A0];
	v11 =	vmul.f32 v11, v10;
	v16 =	vperm.xlane v15, v2;
	v10 =	vmov s26  }
0x394: {  	v9 =	vld [tilespmem:s25+$0xC2A0];
	v17 =	vadd.s32 $0x180, v10  }
0x395: {  	v10 =	vld [tilespmem:s25+$0x42B0];
	v18 =	vadd.f32 v11, v12;
	v16 =	vadd.f32 v15, v16;
	v19 =	vbroadcast v17, $0x0  }
0x396: {  	v12 =	vld [tilespmem:s25+$0xC2B0]  }
0x397: {  	v11 =	vld [tilespmem:s25+$0x42C0];
	v17 =	vadd.f32 v18, v13;
	v18 =	vperm.xlane v16, v3  }
0x398: {  	v13 =	vld [tilespmem:s25+$0xC2C0]  }
.Ltmp6:
0x399: {  	v15 =	vld [tilespmem:s25+$0x42D0];
	v14 =	vadd.f32 v17, v14;
	v18 =	vadd.f32 v16, v18;
	(pc) =	sbr.rel @p0 .LBB2_14-.Ltmp6, $4  }
0x39a: {  	v17 =	vld [tilespmem:s25+$0xC2D0]  }
0x39b: {  	v16 =	vld [tilespmem:s25+$0x42E0];
	v20 =	vperm.xlane v14, v0;
	[tilespmem:v19+s23+$0x0] =	vst.idx.msk $0x1, v18  }
0x39c: {  	v18 =	vld [tilespmem:s25+$0xC2E0]  }
0x39d: {  	s6 =	sadd.s32 $0x2, s6;
	v19 =	vld [tilespmem:s25+$0x42F0];
	v14 =	vadd.f32 v14, v20  }
0x39e: {  	v20 =	vld [tilespmem:s25+$0xC2F0]  }
0x39f: {  	v21 =	vld [tilespmem:s25+$0x4200]  }
0x3a0: {  	v22 =	vld [tilespmem:s25+$0xC200]  }
0x3a1: {  	v23 =	vld [tilespmem:s25+$0x4210]  }
0x3a2: {  	v24 =	vld [tilespmem:s25+$0xC210]  }
0x3a3: {  	v25 =	vld [tilespmem:s25+$0x4220]  }
0x3a4: {  	v26 =	vld [tilespmem:s25+$0xC220]  }
0x3a5: {  	v27 =	vld [tilespmem:s25+$0x4230]  }
0x3a6: {  	v28 =	vld [tilespmem:s25+$0xC230]  }
0x3a7: {  	v29 =	vld [tilespmem:s25+$0x4240]  }
0x3a8: {  	v30 =	vld [tilespmem:s25+$0xC240]  }
0x3a9: {  	v31 =	vld [tilespmem:s25+$0x4250]  }
0x3aa: {  	v32 =	vld [tilespmem:s25+$0xC250]  }
0x3ab: {  	v33 =	vld [tilespmem:s25+$0x4260]  }
0x3ac: {  	v4 =	vmul.f32 v5, v4;
	v5 =	vmul.f32 v8, v6;
	v6 =	vld [tilespmem:s25+$0xC260]  }
0x3ad: {  	v7 =	vmul.f32 v9, v7;
	v8 =	vmul.f32 v12, v10;
	v9 =	vld [tilespmem:s25+$0x4270]  }
0x3ae: {  	v10 =	vmul.f32 v13, v11;
	v12 =	vld [tilespmem:s25+$0xC270];
	v11 =	vmul.f32 v17, v15  }
0x3af: {  	v13 =	vmul.f32 v18, v16;
	v15 =	vmul.f32 v20, v19  }
0x3b0: {  	v4 =	vadd.f32 v5, v4;
	v5 =	vmul.f32 v22, v21;
	v16 =	vmul.f32 v24, v23  }
0x3b1: {  	v7 =	vadd.f32 v8, v7;
	v8 =	vmul.f32 v26, v25;
	v17 =	vmul.f32 v28, v27  }
0x3b2: {  	v10 =	vadd.f32 v11, v10;
	v11 =	vmul.f32 v30, v29;
	v18 =	vmul.f32 v32, v31  }
0x3b3: {  	v6 =	vmul.f32 v6, v33;
	v9 =	vmul.f32 v12, v9;
	v13 =	vadd.f32 v15, v13  }
0x3b4: {  	v5 =	vadd.f32 v16, v5;
	v8 =	vadd.f32 v17, v8  }
0x3b5: {  	v11 =	vadd.f32 v18, v11;
	v6 =	vadd.f32 v9, v6  }
0x3b6: {  	v4 =	vadd.f32 v7, v4;
	v7 =	vadd.f32 v13, v10  }
0x3b7: {  	v5 =	vadd.f32 v8, v5;
	v6 =	vadd.f32 v6, v11  }
0x3b8: {  	v4 =	vadd.f32 v7, v4  }
0x3b9: {  	v5 =	vadd.f32 v6, v5  }
0x3ba: {  	v6 =	vperm.xlane v4, v0  }
0x3bb: {  	v7 =	vperm.xlane v14, v1;
	v8 =	vperm.xlane v5, v0  }
0x3bc: {  	v4 =	vadd.f32 v4, v6  }
0x3bd: {  	v6 =	vadd.f32 v14, v7;
	v5 =	vadd.f32 v5, v8  }
0x3be: {  	v7 =	vmov s19;
	v8 =	vperm.xlane v4, v1  }
0x3bf: {  	v7 =	vadd.s32 $0x180, v7;
	v9 =	vperm.xlane v6, v2;
	v10 =	vperm.xlane v5, v1  }
0x3c0: {  	v7 =	vand.u32 $0xFFFFFFFE, v7;
	v4 =	vadd.f32 v4, v8  }
0x3c1: {  	s5 =	sadd.s32 $0x1, s20;
	v7 =	vbroadcast v7, $0x0;
	v6 =	vadd.f32 v6, v9;
	v5 =	vadd.f32 v5, v10  }
0x3c2: {  	v9 =	vmov s5;
	v10 =	vmov s20;
	v8 =	vperm.xlane v4, v2  }
0x3c3: {  	v9 =	vadd.s32 $0x180, v9;
	v10 =	vadd.s32 $0x180, v10;
	v11 =	vperm.xlane v5, v2  }
0x3c4: {  	v4 =	vadd.f32 v4, v8;
	v8 =	vbroadcast v9, $0x0;
	v9 =	vand.u32 $0xFFFFFFFE, v10  }
0x3c5: {  	v10 =	vperm.xlane v6, v3;
	v5 =	vadd.f32 v5, v11;
	v9 =	vbroadcast v9, $0x0  }
0x3c6: {  	v11 =	vperm.xlane v4, v3  }
0x3c7: {  	v6 =	vadd.f32 v6, v10;
	v10 =	vperm.xlane v5, v3  }
0x3c8: {  	v4 =	vadd.f32 v4, v11  }
0x3c9: {  	[tilespmem:v7+s23+$0x0] =	vst.idx.msk $0x1, v6;
	v5 =	vadd.f32 v5, v10  }
0x3ca: {  	[tilespmem:v8+s23+$0x0] =	vst.idx.msk $0x1, v4  }
0x3cb: {  	[tilespmem:v9+s23+$0x0] =	vst.idx.msk $0x1, v5  }
0x3cc: {  	_ =	swait.ge [sflag:s30], $0x2000  }
0x3cd: {  	[sflag:s30] =	ssyncset.done $0x0  }
0x3ce: {  	[sflag:s30] =	ssyncadd.s32 $0xFFFFE000  }
0x3cf: {  	_ =	swait.ge [sflag:s15], $0x2000  }
0x3d0: {  	[sflag:s15] =	ssyncset.done $0x0  }
0x3d1: {  	s25 =	simm.s32 $0x0;
	[sflag:s15] =	ssyncadd.s32 $0xFFFFE000  }
0x3d2: {  	v4 =	vld [tilespmem:s25+$0x6280]  }
0x3d3: {  	v5 =	vld [tilespmem:s25+$0xE280]  }
0x3d4: {  	v6 =	vld [tilespmem:s25+$0x6290]  }
0x3d5: {  	v7 =	vld [tilespmem:s25+$0xE290]  }
0x3d6: {  	v8 =	vld [tilespmem:s25+$0x62A0]  }
0x3d7: {  	v9 =	vld [tilespmem:s25+$0xE2A0]  }
0x3d8: {  	v10 =	vld [tilespmem:s25+$0x62B0]  }
0x3d9: {  	v11 =	vld [tilespmem:s25+$0xE2B0]  }
0x3da: {  	v12 =	vld [tilespmem:s25+$0x62C0]  }
0x3db: {  	v13 =	vld [tilespmem:s25+$0xE2C0]  }
0x3dc: {  	v14 =	vld [tilespmem:s25+$0x62D0]  }
0x3dd: {  	v15 =	vld [tilespmem:s25+$0xE2D0]  }
0x3de: {  	v16 =	vld [tilespmem:s25+$0x62E0]  }
0x3df: {  	v17 =	vld [tilespmem:s25+$0xE2E0]  }
0x3e0: {  	v18 =	vld [tilespmem:s25+$0x62F0]  }
0x3e1: {  	v19 =	vld [tilespmem:s25+$0xE2F0]  }
0x3e2: {  	v20 =	vld [tilespmem:s25+$0x6200]  }
0x3e3: {  	v60 =	vld [tilespmem:s25+$0xE200]  }
0x3e4: {  	v61 =	vld [tilespmem:s25+$0x6210]  }
0x3e5: {  	v4 =	vmul.f32 v5, v4;
	v5 =	vmul.f32 v7, v6;
	v6 =	vld [tilespmem:s25+$0xE210]  }
0x3e6: {  	v7 =	vmul.f32 v9, v8;
	v9 =	vld [tilespmem:s25+$0x6220]  }
0x3e7: {  	v8 =	vmul.f32 v11, v10;
	v10 =	vmul.f32 v13, v12;
	v12 =	vld [tilespmem:s25+$0xE220]  }
0x3e8: {  	v11 =	vmul.f32 v15, v14;
	v15 =	vld [tilespmem:s25+$0x6230]  }
0x3e9: {  	v13 =	vmul.f32 v17, v16;
	v14 =	vmul.f32 v19, v18;
	v16 =	vld [tilespmem:s25+$0xE260]  }
0x3ea: {  	v17 =	vld [tilespmem:s25+$0x6270];
	v4 =	vadd.f32 v5, v4;
	v5 =	vadd.f32 v8, v7  }
0x3eb: {  	v18 =	vld [tilespmem:s25+$0xE270];
	v8 =	vadd.f32 v11, v10;
	v10 =	vadd.f32 v14, v13  }
0x3ec: {  	v7 =	vld [tilespmem:s25+$0xE230]  }
0x3ed: {  	v11 =	vld [tilespmem:s25+$0x6240];
	v4 =	vadd.f32 v5, v4;
	v5 =	vadd.f32 v10, v8  }
0x3ee: {  	v8 =	vld [tilespmem:s25+$0x6250]  }
0x3ef: {  	v10 =	vld [tilespmem:s25+$0xE250];
	v4 =	vadd.f32 v5, v4  }
0x3f0: {  	v13 =	vld [tilespmem:s25+$0xE240]  }
0x3f1: {  	v14 =	vld [tilespmem:s25+$0x6260];
	v5 =	vperm.xlane v4, v0  }
0x3f2: {  	s20 =	simm.s32 $0x100;
	v19 =	vmul.f32 v60, v20;
	v62 =	vmul.f32 v6, v61  }
0x3f3: {  	v9 =	vmul.f32 v12, v9;
	v6 =	vld [tilespmem:s20+$0x6290];
	v12 =	vmul.f32 v7, v15;
	v20 =	vadd.f32 v4, v5  }
0x3f4: {  	v10 =	vmul.f32 v10, v8;
	v8 =	vld [tilespmem:s20+$0xE290]  }
0x3f5: {  	v11 =	vmul.f32 v13, v11;
	v12 =	vadd.f32 v12, v9;
	v9 =	vld [tilespmem:s20+$0xE2A0];
	v7 =	vperm.xlane v20, v1  }
0x3f6: {  	v13 =	vmul.f32 v16, v14;
	v16 =	vmul.f32 v18, v17;
	v4 =	vld [tilespmem:s20+$0x6280]  }
0x3f7: {  	s26 =	simm.s32 $0x1;
	v15 =	vadd.f32 v62, v19;
	v5 =	vld [tilespmem:s20+$0xE280];
	v14 =	vadd.f32 v20, v7  }
0x3f8: {  	v18 =	vmov s26;
	v13 =	vadd.f32 v16, v13;
	v17 =	vadd.f32 v10, v11;
	v10 =	vld [tilespmem:s20+$0x62B0]  }
0x3f9: {  	v16 =	vadd.s32 $0x1C0, v18;
	v15 =	vadd.f32 v12, v15;
	v12 =	vld [tilespmem:s20+$0xE2B0];
	v11 =	vperm.xlane v14, v2  }
0x3fa: {  	v19 =	vbroadcast v16, $0x0;
	v16 =	vadd.f32 v13, v17;
	v13 =	vld [tilespmem:s20+$0xE2C0]  }
0x3fb: {  	v17 =	vld [tilespmem:s20+$0xE2D0];
	v18 =	vadd.f32 v14, v11  }
0x3fc: {  	v7 =	vld [tilespmem:s20+$0x62A0]  }
0x3fd: {  	v15 =	vadd.f32 v16, v15;
	v16 =	vld [tilespmem:s20+$0x62E0];
	v20 =	vperm.xlane v18, v3  }
0x3fe: {  	v11 =	vld [tilespmem:s20+$0x62C0]  }
0x3ff: {  	v63 =	vperm.xlane v15, v0;
	v14 =	vld [tilespmem:s20+$0x62D0];
	v20 =	vadd.f32 v18, v20  }
0x400: {  	s6 =	simm.s32 $0x4;
	v18 =	vld [tilespmem:s20+$0xE2E0]  }
0x401: {  	s19 =	simm.s32 $0x2;
	s5 =	simm.s32 $0x0;
	s25 =	simm.s32 $0x400;
	v15 =	vadd.f32 v15, v63;
	[tilespmem:v19+s23+$0x0] =	vst.idx.msk $0x1, v20;
	v19 =	vld [tilespmem:s20+$0x62F0]  }
.LBB2_16:
0x402: {  	p0 =	slt.u32 s6, $0x3E;
	v20 =	vld [tilespmem:s20+$0xE2F0]  }
0x403: {  	v21 =	vld [tilespmem:s20+$0x6200];
	v22 =	vperm.xlane v15, v1  }
0x404: {  	v4 =	vmul.f32 v5, v4;
	v5 =	vmul.f32 v8, v6;
	v6 =	vmov s5;
	s5 =	smov.u32 s19;
	s19 =	smov.u32 s6;
	v23 =	vld [tilespmem:s20+$0xE200]  }
0x405: {  	v7 =	vmul.f32 v9, v7;
	v9 =	vmul.f32 v12, v10;
	v8 =	vld [tilespmem:s20+$0x6210];
	v10 =	vadd.f32 v15, v22  }
0x406: {  	v11 =	vmul.f32 v13, v11;
	v13 =	vmul.f32 v17, v14;
	v6 =	vadd.s32 $0x1C0, v6;
	v12 =	vld [tilespmem:s20+$0xE210]  }
0x407: {  	v6 =	vand.u32 $0xFFFFFFFE, v6;
	v15 =	vmul.f32 v18, v16;
	v14 =	vld [tilespmem:s20+$0x6220];
	v16 =	vmul.f32 v20, v19  }
0x408: {  	v4 =	vadd.f32 v5, v4;
	v5 =	vadd.f32 v9, v7;
	v7 =	vperm.xlane v10, v2;
	v17 =	vld [tilespmem:s20+$0xE220]  }
0x409: {  	v11 =	vadd.f32 v13, v11;
	v9 =	vmul.f32 v23, v21;
	v18 =	vld [tilespmem:s20+$0x6230];
	v13 =	vadd.f32 v16, v15  }
0x40a: {  	v6 =	vbroadcast v6, $0x0;
	v7 =	vadd.f32 v10, v7;
	v15 =	vld [tilespmem:s20+$0xE230]  }
0x40b: {  	v4 =	vadd.f32 v5, v4;
	v8 =	vmul.f32 v12, v8;
	v10 =	vld [tilespmem:s20+$0x6240];
	v5 =	vadd.f32 v13, v11  }
0x40c: {  	v12 =	vperm.xlane v7, v3;
	v11 =	vld [tilespmem:s20+$0xE240]  }
0x40d: {  	v13 =	vmul.f32 v17, v14;
	v14 =	vld [tilespmem:s20+$0x6250];
	v8 =	vadd.f32 v8, v9;
	v4 =	vadd.f32 v5, v4  }
0x40e: {  	v7 =	vadd.f32 v7, v12;
	v5 =	vld [tilespmem:s20+$0xE250]  }
0x40f: {  	v9 =	vmul.f32 v15, v18;
	v12 =	vld [tilespmem:s20+$0x6260];
	v15 =	vperm.xlane v4, v0  }
0x410: {  	v16 =	vld [tilespmem:s20+$0xE260];
	[tilespmem:v6+s23+$0x0] =	vst.idx.msk $0x1, v7  }
0x411: {  	s25 =	sadd.s32 $0x400, s25;
	v7 =	vmul.f32 v11, v10;
	v10 =	vld [tilespmem:s20+$0x6270];
	v6 =	vadd.f32 v9, v13;
	v9 =	vadd.f32 v4, v15  }
0x412: {  	v11 =	vld [tilespmem:s20+$0xE270];
	s20 =	sshra.s32 s25, $0x2  }
0x413: {  	v4 =	vld [tilespmem:s20+$0x6280];
	v13 =	vmul.f32 v5, v14;
	v15 =	vadd.f32 v6, v8;
	v8 =	vperm.xlane v9, v1  }
0x414: {  	v5 =	vld [tilespmem:s20+$0xE280]  }
0x415: {  	v6 =	vld [tilespmem:s20+$0x6290];
	v12 =	vmul.f32 v16, v12;
	v13 =	vadd.f32 v13, v7;
	v14 =	vadd.f32 v9, v8  }
0x416: {  	s26 =	sadd.s32 $0x1, s5;
	v8 =	vld [tilespmem:s20+$0xE290]  }
0x417: {  	v7 =	vld [tilespmem:s20+$0x62A0];
	v11 =	vmul.f32 v11, v10;
	v16 =	vperm.xlane v14, v2;
	v10 =	vmov s26  }
0x418: {  	v9 =	vld [tilespmem:s20+$0xE2A0];
	v17 =	vadd.s32 $0x1C0, v10  }
0x419: {  	v10 =	vld [tilespmem:s20+$0x62B0];
	v18 =	vadd.f32 v11, v12;
	v16 =	vadd.f32 v14, v16;
	v19 =	vbroadcast v17, $0x0  }
0x41a: {  	v12 =	vld [tilespmem:s20+$0xE2B0]  }
0x41b: {  	v11 =	vld [tilespmem:s20+$0x62C0];
	v17 =	vadd.f32 v18, v13;
	v18 =	vperm.xlane v16, v3  }
0x41c: {  	v13 =	vld [tilespmem:s20+$0xE2C0]  }
.Ltmp7:
0x41d: {  	v14 =	vld [tilespmem:s20+$0x62D0];
	v15 =	vadd.f32 v17, v15;
	v18 =	vadd.f32 v16, v18;
	(pc) =	sbr.rel @p0 .LBB2_16-.Ltmp7, $4  }
0x41e: {  	v17 =	vld [tilespmem:s20+$0xE2D0]  }
0x41f: {  	v16 =	vld [tilespmem:s20+$0x62E0];
	v20 =	vperm.xlane v15, v0;
	[tilespmem:v19+s23+$0x0] =	vst.idx.msk $0x1, v18  }
0x420: {  	v18 =	vld [tilespmem:s20+$0xE2E0]  }
0x421: {  	s6 =	sadd.s32 $0x2, s6;
	v19 =	vld [tilespmem:s20+$0x62F0];
	v15 =	vadd.f32 v15, v20  }
0x422: {  	v20 =	vld [tilespmem:s20+$0xE2F0]  }
0x423: {  	v21 =	vld [tilespmem:s20+$0x6200]  }
0x424: {  	v22 =	vld [tilespmem:s20+$0xE200]  }
0x425: {  	v23 =	vld [tilespmem:s20+$0x6210]  }
0x426: {  	v24 =	vld [tilespmem:s20+$0xE210]  }
0x427: {  	v25 =	vld [tilespmem:s20+$0x6220]  }
0x428: {  	v26 =	vld [tilespmem:s20+$0xE220]  }
0x429: {  	v27 =	vld [tilespmem:s20+$0x6230]  }
0x42a: {  	v28 =	vld [tilespmem:s20+$0xE230]  }
0x42b: {  	v29 =	vld [tilespmem:s20+$0x6240]  }
0x42c: {  	v30 =	vld [tilespmem:s20+$0xE240]  }
0x42d: {  	v31 =	vld [tilespmem:s20+$0x6250]  }
0x42e: {  	v32 =	vld [tilespmem:s20+$0xE250]  }
0x42f: {  	v33 =	vld [tilespmem:s20+$0x6260]  }
0x430: {  	v4 =	vmul.f32 v5, v4;
	v5 =	vmul.f32 v8, v6;
	v34 =	vld [tilespmem:s20+$0xE260]  }
0x431: {  	v7 =	vmul.f32 v9, v7;
	v35 =	vmul.f32 v12, v10;
	v36 =	vld [tilespmem:s20+$0x6270]  }
0x432: {  	v37 =	vmul.f32 v13, v11;
	v39 =	vld [tilespmem:s20+$0xE270];
	v38 =	vmul.f32 v17, v14  }
0x433: {  	v40 =	vmul.f32 v18, v16;
	v41 =	vmul.f32 v20, v19  }
0x434: {  	v4 =	vadd.f32 v5, v4;
	v5 =	vmul.f32 v22, v21;
	v42 =	vmul.f32 v24, v23  }
0x435: {  	v7 =	vadd.f32 v35, v7;
	v43 =	vmul.f32 v26, v25;
	v44 =	vmul.f32 v28, v27  }
0x436: {  	v10 =	vadd.f32 v38, v37;
	v45 =	vmul.f32 v30, v29;
	v46 =	vmul.f32 v32, v31  }
0x437: {  	v6 =	vmul.f32 v34, v33;
	v9 =	vmul.f32 v39, v36;
	v13 =	vadd.f32 v41, v40  }
0x438: {  	v5 =	vadd.f32 v42, v5;
	v8 =	vadd.f32 v44, v43  }
0x439: {  	v11 =	vadd.f32 v46, v45;
	v6 =	vadd.f32 v9, v6  }
0x43a: {  	v4 =	vadd.f32 v7, v4;
	v47 =	vadd.f32 v13, v10  }
0x43b: {  	v5 =	vadd.f32 v8, v5;
	v6 =	vadd.f32 v6, v11  }
0x43c: {  	v4 =	vadd.f32 v47, v4  }
0x43d: {  	v5 =	vadd.f32 v6, v5  }
0x43e: {  	v48 =	vperm.xlane v4, v0  }
0x43f: {  	v50 =	vperm.xlane v5, v0  }
0x440: {  	v4 =	vadd.f32 v4, v48  }
0x441: {  	v49 =	vperm.xlane v15, v1;
	v5 =	vadd.f32 v5, v50  }
0x442: {  	v52 =	vmov s5;
	v53 =	vperm.xlane v4, v1  }
0x443: {  	s26 =	sadd.s32 $0x1, s19;
	v57 =	vmov s19;
	v51 =	vadd.f32 v15, v49;
	v55 =	vperm.xlane v5, v1  }
0x444: {  	v56 =	vmov s26;
	v7 =	vadd.s32 $0x1C0, v52;
	v4 =	vadd.f32 v4, v53  }
0x445: {  	v54 =	vperm.xlane v51, v2;
	v7 =	vand.u32 $0xFFFFFFFE, v7;
	v5 =	vadd.f32 v5, v55  }
0x446: {  	v7 =	vbroadcast v7, $0x0;
	v9 =	vadd.s32 $0x1C0, v56;
	v8 =	vperm.xlane v4, v2  }
0x447: {  	v10 =	vadd.s32 $0x1C0, v57;
	v6 =	vadd.f32 v51, v54;
	v58 =	vperm.xlane v5, v2  }
0x448: {  	v59 =	vbroadcast v9, $0x0;
	v60 =	vand.u32 $0xFFFFFFFE, v10;
	v4 =	vadd.f32 v4, v8  }
0x449: {  	v9 =	vbroadcast v60, $0x0;
	v61 =	vperm.xlane v6, v3;
	v5 =	vadd.f32 v5, v58  }
0x44a: {  	v62 =	vperm.xlane v4, v3  }
0x44b: {  	v6 =	vadd.f32 v6, v61;
	v63 =	vperm.xlane v5, v3  }
0x44c: {  	v4 =	vadd.f32 v4, v62  }
0x44d: {  	s18 =	sadd.s32 $0x1, s18;
	[tilespmem:v7+s23+$0x0] =	vst.idx.msk $0x1, v6;
	v5 =	vadd.f32 v5, v63  }
0x44e: {  	p0 =	sne.s32 s18, s14;
	[tilespmem:v59+s23+$0x0] =	vst.idx.msk $0x1, v4  }
.Ltmp8:
0x44f: {  	[tilespmem:v9+s23+$0x0] =	vst.idx.msk $0x1, v5;
	(pc) =	sbr.rel @p0 .LBB2_1-.Ltmp8, $4  }
0x450: {  	[hbm4b:s13+s3] =	stream.linear.scatter [tilespmem:s23], [sflag:$0x9], $0x200, $0x38;
	[tilespmem:$0x10400] =	vst v63  }
0x451: {  	_ =	swait.ge [sflag:s16], $0x200  }
0x452: {  	[sflag:s16] =	ssyncset.done $0x0  }
0x453: {  	[sflag:s16] =	ssyncadd.s32 $0xFFFFFE00  }
0x454: {  	_ =	sfence.sel $0x180000  }
0x455: {  	[bflag:$0x0] =	sbarrier.arrive $0xFFFF  }
0x456: {  	_ =	strace $0x90000047  }
0x457: {  	s0 =	stileid.u32;
	[bflag:$0x2] =	sbarrier.arrive $0xFFFF  }
0x458: {  	p0 =	sne.s32 s0, $0x0;
	s0 =	rddreg [dreg:$0x4]  }
0x459: {  	s0 =	sadd.s32 @!p0 $0x100000, s0  }
0x45a: {  	[sflag:s0] =	ssyncadd.tile.s32 @!p0 $0x1;
	_ =	shalt  }
.Lfunc_end2:
_tile_overlayer_lowered:
.L_overlay_start_2:
0x45b: {  	(tag) =	ssettag $0x2  }
0x45c: {  	s0 =	rddreg [dreg:$0x0];
	s2 =	stileid.u32  }
0x45d: {  	s1 =	rddreg [dreg:$0x1];
	p0 =	sne.s32 s2, $0x0  }
0x45e: {  	s3 =	rddreg [dreg:$0x2];
	[bflag:$0x3] =	sbarrier.arrive $0xFFFF;
	s2 =	simm.s32 @!p0 $0x1C09  }
0x45f: {  	[timem:s3], [sflag:s2] =	dma.local @!p0 [hbm:s0], s1  }
0x460: {  	s0 =	simm.s32 @!p0 $0x9  }
0x461: {  	_ =	swait.ge @!p0 [sflag:s0], s1  }
0x462: {  	s1 =	ssub.s32 @!p0 $0x0, s1;
	[sflag:s0] =	ssyncset.done @!p0 $0x0  }
0x463: {  	[sflag:s0] =	ssyncadd.s32 @!p0 s1  }
0x464: {  	[bflag:$0x3] =	sbarrier.arrive $0xFFFF  }
0x465: {  	_ =	shalt  }

</sc_bundles>
